<compile_context>
chip_gen: v7x
topology: tpu7x:2x2x1
jax: 0.10.2.dev20260603
libtpu: 0.0.44.dev20260713+nightly
codegen_flags: <defaults>
</compile_context>

<pallas_src>
import functools

import jax
import jax.numpy as jnp
from jax import lax
from jax.experimental import pallas as pl
from jax.experimental.pallas import tpu as pltpu
from jax.experimental.pallas import tpu_sc as plsc

VOCAB = 400001
EMBED_DIM = 200
PAD_DIM = 256
BATCH = 4096
SEQ = 20
NUM_IDX = BATCH * SEQ
NUM_WORKERS = 32
ROWS_PER_WORKER = NUM_IDX // NUM_WORKERS
CHUNK = 128
NUM_CHUNKS = ROWS_PER_WORKER // CHUNK

VB = 8192
NBLK = (VOCAB + VB - 1) // VB

_mesh = plsc.VectorSubcoreMesh(core_axis_name="c", subcore_axis_name="s")


def _tr_body(in_ref, out_ref):
    t = in_ref[...].T
    out_ref[...] = jnp.concatenate(
        [t, jnp.zeros((VB, PAD_DIM - EMBED_DIM), jnp.float32)], axis=1)


_transpose_pad = pl.pallas_call(
    _tr_body,
    grid=(NBLK,),
    in_specs=[pl.BlockSpec((EMBED_DIM, VB), lambda j: (0, j))],
    out_specs=pl.BlockSpec((VB, PAD_DIM), lambda j: (j, 0)),
    out_shape=jax.ShapeDtypeStruct((VOCAB, PAD_DIM), jnp.float32),
)


@functools.partial(
    pl.kernel,
    mesh=_mesh,
    out_type=jax.ShapeDtypeStruct((NUM_IDX, PAD_DIM), jnp.float32),
    compiler_params=pltpu.CompilerParams(use_tc_tiling_on_sc=True),
    scratch_types=[
        pltpu.VMEM((ROWS_PER_WORKER,), jnp.int32),
        pltpu.VMEM((CHUNK, PAD_DIM), jnp.float32),
        pltpu.VMEM((CHUNK, PAD_DIM), jnp.float32),
        pltpu.SemaphoreType.DMA,
        pltpu.SemaphoreType.DMA,
    ],
)
def _embed_gather(idx_hbm, table_hbm, out_hbm, idx_v, buf0, buf1, sem0, sem1):
    wid = lax.axis_index("s") * 2 + lax.axis_index("c")
    base = wid * ROWS_PER_WORKER
    pltpu.sync_copy(idx_hbm.at[pl.ds(base, ROWS_PER_WORKER)], idx_v)

    bufs = (buf0, buf1)
    sems = (sem0, sem1)

    def start(j):
        isl = idx_v.at[pl.ds(j * CHUNK, CHUNK)]
        return pltpu.async_copy(table_hbm.at[isl], bufs[j % 2], sems[j % 2])

    copies = [None, None]
    copies[0] = start(0)
    for j in range(NUM_CHUNKS):
        if j + 1 < NUM_CHUNKS:
            copies[(j + 1) % 2] = start(j + 1)
        copies[j % 2].wait()
        pltpu.sync_copy(bufs[j % 2],
                        out_hbm.at[pl.ds(base + j * CHUNK, CHUNK)])


def kernel(x, table):
    idx = x.reshape(NUM_IDX).astype(jnp.int32)
    tpad = _transpose_pad(table.T)
    out = _embed_gather(idx, tpad)
    return out.reshape(BATCH, SEQ, PAD_DIM)[:, :, :EMBED_DIM]

# --- scband reference (transcript-rebuilt; emitter-appended) ---
"""Pipeline reference for scband-embedder-57320633532829 (READ-ONLY COPY).

The authoritative reference and input builder live on the scoring server;
editing this copy changes nothing except your own understanding.
"""

import jax, jax.numpy as jnp
import numpy as np

VOCAB = 400001  # GloVe 6B 400k words + <UNK>
EMBED_DIM = 200
BATCH = 4096
SEQ = 20

def setup_inputs(seed: int = 0) -> dict:
    key = jax.random.key(seed)
    k_idx, k_tab = jax.random.split(key)
    x = jax.random.randint(k_idx, (BATCH, SEQ), 0, VOCAB, dtype=jnp.int64 if jax.config.jax_enable_x64 else jnp.int32)
    # Embedding table stands in for the GloVe matrix loaded from file in the torch module.
    table = jax.random.normal(k_tab, (VOCAB, EMBED_DIM), dtype=jnp.float32)
    # Last row corresponds to <UNK> which the torch module sets to zeros.
    table = table.at[VOCAB - 1].set(0.0)
    return {"x": x, "table": table}

def reference(x, table):
    # The torch forward maps string tokens -> integer indices via a python dict;
    # here x is already the resulting integer index tensor (same math downstream).
    y = jnp.take(table, x, axis=0)  # embedding lookup: [B, S, D]
    # Dropout(p=0.2) in eval mode is the identity (deterministic reference).
    return y

if __name__ == "__main__":
    import jax
    _d = setup_inputs()
    print(jax.jit(kernel)(*tuple(_d.values())))

</pallas_src>

<mosaic_0001>
#map = affine_map<(d0, d1) -> (0)>
#map1 = affine_map<(d0, d1) -> (0, 0)>
module attributes {stable_mosaic.version = 14 : i64} {
  func.func @_embed_gather(%arg0: i32, %arg1: i32, %arg2: memref<81920xi32, #tpu.memory_space<hbm>>, %arg3: memref<400001x256xf32, #tpu.memory_space<hbm>>, %arg4: memref<81920x256xf32, #tpu.memory_space<hbm>>, %arg5: memref<2560xi32, #tpu.memory_space<vmem>>, %arg6: memref<128x256xf32, #tpu.memory_space<vmem>>, %arg7: memref<128x256xf32, #tpu.memory_space<vmem>>, %arg8: memref<!tpu.dma_semaphore, #tpu.memory_space<semaphore_mem>>, %arg9: memref<!tpu.dma_semaphore, #tpu.memory_space<semaphore_mem>>) attributes {dimension_semantics = [#tpu.dimension_semantics<core_parallel>, #tpu.dimension_semantics<subcore_parallel>], iteration_bounds = array<i64: 2, 16>, scalar_prefetch = 0 : i64, scratch_operands = 5 : i64, tpu.core_type = #tpu.core_type<sc_vector_subcore>, window_params = [{transform_indices = #map}, {transform_indices = #map1}, {transform_indices = #map1}]} {
    %mul3A = arith.constant 2 : i32
    %mul3A_0 = arith.muli %arg1, %mul3A : i32
    %add3A = arith.addi %mul3A_0, %arg0 : i32
    %mul3A_1 = arith.constant 2560 : i32
    %mul3A_2 = arith.muli %add3A, %mul3A_1 : i32
    "tpu.region"() ({
      %run_scoped3A = tpu.sem_alloc : memref<!tpu.dma_semaphore, #tpu.memory_space<semaphore_mem>>
      %dma_start3A_241 = tpu.memref_slice %arg2[%mul3A_2] : memref<81920xi32, #tpu.memory_space<hbm>> -> memref<2560xi32, #tpu.memory_space<hbm>>
      %dma_start3A_242 = tpu.memref_slice %arg2[%mul3A_2] : memref<81920xi32, #tpu.memory_space<hbm>> -> memref<2560xi32, #tpu.memory_space<hbm>>
      tpu.enqueue_dma source(%dma_start3A_242 : memref<2560xi32, #tpu.memory_space<hbm>>) target(%arg5 : memref<2560xi32, #tpu.memory_space<vmem>>) target_semaphore(%run_scoped3A : memref<!tpu.dma_semaphore, #tpu.memory_space<semaphore_mem>>)
      %dma_wait3A_243 = tpu.memref_slice %arg2[%mul3A_2] : memref<81920xi32, #tpu.memory_space<hbm>> -> memref<2560xi32, #tpu.memory_space<hbm>>
      %dma_wait3A_244 = tpu.memref_slice %arg2[%mul3A_2] : memref<81920xi32, #tpu.memory_space<hbm>> -> memref<2560xi32, #tpu.memory_space<hbm>>
      tpu.wait_dma2 semaphore(%run_scoped3A : memref<!tpu.dma_semaphore, #tpu.memory_space<semaphore_mem>>) src(%dma_wait3A_244 : memref<2560xi32, #tpu.memory_space<hbm>>) dst(%arg5 : memref<2560xi32, #tpu.memory_space<vmem>>)
      tpu.yield
    }) : () -> ()
    %dma_start3A = arith.constant 0 : i32
    %dma_start3A_3 = tpu.memref_slice %arg5[%dma_start3A] : memref<2560xi32, #tpu.memory_space<vmem>> -> memref<128xi32, #tpu.memory_space<vmem>>
    %dma_start3A_4 = arith.constant 0 : i32
    %dma_start3A_5 = arith.constant 0 : i32
    %dma_start3A_6 = tpu.memref_slice %arg3[%dma_start3A_4, %dma_start3A_5] : memref<400001x256xf32, #tpu.memory_space<hbm>> -> memref<400001x256xf32, #tpu.memory_space<hbm>>
    tpu.enqueue_indirect_dma source(%dma_start3A_6 : memref<400001x256xf32, #tpu.memory_space<hbm>>) target(%arg6 : memref<128x256xf32, #tpu.memory_space<vmem>>) offsets(%dma_start3A_3 : memref<128xi32, #tpu.memory_space<vmem>>) semaphore(%arg8 : memref<!tpu.dma_semaphore, #tpu.memory_space<semaphore_mem>>)
    %dma_start3A_7 = arith.constant 128 : i32
    %dma_start3A_8 = tpu.memref_slice %arg5[%dma_start3A_7] : memref<2560xi32, #tpu.memory_space<vmem>> -> memref<128xi32, #tpu.memory_space<vmem>>
    %dma_start3A_9 = arith.constant 0 : i32
    %dma_start3A_10 = arith.constant 0 : i32
    %dma_start3A_11 = tpu.memref_slice %arg3[%dma_start3A_9, %dma_start3A_10] : memref<400001x256xf32, #tpu.memory_space<hbm>> -> memref<400001x256xf32, #tpu.memory_space<hbm>>
    tpu.enqueue_indirect_dma source(%dma_start3A_11 : memref<400001x256xf32, #tpu.memory_space<hbm>>) target(%arg7 : memref<128x256xf32, #tpu.memory_space<vmem>>) offsets(%dma_start3A_8 : memref<128xi32, #tpu.memory_space<vmem>>) semaphore(%arg9 : memref<!tpu.dma_semaphore, #tpu.memory_space<semaphore_mem>>)
    %dma_wait3A = arith.constant 0 : i32
    %dma_wait3A_12 = tpu.memref_slice %arg5[%dma_wait3A] : memref<2560xi32, #tpu.memory_space<vmem>> -> memref<128xi32, #tpu.memory_space<vmem>>
    %dma_wait3A_13 = arith.constant 0 : i32
    %dma_wait3A_14 = arith.constant 0 : i32
    %dma_wait3A_15 = tpu.memref_slice %arg3[%dma_wait3A_13, %dma_wait3A_14] : memref<400001x256xf32, #tpu.memory_space<hbm>> -> memref<400001x256xf32, #tpu.memory_space<hbm>>
    tpu.wait_indirect_dma semaphore(%arg8 : memref<!tpu.dma_semaphore, #tpu.memory_space<semaphore_mem>>) src(%dma_wait3A_15 : memref<400001x256xf32, #tpu.memory_space<hbm>>) dst(%arg6 : memref<128x256xf32, #tpu.memory_space<vmem>>)
    %add3A_16 = arith.constant 0 : i32
    %add3A_17 = arith.addi %mul3A_2, %add3A_16 : i32
    "tpu.region"() ({
      %run_scoped3A = tpu.sem_alloc : memref<!tpu.dma_semaphore, #tpu.memory_space<semaphore_mem>>
      %dma_start3A_241 = arith.constant 0 : i32
      %dma_start3A_242 = tpu.memref_slice %arg4[%add3A_17, %dma_start3A_241] : memref<81920x256xf32, #tpu.memory_space<hbm>> -> memref<128x256xf32, #tpu.memory_space<hbm>>
      %dma_start3A_243 = arith.constant 0 : i32
      %dma_start3A_244 = tpu.memref_slice %arg4[%add3A_17, %dma_start3A_243] : memref<81920x256xf32, #tpu.memory_space<hbm>> -> memref<128x256xf32, #tpu.memory_space<hbm>>
      tpu.enqueue_dma source(%arg6 : memref<128x256xf32, #tpu.memory_space<vmem>>) target(%dma_start3A_244 : memref<128x256xf32, #tpu.memory_space<hbm>>) target_semaphore(%run_scoped3A : memref<!tpu.dma_semaphore, #tpu.memory_space<semaphore_mem>>)
      %dma_wait3A_245 = arith.constant 0 : i32
      %dma_wait3A_246 = tpu.memref_slice %arg4[%add3A_17, %dma_wait3A_245] : memref<81920x256xf32, #tpu.memory_space<hbm>> -> memref<128x256xf32, #tpu.memory_space<hbm>>
      %dma_wait3A_247 = arith.constant 0 : i32
      %dma_wait3A_248 = tpu.memref_slice %arg4[%add3A_17, %dma_wait3A_247] : memref<81920x256xf32, #tpu.memory_space<hbm>> -> memref<128x256xf32, #tpu.memory_space<hbm>>
      tpu.wait_dma2 semaphore(%run_scoped3A : memref<!tpu.dma_semaphore, #tpu.memory_space<semaphore_mem>>) src(%arg6 : memref<128x256xf32, #tpu.memory_space<vmem>>) dst(%dma_wait3A_248 : memref<128x256xf32, #tpu.memory_space<hbm>>)
      tpu.yield
    }) : () -> ()
    %dma_start3A_18 = arith.constant 256 : i32
    %dma_start3A_19 = tpu.memref_slice %arg5[%dma_start3A_18] : memref<2560xi32, #tpu.memory_space<vmem>> -> memref<128xi32, #tpu.memory_space<vmem>>
    %dma_start3A_20 = arith.constant 0 : i32
    %dma_start3A_21 = arith.constant 0 : i32
    %dma_start3A_22 = tpu.memref_slice %arg3[%dma_start3A_20, %dma_start3A_21] : memref<400001x256xf32, #tpu.memory_space<hbm>> -> memref<400001x256xf32, #tpu.memory_space<hbm>>
    tpu.enqueue_indirect_dma source(%dma_start3A_22 : memref<400001x256xf32, #tpu.memory_space<hbm>>) target(%arg6 : memref<128x256xf32, #tpu.memory_space<vmem>>) offsets(%dma_start3A_19 : memref<128xi32, #tpu.memory_space<vmem>>) semaphore(%arg8 : memref<!tpu.dma_semaphore, #tpu.memory_space<semaphore_mem>>)
    %dma_wait3A_23 = arith.constant 128 : i32
    %dma_wait3A_24 = tpu.memref_slice %arg5[%dma_wait3A_23] : memref<2560xi32, #tpu.memory_space<vmem>> -> memref<128xi32, #tpu.memory_space<vmem>>
    %dma_wait3A_25 = arith.constant 0 : i32
    %dma_wait3A_26 = arith.constant 0 : i32
    %dma_wait3A_27 = tpu.memref_slice %arg3[%dma_wait3A_25, %dma_wait3A_26] : memref<400001x256xf32, #tpu.memory_space<hbm>> -> memref<400001x256xf32, #tpu.memory_space<hbm>>
    tpu.wait_indirect_dma semaphore(%arg9 : memref<!tpu.dma_semaphore, #tpu.memory_space<semaphore_mem>>) src(%dma_wait3A_27 : memref<400001x256xf32, #tpu.memory_space<hbm>>) dst(%arg7 : memref<128x256xf32, #tpu.memory_space<vmem>>)
    %add3A_28 = arith.constant 128 : i32
    %add3A_29 = arith.addi %mul3A_2, %add3A_28 : i32
    "tpu.region"() ({
      %run_scoped3A = tpu.sem_alloc : memref<!tpu.dma_semaphore, #tpu.memory_space<semaphore_mem>>
      %dma_start3A_241 = arith.constant 0 : i32
      %dma_start3A_242 = tpu.memref_slice %arg4[%add3A_29, %dma_start3A_241] : memref<81920x256xf32, #tpu.memory_space<hbm>> -> memref<128x256xf32, #tpu.memory_space<hbm>>
      %dma_start3A_243 = arith.constant 0 : i32
      %dma_start3A_244 = tpu.memref_slice %arg4[%add3A_29, %dma_start3A_243] : memref<81920x256xf32, #tpu.memory_space<hbm>> -> memref<128x256xf32, #tpu.memory_space<hbm>>
      tpu.enqueue_dma source(%arg7 : memref<128x256xf32, #tpu.memory_space<vmem>>) target(%dma_start3A_244 : memref<128x256xf32, #tpu.memory_space<hbm>>) target_semaphore(%run_scoped3A : memref<!tpu.dma_semaphore, #tpu.memory_space<semaphore_mem>>)
      %dma_wait3A_245 = arith.constant 0 : i32
      %dma_wait3A_246 = tpu.memref_slice %arg4[%add3A_29, %dma_wait3A_245] : memref<81920x256xf32, #tpu.memory_space<hbm>> -> memref<128x256xf32, #tpu.memory_space<hbm>>
      %dma_wait3A_247 = arith.constant 0 : i32
      %dma_wait3A_248 = tpu.memref_slice %arg4[%add3A_29, %dma_wait3A_247] : memref<81920x256xf32, #tpu.memory_space<hbm>> -> memref<128x256xf32, #tpu.memory_space<hbm>>
      tpu.wait_dma2 semaphore(%run_scoped3A : memref<!tpu.dma_semaphore, #tpu.memory_space<semaphore_mem>>) src(%arg7 : memref<128x256xf32, #tpu.memory_space<vmem>>) dst(%dma_wait3A_248 : memref<128x256xf32, #tpu.memory_space<hbm>>)
      tpu.yield
    }) : () -> ()
    %dma_start3A_30 = arith.constant 384 : i32
    %dma_start3A_31 = tpu.memref_slice %arg5[%dma_start3A_30] : memref<2560xi32, #tpu.memory_space<vmem>> -> memref<128xi32, #tpu.memory_space<vmem>>
    %dma_start3A_32 = arith.constant 0 : i32
    %dma_start3A_33 = arith.constant 0 : i32
    %dma_start3A_34 = tpu.memref_slice %arg3[%dma_start3A_32, %dma_start3A_33] : memref<400001x256xf32, #tpu.memory_space<hbm>> -> memref<400001x256xf32, #tpu.memory_space<hbm>>
    tpu.enqueue_indirect_dma source(%dma_start3A_34 : memref<400001x256xf32, #tpu.memory_space<hbm>>) target(%arg7 : memref<128x256xf32, #tpu.memory_space<vmem>>) offsets(%dma_start3A_31 : memref<128xi32, #tpu.memory_space<vmem>>) semaphore(%arg9 : memref<!tpu.dma_semaphore, #tpu.memory_space<semaphore_mem>>)
    %dma_wait3A_35 = arith.constant 256 : i32
    %dma_wait3A_36 = tpu.memref_slice %arg5[%dma_wait3A_35] : memref<2560xi32, #tpu.memory_space<vmem>> -> memref<128xi32, #tpu.memory_space<vmem>>
    %dma_wait3A_37 = arith.constant 0 : i32
    %dma_wait3A_38 = arith.constant 0 : i32
    %dma_wait3A_39 = tpu.memref_slice %arg3[%dma_wait3A_37, %dma_wait3A_38] : memref<400001x256xf32, #tpu.memory_space<hbm>> -> memref<400001x256xf32, #tpu.memory_space<hbm>>
    tpu.wait_indirect_dma semaphore(%arg8 : memref<!tpu.dma_semaphore, #tpu.memory_space<semaphore_mem>>) src(%dma_wait3A_39 : memref<400001x256xf32, #tpu.memory_space<hbm>>) dst(%arg6 : memref<128x256xf32, #tpu.memory_space<vmem>>)
    %add3A_40 = arith.constant 256 : i32
    %add3A_41 = arith.addi %mul3A_2, %add3A_40 : i32
    "tpu.region"() ({
      %run_scoped3A = tpu.sem_alloc : memref<!tpu.dma_semaphore, #tpu.memory_space<semaphore_mem>>
      %dma_start3A_241 = arith.constant 0 : i32
      %dma_start3A_242 = tpu.memref_slice %arg4[%add3A_41, %dma_start3A_241] : memref<81920x256xf32, #tpu.memory_space<hbm>> -> memref<128x256xf32, #tpu.memory_space<hbm>>
      %dma_start3A_243 = arith.constant 0 : i32
      %dma_start3A_244 = tpu.memref_slice %arg4[%add3A_41, %dma_start3A_243] : memref<81920x256xf32, #tpu.memory_space<hbm>> -> memref<128x256xf32, #tpu.memory_space<hbm>>
      tpu.enqueue_dma source(%arg6 : memref<128x256xf32, #tpu.memory_space<vmem>>) target(%dma_start3A_244 : memref<128x256xf32, #tpu.memory_space<hbm>>) target_semaphore(%run_scoped3A : memref<!tpu.dma_semaphore, #tpu.memory_space<semaphore_mem>>)
      %dma_wait3A_245 = arith.constant 0 : i32
      %dma_wait3A_246 = tpu.memref_slice %arg4[%add3A_41, %dma_wait3A_245] : memref<81920x256xf32, #tpu.memory_space<hbm>> -> memref<128x256xf32, #tpu.memory_space<hbm>>
      %dma_wait3A_247 = arith.constant 0 : i32
      %dma_wait3A_248 = tpu.memref_slice %arg4[%add3A_41, %dma_wait3A_247] : memref<81920x256xf32, #tpu.memory_space<hbm>> -> memref<128x256xf32, #tpu.memory_space<hbm>>
      tpu.wait_dma2 semaphore(%run_scoped3A : memref<!tpu.dma_semaphore, #tpu.memory_space<semaphore_mem>>) src(%arg6 : memref<128x256xf32, #tpu.memory_space<vmem>>) dst(%dma_wait3A_248 : memref<128x256xf32, #tpu.memory_space<hbm>>)
      tpu.yield
    }) : () -> ()
    %dma_start3A_42 = arith.constant 512 : i32
    %dma_start3A_43 = tpu.memref_slice %arg5[%dma_start3A_42] : memref<2560xi32, #tpu.memory_space<vmem>> -> memref<128xi32, #tpu.memory_space<vmem>>
    %dma_start3A_44 = arith.constant 0 : i32
    %dma_start3A_45 = arith.constant 0 : i32
    %dma_start3A_46 = tpu.memref_slice %arg3[%dma_start3A_44, %dma_start3A_45] : memref<400001x256xf32, #tpu.memory_space<hbm>> -> memref<400001x256xf32, #tpu.memory_space<hbm>>
    tpu.enqueue_indirect_dma source(%dma_start3A_46 : memref<400001x256xf32, #tpu.memory_space<hbm>>) target(%arg6 : memref<128x256xf32, #tpu.memory_space<vmem>>) offsets(%dma_start3A_43 : memref<128xi32, #tpu.memory_space<vmem>>) semaphore(%arg8 : memref<!tpu.dma_semaphore, #tpu.memory_space<semaphore_mem>>)
    %dma_wait3A_47 = arith.constant 384 : i32
    %dma_wait3A_48 = tpu.memref_slice %arg5[%dma_wait3A_47] : memref<2560xi32, #tpu.memory_space<vmem>> -> memref<128xi32, #tpu.memory_space<vmem>>
    %dma_wait3A_49 = arith.constant 0 : i32
    %dma_wait3A_50 = arith.constant 0 : i32
    %dma_wait3A_51 = tpu.memref_slice %arg3[%dma_wait3A_49, %dma_wait3A_50] : memref<400001x256xf32, #tpu.memory_space<hbm>> -> memref<400001x256xf32, #tpu.memory_space<hbm>>
    tpu.wait_indirect_dma semaphore(%arg9 : memref<!tpu.dma_semaphore, #tpu.memory_space<semaphore_mem>>) src(%dma_wait3A_51 : memref<400001x256xf32, #tpu.memory_space<hbm>>) dst(%arg7 : memref<128x256xf32, #tpu.memory_space<vmem>>)
    %add3A_52 = arith.constant 384 : i32
    %add3A_53 = arith.addi %mul3A_2, %add3A_52 : i32
    "tpu.region"() ({
      %run_scoped3A = tpu.sem_alloc : memref<!tpu.dma_semaphore, #tpu.memory_space<semaphore_mem>>
      %dma_start3A_241 = arith.constant 0 : i32
      %dma_start3A_242 = tpu.memref_slice %arg4[%add3A_53, %dma_start3A_241] : memref<81920x256xf32, #tpu.memory_space<hbm>> -> memref<128x256xf32, #tpu.memory_space<hbm>>
      %dma_start3A_243 = arith.constant 0 : i32
      %dma_start3A_244 = tpu.memref_slice %arg4[%add3A_53, %dma_start3A_243] : memref<81920x256xf32, #tpu.memory_space<hbm>> -> memref<128x256xf32, #tpu.memory_space<hbm>>
      tpu.enqueue_dma source(%arg7 : memref<128x256xf32, #tpu.memory_space<vmem>>) target(%dma_start3A_244 : memref<128x256xf32, #tpu.memory_space<hbm>>) target_semaphore(%run_scoped3A : memref<!tpu.dma_semaphore, #tpu.memory_space<semaphore_mem>>)
      %dma_wait3A_245 = arith.constant 0 : i32
      %dma_wait3A_246 = tpu.memref_slice %arg4[%add3A_53, %dma_wait3A_245] : memref<81920x256xf32, #tpu.memory_space<hbm>> -> memref<128x256xf32, #tpu.memory_space<hbm>>
      %dma_wait3A_247 = arith.constant 0 : i32
      %dma_wait3A_248 = tpu.memref_slice %arg4[%add3A_53, %dma_wait3A_247] : memref<81920x256xf32, #tpu.memory_space<hbm>> -> memref<128x256xf32, #tpu.memory_space<hbm>>
      tpu.wait_dma2 semaphore(%run_scoped3A : memref<!tpu.dma_semaphore, #tpu.memory_space<semaphore_mem>>) src(%arg7 : memref<128x256xf32, #tpu.memory_space<vmem>>) dst(%dma_wait3A_248 : memref<128x256xf32, #tpu.memory_space<hbm>>)
      tpu.yield
    }) : () -> ()
    %dma_start3A_54 = arith.constant 640 : i32
    %dma_start3A_55 = tpu.memref_slice %arg5[%dma_start3A_54] : memref<2560xi32, #tpu.memory_space<vmem>> -> memref<128xi32, #tpu.memory_space<vmem>>
    %dma_start3A_56 = arith.constant 0 : i32
    %dma_start3A_57 = arith.constant 0 : i32
    %dma_start3A_58 = tpu.memref_slice %arg3[%dma_start3A_56, %dma_start3A_57] : memref<400001x256xf32, #tpu.memory_space<hbm>> -> memref<400001x256xf32, #tpu.memory_space<hbm>>
    tpu.enqueue_indirect_dma source(%dma_start3A_58 : memref<400001x256xf32, #tpu.memory_space<hbm>>) target(%arg7 : memref<128x256xf32, #tpu.memory_space<vmem>>) offsets(%dma_start3A_55 : memref<128xi32, #tpu.memory_space<vmem>>) semaphore(%arg9 : memref<!tpu.dma_semaphore, #tpu.memory_space<semaphore_mem>>)
    %dma_wait3A_59 = arith.constant 512 : i32
    %dma_wait3A_60 = tpu.memref_slice %arg5[%dma_wait3A_59] : memref<2560xi32, #tpu.memory_space<vmem>> -> memref<128xi32, #tpu.memory_space<vmem>>
    %dma_wait3A_61 = arith.constant 0 : i32
    %dma_wait3A_62 = arith.constant 0 : i32
    %dma_wait3A_63 = tpu.memref_slice %arg3[%dma_wait3A_61, %dma_wait3A_62] : memref<400001x256xf32, #tpu.memory_space<hbm>> -> memref<400001x256xf32, #tpu.memory_space<hbm>>
    tpu.wait_indirect_dma semaphore(%arg8 : memref<!tpu.dma_semaphore, #tpu.memory_space<semaphore_mem>>) src(%dma_wait3A_63 : memref<400001x256xf32, #tpu.memory_space<hbm>>) dst(%arg6 : memref<128x256xf32, #tpu.memory_space<vmem>>)
    %add3A_64 = arith.constant 512 : i32
    %add3A_65 = arith.addi %mul3A_2, %add3A_64 : i32
    "tpu.region"() ({
      %run_scoped3A = tpu.sem_alloc : memref<!tpu.dma_semaphore, #tpu.memory_space<semaphore_mem>>
      %dma_start3A_241 = arith.constant 0 : i32
      %dma_start3A_242 = tpu.memref_slice %arg4[%add3A_65, %dma_start3A_241] : memref<81920x256xf32, #tpu.memory_space<hbm>> -> memref<128x256xf32, #tpu.memory_space<hbm>>
      %dma_start3A_243 = arith.constant 0 : i32
      %dma_start3A_244 = tpu.memref_slice %arg4[%add3A_65, %dma_start3A_243] : memref<81920x256xf32, #tpu.memory_space<hbm>> -> memref<128x256xf32, #tpu.memory_space<hbm>>
      tpu.enqueue_dma source(%arg6 : memref<128x256xf32, #tpu.memory_space<vmem>>) target(%dma_start3A_244 : memref<128x256xf32, #tpu.memory_space<hbm>>) target_semaphore(%run_scoped3A : memref<!tpu.dma_semaphore, #tpu.memory_space<semaphore_mem>>)
      %dma_wait3A_245 = arith.constant 0 : i32
      %dma_wait3A_246 = tpu.memref_slice %arg4[%add3A_65, %dma_wait3A_245] : memref<81920x256xf32, #tpu.memory_space<hbm>> -> memref<128x256xf32, #tpu.memory_space<hbm>>
      %dma_wait3A_247 = arith.constant 0 : i32
      %dma_wait3A_248 = tpu.memref_slice %arg4[%add3A_65, %dma_wait3A_247] : memref<81920x256xf32, #tpu.memory_space<hbm>> -> memref<128x256xf32, #tpu.memory_space<hbm>>
      tpu.wait_dma2 semaphore(%run_scoped3A : memref<!tpu.dma_semaphore, #tpu.memory_space<semaphore_mem>>) src(%arg6 : memref<128x256xf32, #tpu.memory_space<vmem>>) dst(%dma_wait3A_248 : memref<128x256xf32, #tpu.memory_space<hbm>>)
      tpu.yield
    }) : () -> ()
    %dma_start3A_66 = arith.constant 768 : i32
    %dma_start3A_67 = tpu.memref_slice %arg5[%dma_start3A_66] : memref<2560xi32, #tpu.memory_space<vmem>> -> memref<128xi32, #tpu.memory_space<vmem>>
    %dma_start3A_68 = arith.constant 0 : i32
    %dma_start3A_69 = arith.constant 0 : i32
    %dma_start3A_70 = tpu.memref_slice %arg3[%dma_start3A_68, %dma_start3A_69] : memref<400001x256xf32, #tpu.memory_space<hbm>> -> memref<400001x256xf32, #tpu.memory_space<hbm>>
    tpu.enqueue_indirect_dma source(%dma_start3A_70 : memref<400001x256xf32, #tpu.memory_space<hbm>>) target(%arg6 : memref<128x256xf32, #tpu.memory_space<vmem>>) offsets(%dma_start3A_67 : memref<128xi32, #tpu.memory_space<vmem>>) semaphore(%arg8 : memref<!tpu.dma_semaphore, #tpu.memory_space<semaphore_mem>>)
    %dma_wait3A_71 = arith.constant 640 : i32
    %dma_wait3A_72 = tpu.memref_slice %arg5[%dma_wait3A_71] : memref<2560xi32, #tpu.memory_space<vmem>> -> memref<128xi32, #tpu.memory_space<vmem>>
    %dma_wait3A_73 = arith.constant 0 : i32
    %dma_wait3A_74 = arith.constant 0 : i32
    %dma_wait3A_75 = tpu.memref_slice %arg3[%dma_wait3A_73, %dma_wait3A_74] : memref<400001x256xf32, #tpu.memory_space<hbm>> -> memref<400001x256xf32, #tpu.memory_space<hbm>>
    tpu.wait_indirect_dma semaphore(%arg9 : memref<!tpu.dma_semaphore, #tpu.memory_space<semaphore_mem>>) src(%dma_wait3A_75 : memref<400001x256xf32, #tpu.memory_space<hbm>>) dst(%arg7 : memref<128x256xf32, #tpu.memory_space<vmem>>)
    %add3A_76 = arith.constant 640 : i32
    %add3A_77 = arith.addi %mul3A_2, %add3A_76 : i32
    "tpu.region"() ({
      %run_scoped3A = tpu.sem_alloc : memref<!tpu.dma_semaphore, #tpu.memory_space<semaphore_mem>>
      %dma_start3A_241 = arith.constant 0 : i32
      %dma_start3A_242 = tpu.memref_slice %arg4[%add3A_77, %dma_start3A_241] : memref<81920x256xf32, #tpu.memory_space<hbm>> -> memref<128x256xf32, #tpu.memory_space<hbm>>
      %dma_start3A_243 = arith.constant 0 : i32
      %dma_start3A_244 = tpu.memref_slice %arg4[%add3A_77, %dma_start3A_243] : memref<81920x256xf32, #tpu.memory_space<hbm>> -> memref<128x256xf32, #tpu.memory_space<hbm>>
      tpu.enqueue_dma source(%arg7 : memref<128x256xf32, #tpu.memory_space<vmem>>) target(%dma_start3A_244 : memref<128x256xf32, #tpu.memory_space<hbm>>) target_semaphore(%run_scoped3A : memref<!tpu.dma_semaphore, #tpu.memory_space<semaphore_mem>>)
      %dma_wait3A_245 = arith.constant 0 : i32
      %dma_wait3A_246 = tpu.memref_slice %arg4[%add3A_77, %dma_wait3A_245] : memref<81920x256xf32, #tpu.memory_space<hbm>> -> memref<128x256xf32, #tpu.memory_space<hbm>>
      %dma_wait3A_247 = arith.constant 0 : i32
      %dma_wait3A_248 = tpu.memref_slice %arg4[%add3A_77, %dma_wait3A_247] : memref<81920x256xf32, #tpu.memory_space<hbm>> -> memref<128x256xf32, #tpu.memory_space<hbm>>
      tpu.wait_dma2 semaphore(%run_scoped3A : memref<!tpu.dma_semaphore, #tpu.memory_space<semaphore_mem>>) src(%arg7 : memref<128x256xf32, #tpu.memory_space<vmem>>) dst(%dma_wait3A_248 : memref<128x256xf32, #tpu.memory_space<hbm>>)
      tpu.yield
    }) : () -> ()
    %dma_start3A_78 = arith.constant 896 : i32
    %dma_start3A_79 = tpu.memref_slice %arg5[%dma_start3A_78] : memref<2560xi32, #tpu.memory_space<vmem>> -> memref<128xi32, #tpu.memory_space<vmem>>
    %dma_start3A_80 = arith.constant 0 : i32
    %dma_start3A_81 = arith.constant 0 : i32
    %dma_start3A_82 = tpu.memref_slice %arg3[%dma_start3A_80, %dma_start3A_81] : memref<400001x256xf32, #tpu.memory_space<hbm>> -> memref<400001x256xf32, #tpu.memory_space<hbm>>
    tpu.enqueue_indirect_dma source(%dma_start3A_82 : memref<400001x256xf32, #tpu.memory_space<hbm>>) target(%arg7 : memref<128x256xf32, #tpu.memory_space<vmem>>) offsets(%dma_start3A_79 : memref<128xi32, #tpu.memory_space<vmem>>) semaphore(%arg9 : memref<!tpu.dma_semaphore, #tpu.memory_space<semaphore_mem>>)
    %dma_wait3A_83 = arith.constant 768 : i32
    %dma_wait3A_84 = tpu.memref_slice %arg5[%dma_wait3A_83] : memref<2560xi32, #tpu.memory_space<vmem>> -> memref<128xi32, #tpu.memory_space<vmem>>
    %dma_wait3A_85 = arith.constant 0 : i32
    %dma_wait3A_86 = arith.constant 0 : i32
    %dma_wait3A_87 = tpu.memref_slice %arg3[%dma_wait3A_85, %dma_wait3A_86] : memref<400001x256xf32, #tpu.memory_space<hbm>> -> memref<400001x256xf32, #tpu.memory_space<hbm>>
    tpu.wait_indirect_dma semaphore(%arg8 : memref<!tpu.dma_semaphore, #tpu.memory_space<semaphore_mem>>) src(%dma_wait3A_87 : memref<400001x256xf32, #tpu.memory_space<hbm>>) dst(%arg6 : memref<128x256xf32, #tpu.memory_space<vmem>>)
    %add3A_88 = arith.constant 768 : i32
    %add3A_89 = arith.addi %mul3A_2, %add3A_88 : i32
    "tpu.region"() ({
      %run_scoped3A = tpu.sem_alloc : memref<!tpu.dma_semaphore, #tpu.memory_space<semaphore_mem>>
      %dma_start3A_241 = arith.constant 0 : i32
      %dma_start3A_242 = tpu.memref_slice %arg4[%add3A_89, %dma_start3A_241] : memref<81920x256xf32, #tpu.memory_space<hbm>> -> memref<128x256xf32, #tpu.memory_space<hbm>>
      %dma_start3A_243 = arith.constant 0 : i32
      %dma_start3A_244 = tpu.memref_slice %arg4[%add3A_89, %dma_start3A_243] : memref<81920x256xf32, #tpu.memory_space<hbm>> -> memref<128x256xf32, #tpu.memory_space<hbm>>
      tpu.enqueue_dma source(%arg6 : memref<128x256xf32, #tpu.memory_space<vmem>>) target(%dma_start3A_244 : memref<128x256xf32, #tpu.memory_space<hbm>>) target_semaphore(%run_scoped3A : memref<!tpu.dma_semaphore, #tpu.memory_space<semaphore_mem>>)
      %dma_wait3A_245 = arith.constant 0 : i32
      %dma_wait3A_246 = tpu.memref_slice %arg4[%add3A_89, %dma_wait3A_245] : memref<81920x256xf32, #tpu.memory_space<hbm>> -> memref<128x256xf32, #tpu.memory_space<hbm>>
      %dma_wait3A_247 = arith.constant 0 : i32
      %dma_wait3A_248 = tpu.memref_slice %arg4[%add3A_89, %dma_wait3A_247] : memref<81920x256xf32, #tpu.memory_space<hbm>> -> memref<128x256xf32, #tpu.memory_space<hbm>>
      tpu.wait_dma2 semaphore(%run_scoped3A : memref<!tpu.dma_semaphore, #tpu.memory_space<semaphore_mem>>) src(%arg6 : memref<128x256xf32, #tpu.memory_space<vmem>>) dst(%dma_wait3A_248 : memref<128x256xf32, #tpu.memory_space<hbm>>)
      tpu.yield
    }) : () -> ()
    %dma_start3A_90 = arith.constant 1024 : i32
    %dma_start3A_91 = tpu.memref_slice %arg5[%dma_start3A_90] : memref<2560xi32, #tpu.memory_space<vmem>> -> memref<128xi32, #tpu.memory_space<vmem>>
    %dma_start3A_92 = arith.constant 0 : i32
    %dma_start3A_93 = arith.constant 0 : i32
    %dma_start3A_94 = tpu.memref_slice %arg3[%dma_start3A_92, %dma_start3A_93] : memref<400001x256xf32, #tpu.memory_space<hbm>> -> memref<400001x256xf32, #tpu.memory_space<hbm>>
    tpu.enqueue_indirect_dma source(%dma_start3A_94 : memref<400001x256xf32, #tpu.memory_space<hbm>>) target(%arg6 : memref<128x256xf32, #tpu.memory_space<vmem>>) offsets(%dma_start3A_91 : memref<128xi32, #tpu.memory_space<vmem>>) semaphore(%arg8 : memref<!tpu.dma_semaphore, #tpu.memory_space<semaphore_mem>>)
    %dma_wait3A_95 = arith.constant 896 : i32
    %dma_wait3A_96 = tpu.memref_slice %arg5[%dma_wait3A_95] : memref<2560xi32, #tpu.memory_space<vmem>> -> memref<128xi32, #tpu.memory_space<vmem>>
    %dma_wait3A_97 = arith.constant 0 : i32
    %dma_wait3A_98 = arith.constant 0 : i32
    %dma_wait3A_99 = tpu.memref_slice %arg3[%dma_wait3A_97, %dma_wait3A_98] : memref<400001x256xf32, #tpu.memory_space<hbm>> -> memref<400001x256xf32, #tpu.memory_space<hbm>>
    tpu.wait_indirect_dma semaphore(%arg9 : memref<!tpu.dma_semaphore, #tpu.memory_space<semaphore_mem>>) src(%dma_wait3A_99 : memref<400001x256xf32, #tpu.memory_space<hbm>>) dst(%arg7 : memref<128x256xf32, #tpu.memory_space<vmem>>)
    %add3A_100 = arith.constant 896 : i32
    %add3A_101 = arith.addi %mul3A_2, %add3A_100 : i32
    "tpu.region"() ({
      %run_scoped3A = tpu.sem_alloc : memref<!tpu.dma_semaphore, #tpu.memory_space<semaphore_mem>>
      %dma_start3A_241 = arith.constant 0 : i32
      %dma_start3A_242 = tpu.memref_slice %arg4[%add3A_101, %dma_start3A_241] : memref<81920x256xf32, #tpu.memory_space<hbm>> -> memref<128x256xf32, #tpu.memory_space<hbm>>
      %dma_start3A_243 = arith.constant 0 : i32
      %dma_start3A_244 = tpu.memref_slice %arg4[%add3A_101, %dma_start3A_243] : memref<81920x256xf32, #tpu.memory_space<hbm>> -> memref<128x256xf32, #tpu.memory_space<hbm>>
      tpu.enqueue_dma source(%arg7 : memref<128x256xf32, #tpu.memory_space<vmem>>) target(%dma_start3A_244 : memref<128x256xf32, #tpu.memory_space<hbm>>) target_semaphore(%run_scoped3A : memref<!tpu.dma_semaphore, #tpu.memory_space<semaphore_mem>>)
      %dma_wait3A_245 = arith.constant 0 : i32
      %dma_wait3A_246 = tpu.memref_slice %arg4[%add3A_101, %dma_wait3A_245] : memref<81920x256xf32, #tpu.memory_space<hbm>> -> memref<128x256xf32, #tpu.memory_space<hbm>>
      %dma_wait3A_247 = arith.constant 0 : i32
      %dma_wait3A_248 = tpu.memref_slice %arg4[%add3A_101, %dma_wait3A_247] : memref<81920x256xf32, #tpu.memory_space<hbm>> -> memref<128x256xf32, #tpu.memory_space<hbm>>
      tpu.wait_dma2 semaphore(%run_scoped3A : memref<!tpu.dma_semaphore, #tpu.memory_space<semaphore_mem>>) src(%arg7 : memref<128x256xf32, #tpu.memory_space<vmem>>) dst(%dma_wait3A_248 : memref<128x256xf32, #tpu.memory_space<hbm>>)
      tpu.yield
    }) : () -> ()
    %dma_start3A_102 = arith.constant 1152 : i32
    %dma_start3A_103 = tpu.memref_slice %arg5[%dma_start3A_102] : memref<2560xi32, #tpu.memory_space<vmem>> -> memref<128xi32, #tpu.memory_space<vmem>>
    %dma_start3A_104 = arith.constant 0 : i32
    %dma_start3A_105 = arith.constant 0 : i32
    %dma_start3A_106 = tpu.memref_slice %arg3[%dma_start3A_104, %dma_start3A_105] : memref<400001x256xf32, #tpu.memory_space<hbm>> -> memref<400001x256xf32, #tpu.memory_space<hbm>>
    tpu.enqueue_indirect_dma source(%dma_start3A_106 : memref<400001x256xf32, #tpu.memory_space<hbm>>) target(%arg7 : memref<128x256xf32, #tpu.memory_space<vmem>>) offsets(%dma_start3A_103 : memref<128xi32, #tpu.memory_space<vmem>>) semaphore(%arg9 : memref<!tpu.dma_semaphore, #tpu.memory_space<semaphore_mem>>)
    %dma_wait3A_107 = arith.constant 1024 : i32
    %dma_wait3A_108 = tpu.memref_slice %arg5[%dma_wait3A_107] : memref<2560xi32, #tpu.memory_space<vmem>> -> memref<128xi32, #tpu.memory_space<vmem>>
    %dma_wait3A_109 = arith.constant 0 : i32
    %dma_wait3A_110 = arith.constant 0 : i32
    %dma_wait3A_111 = tpu.memref_slice %arg3[%dma_wait3A_109, %dma_wait3A_110] : memref<400001x256xf32, #tpu.memory_space<hbm>> -> memref<400001x256xf32, #tpu.memory_space<hbm>>
    tpu.wait_indirect_dma semaphore(%arg8 : memref<!tpu.dma_semaphore, #tpu.memory_space<semaphore_mem>>) src(%dma_wait3A_111 : memref<400001x256xf32, #tpu.memory_space<hbm>>) dst(%arg6 : memref<128x256xf32, #tpu.memory_space<vmem>>)
    %add3A_112 = arith.constant 1024 : i32
    %add3A_113 = arith.addi %mul3A_2, %add3A_112 : i32
    "tpu.region"() ({
      %run_scoped3A = tpu.sem_alloc : memref<!tpu.dma_semaphore, #tpu.memory_space<semaphore_mem>>
      %dma_start3A_241 = arith.constant 0 : i32
      %dma_start3A_242 = tpu.memref_slice %arg4[%add3A_113, %dma_start3A_241] : memref<81920x256xf32, #tpu.memory_space<hbm>> -> memref<128x256xf32, #tpu.memory_space<hbm>>
      %dma_start3A_243 = arith.constant 0 : i32
      %dma_start3A_244 = tpu.memref_slice %arg4[%add3A_113, %dma_start3A_243] : memref<81920x256xf32, #tpu.memory_space<hbm>> -> memref<128x256xf32, #tpu.memory_space<hbm>>
      tpu.enqueue_dma source(%arg6 : memref<128x256xf32, #tpu.memory_space<vmem>>) target(%dma_start3A_244 : memref<128x256xf32, #tpu.memory_space<hbm>>) target_semaphore(%run_scoped3A : memref<!tpu.dma_semaphore, #tpu.memory_space<semaphore_mem>>)
      %dma_wait3A_245 = arith.constant 0 : i32
      %dma_wait3A_246 = tpu.memref_slice %arg4[%add3A_113, %dma_wait3A_245] : memref<81920x256xf32, #tpu.memory_space<hbm>> -> memref<128x256xf32, #tpu.memory_space<hbm>>
      %dma_wait3A_247 = arith.constant 0 : i32
      %dma_wait3A_248 = tpu.memref_slice %arg4[%add3A_113, %dma_wait3A_247] : memref<81920x256xf32, #tpu.memory_space<hbm>> -> memref<128x256xf32, #tpu.memory_space<hbm>>
      tpu.wait_dma2 semaphore(%run_scoped3A : memref<!tpu.dma_semaphore, #tpu.memory_space<semaphore_mem>>) src(%arg6 : memref<128x256xf32, #tpu.memory_space<vmem>>) dst(%dma_wait3A_248 : memref<128x256xf32, #tpu.memory_space<hbm>>)
      tpu.yield
    }) : () -> ()
    %dma_start3A_114 = arith.constant 1280 : i32
    %dma_start3A_115 = tpu.memref_slice %arg5[%dma_start3A_114] : memref<2560xi32, #tpu.memory_space<vmem>> -> memref<128xi32, #tpu.memory_space<vmem>>
    %dma_start3A_116 = arith.constant 0 : i32
    %dma_start3A_117 = arith.constant 0 : i32
    %dma_start3A_118 = tpu.memref_slice %arg3[%dma_start3A_116, %dma_start3A_117] : memref<400001x256xf32, #tpu.memory_space<hbm>> -> memref<400001x256xf32, #tpu.memory_space<hbm>>
    tpu.enqueue_indirect_dma source(%dma_start3A_118 : memref<400001x256xf32, #tpu.memory_space<hbm>>) target(%arg6 : memref<128x256xf32, #tpu.memory_space<vmem>>) offsets(%dma_start3A_115 : memref<128xi32, #tpu.memory_space<vmem>>) semaphore(%arg8 : memref<!tpu.dma_semaphore, #tpu.memory_space<semaphore_mem>>)
    %dma_wait3A_119 = arith.constant 1152 : i32
    %dma_wait3A_120 = tpu.memref_slice %arg5[%dma_wait3A_119] : memref<2560xi32, #tpu.memory_space<vmem>> -> memref<128xi32, #tpu.memory_space<vmem>>
    %dma_wait3A_121 = arith.constant 0 : i32
    %dma_wait3A_122 = arith.constant 0 : i32
    %dma_wait3A_123 = tpu.memref_slice %arg3[%dma_wait3A_121, %dma_wait3A_122] : memref<400001x256xf32, #tpu.memory_space<hbm>> -> memref<400001x256xf32, #tpu.memory_space<hbm>>
    tpu.wait_indirect_dma semaphore(%arg9 : memref<!tpu.dma_semaphore, #tpu.memory_space<semaphore_mem>>) src(%dma_wait3A_123 : memref<400001x256xf32, #tpu.memory_space<hbm>>) dst(%arg7 : memref<128x256xf32, #tpu.memory_space<vmem>>)
    %add3A_124 = arith.constant 1152 : i32
    %add3A_125 = arith.addi %mul3A_2, %add3A_124 : i32
    "tpu.region"() ({
      %run_scoped3A = tpu.sem_alloc : memref<!tpu.dma_semaphore, #tpu.memory_space<semaphore_mem>>
      %dma_start3A_241 = arith.constant 0 : i32
      %dma_start3A_242 = tpu.memref_slice %arg4[%add3A_125, %dma_start3A_241] : memref<81920x256xf32, #tpu.memory_space<hbm>> -> memref<128x256xf32, #tpu.memory_space<hbm>>
      %dma_start3A_243 = arith.constant 0 : i32
      %dma_start3A_244 = tpu.memref_slice %arg4[%add3A_125, %dma_start3A_243] : memref<81920x256xf32, #tpu.memory_space<hbm>> -> memref<128x256xf32, #tpu.memory_space<hbm>>
      tpu.enqueue_dma source(%arg7 : memref<128x256xf32, #tpu.memory_space<vmem>>) target(%dma_start3A_244 : memref<128x256xf32, #tpu.memory_space<hbm>>) target_semaphore(%run_scoped3A : memref<!tpu.dma_semaphore, #tpu.memory_space<semaphore_mem>>)
      %dma_wait3A_245 = arith.constant 0 : i32
      %dma_wait3A_246 = tpu.memref_slice %arg4[%add3A_125, %dma_wait3A_245] : memref<81920x256xf32, #tpu.memory_space<hbm>> -> memref<128x256xf32, #tpu.memory_space<hbm>>
      %dma_wait3A_247 = arith.constant 0 : i32
      %dma_wait3A_248 = tpu.memref_slice %arg4[%add3A_125, %dma_wait3A_247] : memref<81920x256xf32, #tpu.memory_space<hbm>> -> memref<128x256xf32, #tpu.memory_space<hbm>>
      tpu.wait_dma2 semaphore(%run_scoped3A : memref<!tpu.dma_semaphore, #tpu.memory_space<semaphore_mem>>) src(%arg7 : memref<128x256xf32, #tpu.memory_space<vmem>>) dst(%dma_wait3A_248 : memref<128x256xf32, #tpu.memory_space<hbm>>)
      tpu.yield
    }) : () -> ()
    %dma_start3A_126 = arith.constant 1408 : i32
    %dma_start3A_127 = tpu.memref_slice %arg5[%dma_start3A_126] : memref<2560xi32, #tpu.memory_space<vmem>> -> memref<128xi32, #tpu.memory_space<vmem>>
    %dma_start3A_128 = arith.constant 0 : i32
    %dma_start3A_129 = arith.constant 0 : i32
    %dma_start3A_130 = tpu.memref_slice %arg3[%dma_start3A_128, %dma_start3A_129] : memref<400001x256xf32, #tpu.memory_space<hbm>> -> memref<400001x256xf32, #tpu.memory_space<hbm>>
    tpu.enqueue_indirect_dma source(%dma_start3A_130 : memref<400001x256xf32, #tpu.memory_space<hbm>>) target(%arg7 : memref<128x256xf32, #tpu.memory_space<vmem>>) offsets(%dma_start3A_127 : memref<128xi32, #tpu.memory_space<vmem>>) semaphore(%arg9 : memref<!tpu.dma_semaphore, #tpu.memory_space<semaphore_mem>>)
    %dma_wait3A_131 = arith.constant 1280 : i32
    %dma_wait3A_132 = tpu.memref_slice %arg5[%dma_wait3A_131] : memref<2560xi32, #tpu.memory_space<vmem>> -> memref<128xi32, #tpu.memory_space<vmem>>
    %dma_wait3A_133 = arith.constant 0 : i32
    %dma_wait3A_134 = arith.constant 0 : i32
    %dma_wait3A_135 = tpu.memref_slice %arg3[%dma_wait3A_133, %dma_wait3A_134] : memref<400001x256xf32, #tpu.memory_space<hbm>> -> memref<400001x256xf32, #tpu.memory_space<hbm>>
    tpu.wait_indirect_dma semaphore(%arg8 : memref<!tpu.dma_semaphore, #tpu.memory_space<semaphore_mem>>) src(%dma_wait3A_135 : memref<400001x256xf32, #tpu.memory_space<hbm>>) dst(%arg6 : memref<128x256xf32, #tpu.memory_space<vmem>>)
    %add3A_136 = arith.constant 1280 : i32
    %add3A_137 = arith.addi %mul3A_2, %add3A_136 : i32
    "tpu.region"() ({
      %run_scoped3A = tpu.sem_alloc : memref<!tpu.dma_semaphore, #tpu.memory_space<semaphore_mem>>
      %dma_start3A_241 = arith.constant 0 : i32
      %dma_start3A_242 = tpu.memref_slice %arg4[%add3A_137, %dma_start3A_241] : memref<81920x256xf32, #tpu.memory_space<hbm>> -> memref<128x256xf32, #tpu.memory_space<hbm>>
      %dma_start3A_243 = arith.constant 0 : i32
      %dma_start3A_244 = tpu.memref_slice %arg4[%add3A_137, %dma_start3A_243] : memref<81920x256xf32, #tpu.memory_space<hbm>> -> memref<128x256xf32, #tpu.memory_space<hbm>>
      tpu.enqueue_dma source(%arg6 : memref<128x256xf32, #tpu.memory_space<vmem>>) target(%dma_start3A_244 : memref<128x256xf32, #tpu.memory_space<hbm>>) target_semaphore(%run_scoped3A : memref<!tpu.dma_semaphore, #tpu.memory_space<semaphore_mem>>)
      %dma_wait3A_245 = arith.constant 0 : i32
      %dma_wait3A_246 = tpu.memref_slice %arg4[%add3A_137, %dma_wait3A_245] : memref<81920x256xf32, #tpu.memory_space<hbm>> -> memref<128x256xf32, #tpu.memory_space<hbm>>
      %dma_wait3A_247 = arith.constant 0 : i32
      %dma_wait3A_248 = tpu.memref_slice %arg4[%add3A_137, %dma_wait3A_247] : memref<81920x256xf32, #tpu.memory_space<hbm>> -> memref<128x256xf32, #tpu.memory_space<hbm>>
      tpu.wait_dma2 semaphore(%run_scoped3A : memref<!tpu.dma_semaphore, #tpu.memory_space<semaphore_mem>>) src(%arg6 : memref<128x256xf32, #tpu.memory_space<vmem>>) dst(%dma_wait3A_248 : memref<128x256xf32, #tpu.memory_space<hbm>>)
      tpu.yield
    }) : () -> ()
    %dma_start3A_138 = arith.constant 1536 : i32
    %dma_start3A_139 = tpu.memref_slice %arg5[%dma_start3A_138] : memref<2560xi32, #tpu.memory_space<vmem>> -> memref<128xi32, #tpu.memory_space<vmem>>
    %dma_start3A_140 = arith.constant 0 : i32
    %dma_start3A_141 = arith.constant 0 : i32
    %dma_start3A_142 = tpu.memref_slice %arg3[%dma_start3A_140, %dma_start3A_141] : memref<400001x256xf32, #tpu.memory_space<hbm>> -> memref<400001x256xf32, #tpu.memory_space<hbm>>
    tpu.enqueue_indirect_dma source(%dma_start3A_142 : memref<400001x256xf32, #tpu.memory_space<hbm>>) target(%arg6 : memref<128x256xf32, #tpu.memory_space<vmem>>) offsets(%dma_start3A_139 : memref<128xi32, #tpu.memory_space<vmem>>) semaphore(%arg8 : memref<!tpu.dma_semaphore, #tpu.memory_space<semaphore_mem>>)
    %dma_wait3A_143 = arith.constant 1408 : i32
    %dma_wait3A_144 = tpu.memref_slice %arg5[%dma_wait3A_143] : memref<2560xi32, #tpu.memory_space<vmem>> -> memref<128xi32, #tpu.memory_space<vmem>>
    %dma_wait3A_145 = arith.constant 0 : i32
    %dma_wait3A_146 = arith.constant 0 : i32
    %dma_wait3A_147 = tpu.memref_slice %arg3[%dma_wait3A_145, %dma_wait3A_146] : memref<400001x256xf32, #tpu.memory_space<hbm>> -> memref<400001x256xf32, #tpu.memory_space<hbm>>
    tpu.wait_indirect_dma semaphore(%arg9 : memref<!tpu.dma_semaphore, #tpu.memory_space<semaphore_mem>>) src(%dma_wait3A_147 : memref<400001x256xf32, #tpu.memory_space<hbm>>) dst(%arg7 : memref<128x256xf32, #tpu.memory_space<vmem>>)
    %add3A_148 = arith.constant 1408 : i32
    %add3A_149 = arith.addi %mul3A_2, %add3A_148 : i32
    "tpu.region"() ({
      %run_scoped3A = tpu.sem_alloc : memref<!tpu.dma_semaphore, #tpu.memory_space<semaphore_mem>>
      %dma_start3A_241 = arith.constant 0 : i32
      %dma_start3A_242 = tpu.memref_slice %arg4[%add3A_149, %dma_start3A_241] : memref<81920x256xf32, #tpu.memory_space<hbm>> -> memref<128x256xf32, #tpu.memory_space<hbm>>
      %dma_start3A_243 = arith.constant 0 : i32
      %dma_start3A_244 = tpu.memref_slice %arg4[%add3A_149, %dma_start3A_243] : memref<81920x256xf32, #tpu.memory_space<hbm>> -> memref<128x256xf32, #tpu.memory_space<hbm>>
      tpu.enqueue_dma source(%arg7 : memref<128x256xf32, #tpu.memory_space<vmem>>) target(%dma_start3A_244 : memref<128x256xf32, #tpu.memory_space<hbm>>) target_semaphore(%run_scoped3A : memref<!tpu.dma_semaphore, #tpu.memory_space<semaphore_mem>>)
      %dma_wait3A_245 = arith.constant 0 : i32
      %dma_wait3A_246 = tpu.memref_slice %arg4[%add3A_149, %dma_wait3A_245] : memref<81920x256xf32, #tpu.memory_space<hbm>> -> memref<128x256xf32, #tpu.memory_space<hbm>>
      %dma_wait3A_247 = arith.constant 0 : i32
      %dma_wait3A_248 = tpu.memref_slice %arg4[%add3A_149, %dma_wait3A_247] : memref<81920x256xf32, #tpu.memory_space<hbm>> -> memref<128x256xf32, #tpu.memory_space<hbm>>
      tpu.wait_dma2 semaphore(%run_scoped3A : memref<!tpu.dma_semaphore, #tpu.memory_space<semaphore_mem>>) src(%arg7 : memref<128x256xf32, #tpu.memory_space<vmem>>) dst(%dma_wait3A_248 : memref<128x256xf32, #tpu.memory_space<hbm>>)
      tpu.yield
    }) : () -> ()
    %dma_start3A_150 = arith.constant 1664 : i32
    %dma_start3A_151 = tpu.memref_slice %arg5[%dma_start3A_150] : memref<2560xi32, #tpu.memory_space<vmem>> -> memref<128xi32, #tpu.memory_space<vmem>>
    %dma_start3A_152 = arith.constant 0 : i32
    %dma_start3A_153 = arith.constant 0 : i32
    %dma_start3A_154 = tpu.memref_slice %arg3[%dma_start3A_152, %dma_start3A_153] : memref<400001x256xf32, #tpu.memory_space<hbm>> -> memref<400001x256xf32, #tpu.memory_space<hbm>>
    tpu.enqueue_indirect_dma source(%dma_start3A_154 : memref<400001x256xf32, #tpu.memory_space<hbm>>) target(%arg7 : memref<128x256xf32, #tpu.memory_space<vmem>>) offsets(%dma_start3A_151 : memref<128xi32, #tpu.memory_space<vmem>>) semaphore(%arg9 : memref<!tpu.dma_semaphore, #tpu.memory_space<semaphore_mem>>)
    %dma_wait3A_155 = arith.constant 1536 : i32
    %dma_wait3A_156 = tpu.memref_slice %arg5[%dma_wait3A_155] : memref<2560xi32, #tpu.memory_space<vmem>> -> memref<128xi32, #tpu.memory_space<vmem>>
    %dma_wait3A_157 = arith.constant 0 : i32
    %dma_wait3A_158 = arith.constant 0 : i32
    %dma_wait3A_159 = tpu.memref_slice %arg3[%dma_wait3A_157, %dma_wait3A_158] : memref<400001x256xf32, #tpu.memory_space<hbm>> -> memref<400001x256xf32, #tpu.memory_space<hbm>>
    tpu.wait_indirect_dma semaphore(%arg8 : memref<!tpu.dma_semaphore, #tpu.memory_space<semaphore_mem>>) src(%dma_wait3A_159 : memref<400001x256xf32, #tpu.memory_space<hbm>>) dst(%arg6 : memref<128x256xf32, #tpu.memory_space<vmem>>)
    %add3A_160 = arith.constant 1536 : i32
    %add3A_161 = arith.addi %mul3A_2, %add3A_160 : i32
    "tpu.region"() ({
      %run_scoped3A = tpu.sem_alloc : memref<!tpu.dma_semaphore, #tpu.memory_space<semaphore_mem>>
      %dma_start3A_241 = arith.constant 0 : i32
      %dma_start3A_242 = tpu.memref_slice %arg4[%add3A_161, %dma_start3A_241] : memref<81920x256xf32, #tpu.memory_space<hbm>> -> memref<128x256xf32, #tpu.memory_space<hbm>>
      %dma_start3A_243 = arith.constant 0 : i32
      %dma_start3A_244 = tpu.memref_slice %arg4[%add3A_161, %dma_start3A_243] : memref<81920x256xf32, #tpu.memory_space<hbm>> -> memref<128x256xf32, #tpu.memory_space<hbm>>
      tpu.enqueue_dma source(%arg6 : memref<128x256xf32, #tpu.memory_space<vmem>>) target(%dma_start3A_244 : memref<128x256xf32, #tpu.memory_space<hbm>>) target_semaphore(%run_scoped3A : memref<!tpu.dma_semaphore, #tpu.memory_space<semaphore_mem>>)
      %dma_wait3A_245 = arith.constant 0 : i32
      %dma_wait3A_246 = tpu.memref_slice %arg4[%add3A_161, %dma_wait3A_245] : memref<81920x256xf32, #tpu.memory_space<hbm>> -> memref<128x256xf32, #tpu.memory_space<hbm>>
      %dma_wait3A_247 = arith.constant 0 : i32
      %dma_wait3A_248 = tpu.memref_slice %arg4[%add3A_161, %dma_wait3A_247] : memref<81920x256xf32, #tpu.memory_space<hbm>> -> memref<128x256xf32, #tpu.memory_space<hbm>>
      tpu.wait_dma2 semaphore(%run_scoped3A : memref<!tpu.dma_semaphore, #tpu.memory_space<semaphore_mem>>) src(%arg6 : memref<128x256xf32, #tpu.memory_space<vmem>>) dst(%dma_wait3A_248 : memref<128x256xf32, #tpu.memory_space<hbm>>)
      tpu.yield
    }) : () -> ()
    %dma_start3A_162 = arith.constant 1792 : i32
    %dma_start3A_163 = tpu.memref_slice %arg5[%dma_start3A_162] : memref<2560xi32, #tpu.memory_space<vmem>> -> memref<128xi32, #tpu.memory_space<vmem>>
    %dma_start3A_164 = arith.constant 0 : i32
    %dma_start3A_165 = arith.constant 0 : i32
    %dma_start3A_166 = tpu.memref_slice %arg3[%dma_start3A_164, %dma_start3A_165] : memref<400001x256xf32, #tpu.memory_space<hbm>> -> memref<400001x256xf32, #tpu.memory_space<hbm>>
    tpu.enqueue_indirect_dma source(%dma_start3A_166 : memref<400001x256xf32, #tpu.memory_space<hbm>>) target(%arg6 : memref<128x256xf32, #tpu.memory_space<vmem>>) offsets(%dma_start3A_163 : memref<128xi32, #tpu.memory_space<vmem>>) semaphore(%arg8 : memref<!tpu.dma_semaphore, #tpu.memory_space<semaphore_mem>>)
    %dma_wait3A_167 = arith.constant 1664 : i32
    %dma_wait3A_168 = tpu.memref_slice %arg5[%dma_wait3A_167] : memref<2560xi32, #tpu.memory_space<vmem>> -> memref<128xi32, #tpu.memory_space<vmem>>
    %dma_wait3A_169 = arith.constant 0 : i32
    %dma_wait3A_170 = arith.constant 0 : i32
    %dma_wait3A_171 = tpu.memref_slice %arg3[%dma_wait3A_169, %dma_wait3A_170] : memref<400001x256xf32, #tpu.memory_space<hbm>> -> memref<400001x256xf32, #tpu.memory_space<hbm>>
    tpu.wait_indirect_dma semaphore(%arg9 : memref<!tpu.dma_semaphore, #tpu.memory_space<semaphore_mem>>) src(%dma_wait3A_171 : memref<400001x256xf32, #tpu.memory_space<hbm>>) dst(%arg7 : memref<128x256xf32, #tpu.memory_space<vmem>>)
    %add3A_172 = arith.constant 1664 : i32
    %add3A_173 = arith.addi %mul3A_2, %add3A_172 : i32
    "tpu.region"() ({
      %run_scoped3A = tpu.sem_alloc : memref<!tpu.dma_semaphore, #tpu.memory_space<semaphore_mem>>
      %dma_start3A_241 = arith.constant 0 : i32
      %dma_start3A_242 = tpu.memref_slice %arg4[%add3A_173, %dma_start3A_241] : memref<81920x256xf32, #tpu.memory_space<hbm>> -> memref<128x256xf32, #tpu.memory_space<hbm>>
      %dma_start3A_243 = arith.constant 0 : i32
      %dma_start3A_244 = tpu.memref_slice %arg4[%add3A_173, %dma_start3A_243] : memref<81920x256xf32, #tpu.memory_space<hbm>> -> memref<128x256xf32, #tpu.memory_space<hbm>>
      tpu.enqueue_dma source(%arg7 : memref<128x256xf32, #tpu.memory_space<vmem>>) target(%dma_start3A_244 : memref<128x256xf32, #tpu.memory_space<hbm>>) target_semaphore(%run_scoped3A : memref<!tpu.dma_semaphore, #tpu.memory_space<semaphore_mem>>)
      %dma_wait3A_245 = arith.constant 0 : i32
      %dma_wait3A_246 = tpu.memref_slice %arg4[%add3A_173, %dma_wait3A_245] : memref<81920x256xf32, #tpu.memory_space<hbm>> -> memref<128x256xf32, #tpu.memory_space<hbm>>
      %dma_wait3A_247 = arith.constant 0 : i32
      %dma_wait3A_248 = tpu.memref_slice %arg4[%add3A_173, %dma_wait3A_247] : memref<81920x256xf32, #tpu.memory_space<hbm>> -> memref<128x256xf32, #tpu.memory_space<hbm>>
      tpu.wait_dma2 semaphore(%run_scoped3A : memref<!tpu.dma_semaphore, #tpu.memory_space<semaphore_mem>>) src(%arg7 : memref<128x256xf32, #tpu.memory_space<vmem>>) dst(%dma_wait3A_248 : memref<128x256xf32, #tpu.memory_space<hbm>>)
      tpu.yield
    }) : () -> ()
    %dma_start3A_174 = arith.constant 1920 : i32
    %dma_start3A_175 = tpu.memref_slice %arg5[%dma_start3A_174] : memref<2560xi32, #tpu.memory_space<vmem>> -> memref<128xi32, #tpu.memory_space<vmem>>
    %dma_start3A_176 = arith.constant 0 : i32
    %dma_start3A_177 = arith.constant 0 : i32
    %dma_start3A_178 = tpu.memref_slice %arg3[%dma_start3A_176, %dma_start3A_177] : memref<400001x256xf32, #tpu.memory_space<hbm>> -> memref<400001x256xf32, #tpu.memory_space<hbm>>
    tpu.enqueue_indirect_dma source(%dma_start3A_178 : memref<400001x256xf32, #tpu.memory_space<hbm>>) target(%arg7 : memref<128x256xf32, #tpu.memory_space<vmem>>) offsets(%dma_start3A_175 : memref<128xi32, #tpu.memory_space<vmem>>) semaphore(%arg9 : memref<!tpu.dma_semaphore, #tpu.memory_space<semaphore_mem>>)
    %dma_wait3A_179 = arith.constant 1792 : i32
    %dma_wait3A_180 = tpu.memref_slice %arg5[%dma_wait3A_179] : memref<2560xi32, #tpu.memory_space<vmem>> -> memref<128xi32, #tpu.memory_space<vmem>>
    %dma_wait3A_181 = arith.constant 0 : i32
    %dma_wait3A_182 = arith.constant 0 : i32
    %dma_wait3A_183 = tpu.memref_slice %arg3[%dma_wait3A_181, %dma_wait3A_182] : memref<400001x256xf32, #tpu.memory_space<hbm>> -> memref<400001x256xf32, #tpu.memory_space<hbm>>
    tpu.wait_indirect_dma semaphore(%arg8 : memref<!tpu.dma_semaphore, #tpu.memory_space<semaphore_mem>>) src(%dma_wait3A_183 : memref<400001x256xf32, #tpu.memory_space<hbm>>) dst(%arg6 : memref<128x256xf32, #tpu.memory_space<vmem>>)
    %add3A_184 = arith.constant 1792 : i32
    %add3A_185 = arith.addi %mul3A_2, %add3A_184 : i32
    "tpu.region"() ({
      %run_scoped3A = tpu.sem_alloc : memref<!tpu.dma_semaphore, #tpu.memory_space<semaphore_mem>>
      %dma_start3A_241 = arith.constant 0 : i32
      %dma_start3A_242 = tpu.memref_slice %arg4[%add3A_185, %dma_start3A_241] : memref<81920x256xf32, #tpu.memory_space<hbm>> -> memref<128x256xf32, #tpu.memory_space<hbm>>
      %dma_start3A_243 = arith.constant 0 : i32
      %dma_start3A_244 = tpu.memref_slice %arg4[%add3A_185, %dma_start3A_243] : memref<81920x256xf32, #tpu.memory_space<hbm>> -> memref<128x256xf32, #tpu.memory_space<hbm>>
      tpu.enqueue_dma source(%arg6 : memref<128x256xf32, #tpu.memory_space<vmem>>) target(%dma_start3A_244 : memref<128x256xf32, #tpu.memory_space<hbm>>) target_semaphore(%run_scoped3A : memref<!tpu.dma_semaphore, #tpu.memory_space<semaphore_mem>>)
      %dma_wait3A_245 = arith.constant 0 : i32
      %dma_wait3A_246 = tpu.memref_slice %arg4[%add3A_185, %dma_wait3A_245] : memref<81920x256xf32, #tpu.memory_space<hbm>> -> memref<128x256xf32, #tpu.memory_space<hbm>>
      %dma_wait3A_247 = arith.constant 0 : i32
      %dma_wait3A_248 = tpu.memref_slice %arg4[%add3A_185, %dma_wait3A_247] : memref<81920x256xf32, #tpu.memory_space<hbm>> -> memref<128x256xf32, #tpu.memory_space<hbm>>
      tpu.wait_dma2 semaphore(%run_scoped3A : memref<!tpu.dma_semaphore, #tpu.memory_space<semaphore_mem>>) src(%arg6 : memref<128x256xf32, #tpu.memory_space<vmem>>) dst(%dma_wait3A_248 : memref<128x256xf32, #tpu.memory_space<hbm>>)
      tpu.yield
    }) : () -> ()
    %dma_start3A_186 = arith.constant 2048 : i32
    %dma_start3A_187 = tpu.memref_slice %arg5[%dma_start3A_186] : memref<2560xi32, #tpu.memory_space<vmem>> -> memref<128xi32, #tpu.memory_space<vmem>>
    %dma_start3A_188 = arith.constant 0 : i32
    %dma_start3A_189 = arith.constant 0 : i32
    %dma_start3A_190 = tpu.memref_slice %arg3[%dma_start3A_188, %dma_start3A_189] : memref<400001x256xf32, #tpu.memory_space<hbm>> -> memref<400001x256xf32, #tpu.memory_space<hbm>>
    tpu.enqueue_indirect_dma source(%dma_start3A_190 : memref<400001x256xf32, #tpu.memory_space<hbm>>) target(%arg6 : memref<128x256xf32, #tpu.memory_space<vmem>>) offsets(%dma_start3A_187 : memref<128xi32, #tpu.memory_space<vmem>>) semaphore(%arg8 : memref<!tpu.dma_semaphore, #tpu.memory_space<semaphore_mem>>)
    %dma_wait3A_191 = arith.constant 1920 : i32
    %dma_wait3A_192 = tpu.memref_slice %arg5[%dma_wait3A_191] : memref<2560xi32, #tpu.memory_space<vmem>> -> memref<128xi32, #tpu.memory_space<vmem>>
    %dma_wait3A_193 = arith.constant 0 : i32
    %dma_wait3A_194 = arith.constant 0 : i32
    %dma_wait3A_195 = tpu.memref_slice %arg3[%dma_wait3A_193, %dma_wait3A_194] : memref<400001x256xf32, #tpu.memory_space<hbm>> -> memref<400001x256xf32, #tpu.memory_space<hbm>>
    tpu.wait_indirect_dma semaphore(%arg9 : memref<!tpu.dma_semaphore, #tpu.memory_space<semaphore_mem>>) src(%dma_wait3A_195 : memref<400001x256xf32, #tpu.memory_space<hbm>>) dst(%arg7 : memref<128x256xf32, #tpu.memory_space<vmem>>)
    %add3A_196 = arith.constant 1920 : i32
    %add3A_197 = arith.addi %mul3A_2, %add3A_196 : i32
    "tpu.region"() ({
      %run_scoped3A = tpu.sem_alloc : memref<!tpu.dma_semaphore, #tpu.memory_space<semaphore_mem>>
      %dma_start3A_241 = arith.constant 0 : i32
      %dma_start3A_242 = tpu.memref_slice %arg4[%add3A_197, %dma_start3A_241] : memref<81920x256xf32, #tpu.memory_space<hbm>> -> memref<128x256xf32, #tpu.memory_space<hbm>>
      %dma_start3A_243 = arith.constant 0 : i32
      %dma_start3A_244 = tpu.memref_slice %arg4[%add3A_197, %dma_start3A_243] : memref<81920x256xf32, #tpu.memory_space<hbm>> -> memref<128x256xf32, #tpu.memory_space<hbm>>
      tpu.enqueue_dma source(%arg7 : memref<128x256xf32, #tpu.memory_space<vmem>>) target(%dma_start3A_244 : memref<128x256xf32, #tpu.memory_space<hbm>>) target_semaphore(%run_scoped3A : memref<!tpu.dma_semaphore, #tpu.memory_space<semaphore_mem>>)
      %dma_wait3A_245 = arith.constant 0 : i32
      %dma_wait3A_246 = tpu.memref_slice %arg4[%add3A_197, %dma_wait3A_245] : memref<81920x256xf32, #tpu.memory_space<hbm>> -> memref<128x256xf32, #tpu.memory_space<hbm>>
      %dma_wait3A_247 = arith.constant 0 : i32
      %dma_wait3A_248 = tpu.memref_slice %arg4[%add3A_197, %dma_wait3A_247] : memref<81920x256xf32, #tpu.memory_space<hbm>> -> memref<128x256xf32, #tpu.memory_space<hbm>>
      tpu.wait_dma2 semaphore(%run_scoped3A : memref<!tpu.dma_semaphore, #tpu.memory_space<semaphore_mem>>) src(%arg7 : memref<128x256xf32, #tpu.memory_space<vmem>>) dst(%dma_wait3A_248 : memref<128x256xf32, #tpu.memory_space<hbm>>)
      tpu.yield
    }) : () -> ()
    %dma_start3A_198 = arith.constant 2176 : i32
    %dma_start3A_199 = tpu.memref_slice %arg5[%dma_start3A_198] : memref<2560xi32, #tpu.memory_space<vmem>> -> memref<128xi32, #tpu.memory_space<vmem>>
    %dma_start3A_200 = arith.constant 0 : i32
    %dma_start3A_201 = arith.constant 0 : i32
    %dma_start3A_202 = tpu.memref_slice %arg3[%dma_start3A_200, %dma_start3A_201] : memref<400001x256xf32, #tpu.memory_space<hbm>> -> memref<400001x256xf32, #tpu.memory_space<hbm>>
    tpu.enqueue_indirect_dma source(%dma_start3A_202 : memref<400001x256xf32, #tpu.memory_space<hbm>>) target(%arg7 : memref<128x256xf32, #tpu.memory_space<vmem>>) offsets(%dma_start3A_199 : memref<128xi32, #tpu.memory_space<vmem>>) semaphore(%arg9 : memref<!tpu.dma_semaphore, #tpu.memory_space<semaphore_mem>>)
    %dma_wait3A_203 = arith.constant 2048 : i32
    %dma_wait3A_204 = tpu.memref_slice %arg5[%dma_wait3A_203] : memref<2560xi32, #tpu.memory_space<vmem>> -> memref<128xi32, #tpu.memory_space<vmem>>
    %dma_wait3A_205 = arith.constant 0 : i32
    %dma_wait3A_206 = arith.constant 0 : i32
    %dma_wait3A_207 = tpu.memref_slice %arg3[%dma_wait3A_205, %dma_wait3A_206] : memref<400001x256xf32, #tpu.memory_space<hbm>> -> memref<400001x256xf32, #tpu.memory_space<hbm>>
    tpu.wait_indirect_dma semaphore(%arg8 : memref<!tpu.dma_semaphore, #tpu.memory_space<semaphore_mem>>) src(%dma_wait3A_207 : memref<400001x256xf32, #tpu.memory_space<hbm>>) dst(%arg6 : memref<128x256xf32, #tpu.memory_space<vmem>>)
    %add3A_208 = arith.constant 2048 : i32
    %add3A_209 = arith.addi %mul3A_2, %add3A_208 : i32
    "tpu.region"() ({
      %run_scoped3A = tpu.sem_alloc : memref<!tpu.dma_semaphore, #tpu.memory_space<semaphore_mem>>
      %dma_start3A_241 = arith.constant 0 : i32
      %dma_start3A_242 = tpu.memref_slice %arg4[%add3A_209, %dma_start3A_241] : memref<81920x256xf32, #tpu.memory_space<hbm>> -> memref<128x256xf32, #tpu.memory_space<hbm>>
      %dma_start3A_243 = arith.constant 0 : i32
      %dma_start3A_244 = tpu.memref_slice %arg4[%add3A_209, %dma_start3A_243] : memref<81920x256xf32, #tpu.memory_space<hbm>> -> memref<128x256xf32, #tpu.memory_space<hbm>>
      tpu.enqueue_dma source(%arg6 : memref<128x256xf32, #tpu.memory_space<vmem>>) target(%dma_start3A_244 : memref<128x256xf32, #tpu.memory_space<hbm>>) target_semaphore(%run_scoped3A : memref<!tpu.dma_semaphore, #tpu.memory_space<semaphore_mem>>)
      %dma_wait3A_245 = arith.constant 0 : i32
      %dma_wait3A_246 = tpu.memref_slice %arg4[%add3A_209, %dma_wait3A_245] : memref<81920x256xf32, #tpu.memory_space<hbm>> -> memref<128x256xf32, #tpu.memory_space<hbm>>
      %dma_wait3A_247 = arith.constant 0 : i32
      %dma_wait3A_248 = tpu.memref_slice %arg4[%add3A_209, %dma_wait3A_247] : memref<81920x256xf32, #tpu.memory_space<hbm>> -> memref<128x256xf32, #tpu.memory_space<hbm>>
      tpu.wait_dma2 semaphore(%run_scoped3A : memref<!tpu.dma_semaphore, #tpu.memory_space<semaphore_mem>>) src(%arg6 : memref<128x256xf32, #tpu.memory_space<vmem>>) dst(%dma_wait3A_248 : memref<128x256xf32, #tpu.memory_space<hbm>>)
      tpu.yield
    }) : () -> ()
    %dma_start3A_210 = arith.constant 2304 : i32
    %dma_start3A_211 = tpu.memref_slice %arg5[%dma_start3A_210] : memref<2560xi32, #tpu.memory_space<vmem>> -> memref<128xi32, #tpu.memory_space<vmem>>
    %dma_start3A_212 = arith.constant 0 : i32
    %dma_start3A_213 = arith.constant 0 : i32
    %dma_start3A_214 = tpu.memref_slice %arg3[%dma_start3A_212, %dma_start3A_213] : memref<400001x256xf32, #tpu.memory_space<hbm>> -> memref<400001x256xf32, #tpu.memory_space<hbm>>
    tpu.enqueue_indirect_dma source(%dma_start3A_214 : memref<400001x256xf32, #tpu.memory_space<hbm>>) target(%arg6 : memref<128x256xf32, #tpu.memory_space<vmem>>) offsets(%dma_start3A_211 : memref<128xi32, #tpu.memory_space<vmem>>) semaphore(%arg8 : memref<!tpu.dma_semaphore, #tpu.memory_space<semaphore_mem>>)
    %dma_wait3A_215 = arith.constant 2176 : i32
    %dma_wait3A_216 = tpu.memref_slice %arg5[%dma_wait3A_215] : memref<2560xi32, #tpu.memory_space<vmem>> -> memref<128xi32, #tpu.memory_space<vmem>>
    %dma_wait3A_217 = arith.constant 0 : i32
    %dma_wait3A_218 = arith.constant 0 : i32
    %dma_wait3A_219 = tpu.memref_slice %arg3[%dma_wait3A_217, %dma_wait3A_218] : memref<400001x256xf32, #tpu.memory_space<hbm>> -> memref<400001x256xf32, #tpu.memory_space<hbm>>
    tpu.wait_indirect_dma semaphore(%arg9 : memref<!tpu.dma_semaphore, #tpu.memory_space<semaphore_mem>>) src(%dma_wait3A_219 : memref<400001x256xf32, #tpu.memory_space<hbm>>) dst(%arg7 : memref<128x256xf32, #tpu.memory_space<vmem>>)
    %add3A_220 = arith.constant 2176 : i32
    %add3A_221 = arith.addi %mul3A_2, %add3A_220 : i32
    "tpu.region"() ({
      %run_scoped3A = tpu.sem_alloc : memref<!tpu.dma_semaphore, #tpu.memory_space<semaphore_mem>>
      %dma_start3A_241 = arith.constant 0 : i32
      %dma_start3A_242 = tpu.memref_slice %arg4[%add3A_221, %dma_start3A_241] : memref<81920x256xf32, #tpu.memory_space<hbm>> -> memref<128x256xf32, #tpu.memory_space<hbm>>
      %dma_start3A_243 = arith.constant 0 : i32
      %dma_start3A_244 = tpu.memref_slice %arg4[%add3A_221, %dma_start3A_243] : memref<81920x256xf32, #tpu.memory_space<hbm>> -> memref<128x256xf32, #tpu.memory_space<hbm>>
      tpu.enqueue_dma source(%arg7 : memref<128x256xf32, #tpu.memory_space<vmem>>) target(%dma_start3A_244 : memref<128x256xf32, #tpu.memory_space<hbm>>) target_semaphore(%run_scoped3A : memref<!tpu.dma_semaphore, #tpu.memory_space<semaphore_mem>>)
      %dma_wait3A_245 = arith.constant 0 : i32
      %dma_wait3A_246 = tpu.memref_slice %arg4[%add3A_221, %dma_wait3A_245] : memref<81920x256xf32, #tpu.memory_space<hbm>> -> memref<128x256xf32, #tpu.memory_space<hbm>>
      %dma_wait3A_247 = arith.constant 0 : i32
      %dma_wait3A_248 = tpu.memref_slice %arg4[%add3A_221, %dma_wait3A_247] : memref<81920x256xf32, #tpu.memory_space<hbm>> -> memref<128x256xf32, #tpu.memory_space<hbm>>
      tpu.wait_dma2 semaphore(%run_scoped3A : memref<!tpu.dma_semaphore, #tpu.memory_space<semaphore_mem>>) src(%arg7 : memref<128x256xf32, #tpu.memory_space<vmem>>) dst(%dma_wait3A_248 : memref<128x256xf32, #tpu.memory_space<hbm>>)
      tpu.yield
    }) : () -> ()
    %dma_start3A_222 = arith.constant 2432 : i32
    %dma_start3A_223 = tpu.memref_slice %arg5[%dma_start3A_222] : memref<2560xi32, #tpu.memory_space<vmem>> -> memref<128xi32, #tpu.memory_space<vmem>>
    %dma_start3A_224 = arith.constant 0 : i32
    %dma_start3A_225 = arith.constant 0 : i32
    %dma_start3A_226 = tpu.memref_slice %arg3[%dma_start3A_224, %dma_start3A_225] : memref<400001x256xf32, #tpu.memory_space<hbm>> -> memref<400001x256xf32, #tpu.memory_space<hbm>>
    tpu.enqueue_indirect_dma source(%dma_start3A_226 : memref<400001x256xf32, #tpu.memory_space<hbm>>) target(%arg7 : memref<128x256xf32, #tpu.memory_space<vmem>>) offsets(%dma_start3A_223 : memref<128xi32, #tpu.memory_space<vmem>>) semaphore(%arg9 : memref<!tpu.dma_semaphore, #tpu.memory_space<semaphore_mem>>)
    %dma_wait3A_227 = arith.constant 2304 : i32
    %dma_wait3A_228 = tpu.memref_slice %arg5[%dma_wait3A_227] : memref<2560xi32, #tpu.memory_space<vmem>> -> memref<128xi32, #tpu.memory_space<vmem>>
    %dma_wait3A_229 = arith.constant 0 : i32
    %dma_wait3A_230 = arith.constant 0 : i32
    %dma_wait3A_231 = tpu.memref_slice %arg3[%dma_wait3A_229, %dma_wait3A_230] : memref<400001x256xf32, #tpu.memory_space<hbm>> -> memref<400001x256xf32, #tpu.memory_space<hbm>>
    tpu.wait_indirect_dma semaphore(%arg8 : memref<!tpu.dma_semaphore, #tpu.memory_space<semaphore_mem>>) src(%dma_wait3A_231 : memref<400001x256xf32, #tpu.memory_space<hbm>>) dst(%arg6 : memref<128x256xf32, #tpu.memory_space<vmem>>)
    %add3A_232 = arith.constant 2304 : i32
    %add3A_233 = arith.addi %mul3A_2, %add3A_232 : i32
    "tpu.region"() ({
      %run_scoped3A = tpu.sem_alloc : memref<!tpu.dma_semaphore, #tpu.memory_space<semaphore_mem>>
      %dma_start3A_241 = arith.constant 0 : i32
      %dma_start3A_242 = tpu.memref_slice %arg4[%add3A_233, %dma_start3A_241] : memref<81920x256xf32, #tpu.memory_space<hbm>> -> memref<128x256xf32, #tpu.memory_space<hbm>>
      %dma_start3A_243 = arith.constant 0 : i32
      %dma_start3A_244 = tpu.memref_slice %arg4[%add3A_233, %dma_start3A_243] : memref<81920x256xf32, #tpu.memory_space<hbm>> -> memref<128x256xf32, #tpu.memory_space<hbm>>
      tpu.enqueue_dma source(%arg6 : memref<128x256xf32, #tpu.memory_space<vmem>>) target(%dma_start3A_244 : memref<128x256xf32, #tpu.memory_space<hbm>>) target_semaphore(%run_scoped3A : memref<!tpu.dma_semaphore, #tpu.memory_space<semaphore_mem>>)
      %dma_wait3A_245 = arith.constant 0 : i32
      %dma_wait3A_246 = tpu.memref_slice %arg4[%add3A_233, %dma_wait3A_245] : memref<81920x256xf32, #tpu.memory_space<hbm>> -> memref<128x256xf32, #tpu.memory_space<hbm>>
      %dma_wait3A_247 = arith.constant 0 : i32
      %dma_wait3A_248 = tpu.memref_slice %arg4[%add3A_233, %dma_wait3A_247] : memref<81920x256xf32, #tpu.memory_space<hbm>> -> memref<128x256xf32, #tpu.memory_space<hbm>>
      tpu.wait_dma2 semaphore(%run_scoped3A : memref<!tpu.dma_semaphore, #tpu.memory_space<semaphore_mem>>) src(%arg6 : memref<128x256xf32, #tpu.memory_space<vmem>>) dst(%dma_wait3A_248 : memref<128x256xf32, #tpu.memory_space<hbm>>)
      tpu.yield
    }) : () -> ()
    %dma_wait3A_234 = arith.constant 2432 : i32
    %dma_wait3A_235 = tpu.memref_slice %arg5[%dma_wait3A_234] : memref<2560xi32, #tpu.memory_space<vmem>> -> memref<128xi32, #tpu.memory_space<vmem>>
    %dma_wait3A_236 = arith.constant 0 : i32
    %dma_wait3A_237 = arith.constant 0 : i32
    %dma_wait3A_238 = tpu.memref_slice %arg3[%dma_wait3A_236, %dma_wait3A_237] : memref<400001x256xf32, #tpu.memory_space<hbm>> -> memref<400001x256xf32, #tpu.memory_space<hbm>>
    tpu.wait_indirect_dma semaphore(%arg9 : memref<!tpu.dma_semaphore, #tpu.memory_space<semaphore_mem>>) src(%dma_wait3A_238 : memref<400001x256xf32, #tpu.memory_space<hbm>>) dst(%arg7 : memref<128x256xf32, #tpu.memory_space<vmem>>)
    %add3A_239 = arith.constant 2432 : i32
    %add3A_240 = arith.addi %mul3A_2, %add3A_239 : i32
    "tpu.region"() ({
      %run_scoped3A = tpu.sem_alloc : memref<!tpu.dma_semaphore, #tpu.memory_space<semaphore_mem>>
      %dma_start3A_241 = arith.constant 0 : i32
      %dma_start3A_242 = tpu.memref_slice %arg4[%add3A_240, %dma_start3A_241] : memref<81920x256xf32, #tpu.memory_space<hbm>> -> memref<128x256xf32, #tpu.memory_space<hbm>>
      %dma_start3A_243 = arith.constant 0 : i32
      %dma_start3A_244 = tpu.memref_slice %arg4[%add3A_240, %dma_start3A_243] : memref<81920x256xf32, #tpu.memory_space<hbm>> -> memref<128x256xf32, #tpu.memory_space<hbm>>
      tpu.enqueue_dma source(%arg7 : memref<128x256xf32, #tpu.memory_space<vmem>>) target(%dma_start3A_244 : memref<128x256xf32, #tpu.memory_space<hbm>>) target_semaphore(%run_scoped3A : memref<!tpu.dma_semaphore, #tpu.memory_space<semaphore_mem>>)
      %dma_wait3A_245 = arith.constant 0 : i32
      %dma_wait3A_246 = tpu.memref_slice %arg4[%add3A_240, %dma_wait3A_245] : memref<81920x256xf32, #tpu.memory_space<hbm>> -> memref<128x256xf32, #tpu.memory_space<hbm>>
      %dma_wait3A_247 = arith.constant 0 : i32
      %dma_wait3A_248 = tpu.memref_slice %arg4[%add3A_240, %dma_wait3A_247] : memref<81920x256xf32, #tpu.memory_space<hbm>> -> memref<128x256xf32, #tpu.memory_space<hbm>>
      tpu.wait_dma2 semaphore(%run_scoped3A : memref<!tpu.dma_semaphore, #tpu.memory_space<semaphore_mem>>) src(%arg7 : memref<128x256xf32, #tpu.memory_space<vmem>>) dst(%dma_wait3A_248 : memref<128x256xf32, #tpu.memory_space<hbm>>)
      tpu.yield
    }) : () -> ()
    return
  }
}

module attributes {stable_mosaic.version = 14 : i64} {
  func.func @_tr_body(%arg0: i32, %arg1: memref<200x8192xf32, #tpu.memory_space<vmem>>, %arg2: memref<8192x256xf32, #tpu.memory_space<vmem>>) attributes {dimension_semantics = [#tpu.dimension_semantics<arbitrary>], iteration_bounds = array<i64: 49>, scalar_prefetch = 0 : i64, scratch_operands = 0 : i64, tpu.core_type = #tpu.core_type<tc>, window_params = [{transform_indices = @transform_0, window_bounds = array<i64: 200, 8192>}, {transform_indices = @transform_1, window_bounds = array<i64: 8192, 256>}]} {
    %get3A = arith.constant 0 : index
    %get3A_0 = arith.constant 0 : index
    %get3A_1 = vector.load %arg1[%get3A, %get3A_0] : memref<200x8192xf32, #tpu.memory_space<vmem>>, vector<200x8192xf32>
    %transpose3A = tpu.transpose %get3A_1, [1, 0] : vector<200x8192xf32> -> vector<8192x200xf32>
    %broadcast_in_dim3A = arith.constant 0.000000e+00 : f32
    %broadcast_in_dim3A_2 = vector.broadcast %broadcast_in_dim3A : f32 to vector<8192x56xf32>
    %concatenate3A = tpu.concatenate %transpose3A, %broadcast_in_dim3A_2 in 1 : vector<8192x200xf32>, vector<8192x56xf32> -> vector<8192x256xf32>
    %swap3A = arith.constant 0 : index
    %swap3A_3 = arith.constant 0 : index
    %swap3A_4 = vector.load %arg2[%swap3A, %swap3A_3] : memref<8192x256xf32, #tpu.memory_space<vmem>>, vector<8192x256xf32>
    tpu.vector_store %arg2[%swap3A, %swap3A_3], %concatenate3A {strides = array<i32>} : memref<8192x256xf32, #tpu.memory_space<vmem>>, vector<8192x256xf32>,
    return
  }
  func.func @transform_0(%arg0: i32) -> (i32, i32) {
    %c0_i32 = arith.constant 0 : i32
    %c0_i32_0 = arith.constant 0 : i32
    return %c0_i32, %arg0 : i32, i32
  }
  func.func @transform_1(%arg0: i32) -> (i32, i32) {
    %c0_i32 = arith.constant 0 : i32
    %c0_i32_0 = arith.constant 0 : i32
    return %arg0, %c0_i32 : i32, i32
  }
}

</mosaic_0001>

<sc_bundles>
// kernel: kernel.4.cloned.1.call-start
scs
__scs_entry_jumppad:
0x0: {  	(pc) =	sbr.rel $0x88, $3  }
0x1: {  	(tag) =	ssettag $0x0;
	lr =	simm.s32 $0x1  }
0x2: {  	[smem:$0x3F9F] =	sst lr;
	_ =	strace $0xD0000000  }
0x3: {  	_ = 	snop  }
0x4: {  	_ = 	snop  }
0x5: {  	_ = 	snop  }
0x6: {  	_ = 	snop  }
0x7: {  	_ = 	snop  }
__scs_overlays_trampoline_lowered:
0x8: {  	[smem:$0x3FAE] =	sst s0  }
0x9: {  	[smem:$0x3FAF] =	sst s1  }
0xa: {  	[smem:$0x3FB0] =	sst s2  }
0xb: {  	[smem:$0x3FB1] =	sst s3  }
0xc: {  	[smem:$0x3FB2] =	sst s4  }
0xd: {  	[smem:$0x3FB3] =	sst s5  }
0xe: {  	[smem:$0x3FB4] =	sst s6  }
0xf: {  	[smem:$0x3FB5] =	sst s7  }
0x10: {  	[smem:$0x3FB6] =	sst s8  }
0x11: {  	[smem:$0x3FB7] =	sst s9;
	s0 =	simm.s32 @!p0 $0x0  }
0x12: {  	s1 =	sld [smem:$0x3F9D];
	s0 =	simm.s32 @p0 $0x1  }
0x13: {  	[smem:$0x3FB8] =	sst s0;
	s0 =	simm.s32 @!p1 $0x0  }
0x14: {  	s2 =	sld [smem:$0x3F9C];
	s0 =	simm.s32 @p1 $0x1  }
0x15: {  	[smem:$0x3FB9] =	sst s0;
	s0 =	simm.s32 @!p2 $0x0  }
0x16: {  	s3 =	sld [smem:$0x3FDB];
	s0 =	simm.s32 @p2 $0x1  }
0x17: {  	s4 =	simm.s32 $0x1BF5;
	[smem:$0x3FBB] =	sst s0  }
0x18: {  	s0 =	sld [smem:$0x3F9E];
	_ =	swait.ge [sflag:s4], $0x0  }
0x19: {  	s7 =	sld [smem:$0x3F9F]  }
0x1a: {  	s8 =	sadd.s32 $0xFFFFE003, lr  }
0x1b: {  	s9 =	sadd.s32 $0xFFFFFEF7, lr;
	s5 =	simm.s32 $0xFFFFFFFF;
	p2 =	slt.u32 s8, $0xFFFFF086  }
0x1c: {  	p1 =	slt.u32 s9, $0xF7A;
	s5 =	simm.s32 @!p2 $0x0  }
0x1d: {  	s5 =	simm.s32 @p1 $0x1;
	p0 =	seq.s32 s7, s2  }
0x1e: {  	s7 =	smul.u32 @!p0 $0xF7A, s2;
	p2 =	seq.s32 @!p0 s5, $0x0  }
0x1f: {  	s9 =	smul.u32 $0xF7A, s1;
	s8 =	simm.s32 @!p0 $0x1BF5;
	p2 =	por !p2, p0  }
0x20: {  	[sflag:s8] =	ssyncset.s32 @!p0 $0xFFFFF086;
	s6 =	sadd.s32 @!p0 s3, s7;
	s7 =	simm.s32 @!p0 $0x108  }
0x21: {  	s3 =	sadd.s32 s3, s9;
	s6 =	sadd.s32 @!p0 $0x88, s6;
	s7 =	simm.s32 @p2 $0x1082  }
0x22: {  	[simem:s7], [sflag:s8] =	dma.local @!p0 [hbm:s6], $0xF7A  }
0x23: {  	s9 =	sor.u32 $0xD0000000, s2;
	s6 =	simm.s32 $0x108;
	_ =	swait.ge @!p0 [sflag:s8], $0x0  }
0x24: {  	s3 =	sadd.s32 $0x88, s3;
	s6 =	simm.s32 @!p1 $0x1082;
	[sflag:s4] =	ssyncset.s32 $0xFFFFF086  }
0x25: {  	[simem:s6], [sflag:s4] =	dma.local [hbm:s3], $0xF7A  }
0x26: {  	[smem:$0x3F9F] =	sst s1;
	(tag) =	ssettag s2;
	_ =	strace s9  }
0x27: {  	s1 =	sld [smem:$0x3FAF]  }
0x28: {  	s2 =	sld [smem:$0x3FB0]  }
0x29: {  	s4 =	sld [smem:$0x3FB2]  }
0x2a: {  	p0 =	seq.s32 s5, $0x0;
	s5 =	sld [smem:$0x3FB3]  }
0x2b: {  	s6 =	sld [smem:$0x3FB4]  }
0x2c: {  	s7 =	sld [smem:$0x3FB5]  }
0x2d: {  	s3 =	simm.s32 $0x108;
	s8 =	sld [smem:$0x3FB6]  }
0x2e: {  	s3 =	simm.s32 @!p0 $0x1082;
	s9 =	sld [smem:$0x3FB7]  }
0x2f: {  	lr =	sadd.s32 s0, s3;
	s0 =	sld [smem:$0x3FAE]  }
0x30: {  	s3 =	sld [smem:$0x3FB1]  }
0x31: {  	[smem:$0x3FBA] =	sst s10  }
0x32: {  	s10 =	sld [smem:$0x3FB8];
	_ =	sdelay $0x3  }
0x33: {  	p0 =	seq.s32 s10, $0x1;
	s10 =	sld [smem:$0x3FBA];
	_ =	sdelay $0x3  }
0x34: {  	[smem:$0x3FBA] =	sst s10  }
0x35: {  	s10 =	sld [smem:$0x3FB9];
	_ =	sdelay $0x3  }
0x36: {  	p1 =	seq.s32 s10, $0x1;
	s10 =	sld [smem:$0x3FBA];
	_ =	sdelay $0x3  }
0x37: {  	[smem:$0x3FBA] =	sst s10  }
0x38: {  	s10 =	sld [smem:$0x3FBB]  }
0x39: {  	_ = 	snop;
	(pc) =	sbr.ind lr, $3  }
0x3a: {  	_ = 	snop  }
0x3b: {  	_ = 	snop  }
0x3c: {  	p2 =	seq.s32 s10, $0x1;
	s10 =	sld [smem:$0x3FBA]  }
0x3d: {  	_ =	shalt  }
0x3e: {  	_ =	shalt  }
0x3f: {  	_ =	shalt  }
0x40: {  	_ =	shalt  }
0x41: {  	_ =	shalt  }
0x42: {  	_ =	shalt  }
0x43: {  	_ =	shalt  }
0x44: {  	_ =	shalt  }
0x45: {  	_ =	shalt  }
0x46: {  	_ =	shalt  }
0x47: {  	_ =	shalt  }
0x48: {  	_ =	shalt  }
0x49: {  	_ =	shalt  }
0x4a: {  	_ =	shalt  }
0x4b: {  	_ =	shalt  }
0x4c: {  	_ =	shalt  }
0x4d: {  	_ =	shalt  }
0x4e: {  	_ =	shalt  }
0x4f: {  	_ =	shalt  }
0x50: {  	_ =	shalt  }
0x51: {  	_ =	shalt  }
0x52: {  	_ =	shalt  }
0x53: {  	_ =	shalt  }
0x54: {  	_ =	shalt  }
0x55: {  	_ =	shalt  }
0x56: {  	_ =	shalt  }
0x57: {  	_ =	shalt  }
0x58: {  	_ =	shalt  }
0x59: {  	_ =	shalt  }
0x5a: {  	_ =	shalt  }
0x5b: {  	_ =	shalt  }
0x5c: {  	_ =	shalt  }
0x5d: {  	_ =	shalt  }
0x5e: {  	_ =	shalt  }
0x5f: {  	_ =	shalt  }
0x60: {  	_ =	shalt  }
0x61: {  	_ =	shalt  }
0x62: {  	_ =	shalt  }
0x63: {  	_ =	shalt  }
0x64: {  	_ =	shalt  }
0x65: {  	_ =	shalt  }
0x66: {  	_ =	shalt  }
0x67: {  	_ =	shalt  }
0x68: {  	_ =	shalt  }
0x69: {  	_ =	shalt  }
0x6a: {  	_ =	shalt  }
0x6b: {  	_ =	shalt  }
0x6c: {  	_ =	shalt  }
0x6d: {  	_ =	shalt  }
0x6e: {  	_ =	shalt  }
0x6f: {  	_ =	shalt  }
0x70: {  	_ =	shalt  }
0x71: {  	_ =	shalt  }
0x72: {  	_ =	shalt  }
0x73: {  	_ =	shalt  }
0x74: {  	_ =	shalt  }
0x75: {  	_ =	shalt  }
0x76: {  	_ =	shalt  }
0x77: {  	_ =	shalt  }
0x78: {  	_ =	shalt  }
0x79: {  	_ =	shalt  }
0x7a: {  	_ =	shalt  }
0x7b: {  	_ =	shalt  }
0x7c: {  	_ =	shalt  }
0x7d: {  	_ =	shalt  }
0x7e: {  	_ =	shalt  }
0x7f: {  	_ =	shalt  }
0x80: {  	_ =	shalt  }
0x81: {  	_ =	shalt  }
0x82: {  	_ =	shalt  }
0x83: {  	_ =	shalt  }
0x84: {  	_ =	shalt  }
0x85: {  	_ =	shalt  }
0x86: {  	_ =	shalt  }
0x87: {  	_ =	shalt  }
.Lfunc_end0:
.L_simem_size_0:
called_computation.1_lowered:
.L_overlay_start_0:
0x88: {  	s2 =	sld [smem:$0x3FD9]  }
0x89: {  	s3 =	sld [smem:$0x3FFE];
	_ =	sdelay $0x1  }
0x8a: {  	s1 =	srdreg.scid  }
0x8b: {  	s0 =	sand.u32 $0x1, s1  }
0x8c: {  	s17 =	sshll.u32 s0, $0xA;
	s2 =	sadd.s32 s3, s2  }
0x8d: {  	s2 =	sadd.s32 s2, s17  }
0x8e: {  	[smem:$0x3FC6] =	sst s2  }
0x8f: {  	_ = 	snop  }
0x90: {  	s2 =	sld [smem:$0x3FD0];
	(tm) =	ssettm $0x1  }
0x91: {  	s18 =	sld [smem:$0x3FFB];
	_ =	sdelay $0x3  }
0x92: {  	_ =	strace s18  }
0x93: {  	s3 =	sld [smem:$0x3FFC];
	_ =	sdelay $0x3  }
0x94: {  	_ =	strace s3  }
0x95: {  	s3 =	sld [smem:$0x3FFD];
	_ =	sdelay $0x3  }
0x96: {  	_ =	strace s3  }
0x97: {  	_ =	strace $0x8FFFFFFF  }
0x98: {  	s19 =	sld [smem:$0x3FDB];
	_ =	sdelay $0x1  }
0x99: {  	s4 =	simm.s32 $_scs_section_size  }
0x9a: {  	s5 =	simm.s32 $_size__tile_overlayer_lowered;
	s6 =	simm.s32 $_tile_overlayer_lowered  }
0x9b: {  	s22 =	simm.s32 $0x1BFF;
	s21 =	sshll.u32 s6, $0x1;
	s3 =	sadd.s32 s4, s19  }
0x9c: {  	s7 =	simm.s32 $0x0;
	s20 =	sshll.u32 s5, $0x1;
	s5 =	sadd.s32 s21, s3  }
0x9d: {  	[timem:s7], [sflag:s22] =	dma.local [hbm:s5], s20  }
0x9e: {  	_ =	swait.ge [sflag:s22], s20  }
0x9f: {  	s4 =	ssub.s32 $0x0, s20;
	[sflag:s22] =	ssyncset.done $0x0  }
0xa0: {  	[sflag:s22] =	ssyncadd.s32 s4;
	_ =	sdelay $0x1  }
0xa1: {  	s23 =	simm.s32 $0x1B8B  }
0xa2: {  	_ =	swait.ge [sflag:s23], $0x1  }
0xa3: {  	[sflag:s23] =	ssyncset.done $0x0  }
0xa4: {  	s25 =	simm.s32 $0x1B8E;
	s24 =	sld [smem:$0x3FFE];
	[sflag:s23] =	ssyncadd.s32 $0xFFFFFFFF  }
0xa5: {  	s26 =	simm.s32 $execute0_lowered;
	[smem:$0x3FD2] =	sst s25  }
0xa6: {  	s5 =	sshll.u32 s26, $0x1;
	_ =	strace $0x80000046;
	[dreg:$0x1] =	wrdreg $0xFFFFFFFF  }
0xa7: {  	s28 =	simm.s32 $_size_execute0_lowered;
	s3 =	sadd.s32 s3, s5;
	[dreg:$0x0] =	wrdreg $0x0  }
0xa8: {  	s5 =	sshll.u32 s28, $0x1;
	[dreg:$0x2] =	wrdreg s3  }
0xa9: {  	[dreg:$0x3] =	wrdreg s5  }
0xaa: {  	[dreg:$0x4] =	wrdreg $0xC0  }
0xab: {  	_ =	task [dreg:s7], $0x5FFFF  }
0xac: {  	[dreg:$0x1] =	wrdreg $0xFFFFFFFF  }
0xad: {  	[dreg:$0x0] =	wrdreg $0x60  }
0xae: {  	[dreg:$0x2] =	wrdreg s2  }
0xaf: {  	[dreg:$0x3] =	wrdreg s24  }
0xb0: {  	[dreg:$0x4] =	wrdreg $0x9  }
0xb1: {  	_ =	task.clear_ibuf [dreg:s7], $0x5FFFF;
	_ =	strace $0x90000046  }
0xb2: {  	s29 =	simm.s32 $0x9;
	_ =	strace $0x80000048  }
0xb3: {  	_ =	swait.ge [sflag:s29], $0x1  }
0xb4: {  	[sflag:s29] =	ssyncadd.s32 $0xFFFFFFFF  }
0xb5: {  	_ =	strace $0x90000048  }
0xb6: {  	_ =	sfence  }
0xb7: {  	s30 =	sld [smem:$0x0];
	_ =	sdelay $0x2  }
0xb8: {  	s31 =	sshll.u32 s1, $0xD;
	s1 =	sshrl.u32 s1, $0x2  }
0xb9: {  	s3 =	sand.u32 $0x4000, s31;
	s1 =	sadd.s32 s1, s30  }
0xba: {  	s0 =	sor.u32 s3, s0;
	s1 =	sshll.u32 s1, $0x11  }
0xbb: {  	s0 =	sor.u32 s1, s0  }
0xbc: {  	s0 =	sadd.s32 $0x8F2B, s0  }
0xbd: {  	[sflag:s0] =	ssyncadd.remote.s32 $0x1  }
0xbe: {  	_ =	sfence.sel $0xFFFF  }
0xbf: {  	[dreg:$0x0] =	wrdreg $0xFFFFFFFF;
	(pc) =	sbr.abs _section_cstart, $3  }
0xc0: {  	[dreg:$0x1] =	wrdreg $0xFFFFFFFF  }
0xc1: {  	_ =	task.clear_ibuf [dreg:s7], $0x2FFFF;
	_ =	strace $0x9FFFFFFF  }
0xc2: {  	(tm) =	ssettm $0x7FFFFFFF  }
0xc3: {  	_ =	shalt  }
tec
execute0_lowered:
.L_overlay_start_1:
0x0: {  	(tag) =	ssettag $0x1  }
0x1: {  	s0 =	srdreg.scid;
	s2 =	stileid.u32  }
0x2: {  	s0 =	sand.u32 $0x1, s0;
	s2 =	sshll.u32 s2, $0x1  }
0x3: {  	s1 =	rddreg [dreg:$0x0];
	s4 =	sor.u32 s0, s2  }
0x4: {  	s3 =	rddreg [dreg:$0x1];
	s5 =	smul.u32 $0x140, s4  }
0x5: {  	s7 =	sadd.s32 $0xC35A00, s3;
	s2 =	simm.s32 $0x0;
	s6 =	smul.u32 $0x14000, s4  }
0x6: {  	[smem:$0x7FF] =	sst s2;
	s4 =	smul.u32 $0xA0000, s4;
	s1 =	sadd.s32 s1, s5  }
0x7: {  	_ =	strace $0x80000047;
	s10 =	sadd.s32 s7, s6;
	[dreg:$0x3] =	wrdreg s1  }
0x8: {  	s11 =	sadd.s32 $0x1000, s10;
	[dreg:$0x17] =	wrdreg s10  }
0x9: {  	s4 =	sshrl.u32 s4, $0x3;
	s12 =	sadd.s32 $0x2000, s10;
	[dreg:$0x4] =	wrdreg s11  }
0xa: {  	s13 =	sadd.s32 $0x3000, s10;
	s4 =	sadd.s32 s7, s4;
	[dreg:$0x5] =	wrdreg s12  }
0xb: {  	[dreg:$0x6] =	wrdreg s13;
	s14 =	sadd.s32 $0x4000, s4  }
0xc: {  	s15 =	sadd.s32 $0x5000, s4;
	[dreg:$0x7] =	wrdreg s14  }
0xd: {  	s16 =	sadd.s32 $0x6000, s4;
	[dreg:$0x8] =	wrdreg s15  }
0xe: {  	s17 =	sadd.s32 $0x7000, s4;
	[dreg:$0x9] =	wrdreg s16  }
0xf: {  	s18 =	sadd.s32 $0x8000, s4;
	[dreg:$0xa] =	wrdreg s17  }
0x10: {  	s19 =	sadd.s32 $0x9000, s4;
	[dreg:$0xb] =	wrdreg s18  }
0x11: {  	s20 =	sadd.s32 $0xA000, s4;
	[dreg:$0xc] =	wrdreg s19  }
0x12: {  	s21 =	sadd.s32 $0xB000, s4;
	[dreg:$0xd] =	wrdreg s20  }
0x13: {  	s0 =	ssub.s32 $0x2, s0;
	s22 =	sadd.s32 $0xC000, s4;
	[dreg:$0xe] =	wrdreg s21  }
0x14: {  	s30 =	sshrl.u32 s0, $0x1;
	s23 =	sadd.s32 $0xD000, s4;
	[dreg:$0xf] =	wrdreg s22  }
0x15: {  	s0 =	ssub.s32 s0, s30;
	s24 =	sadd.s32 $0xE000, s4;
	[dreg:$0x10] =	wrdreg s23  }
0x16: {  	s0 =	smax.u32 s0, $0x1;
	s25 =	sadd.s32 $0xF000, s4;
	[dreg:$0x11] =	wrdreg s24  }
0x17: {  	s6 =	simm.s32 $0x3;
	s26 =	sadd.s32 $0x10000, s4;
	[dreg:$0x12] =	wrdreg s25  }
0x18: {  	s7 =	simm.s32 $0xA00;
	s28 =	sadd.s32 $0x11000, s4;
	[dreg:$0x13] =	wrdreg s26  }
0x19: {  	v2 =	vlaneseq.u32;
	s29 =	sadd.s32 $0x12000, s4;
	s31 =	sadd.s32 $0x13000, s4;
	[dreg:$0x14] =	wrdreg s28  }
0x1a: {  	vm0 =	vmmov $0xffff;
	v1 =	vshrl.u32 v2, $0x3;
	s4 =	sadd.s32 $0x800, s3;
	s13 =	simm.s32 $0x1;
	[dreg:$0x15] =	wrdreg s29  }
0x1b: {  	v0 =	vand.u32 $0x7, v2;
	v2 =	vor.u32 $0x8, v2;
	v1 =	vmul.u32 $0x8, v1;
	[dreg:$0x16] =	wrdreg s31;
	s23 =	simm.s32 $0x8A00;
	s14 =	simm.s32 $0x2  }
.LBB2_1:
0x1c: {  	[dreg:$0x18] =	wrdreg s0  }
0x1d: {  	s15 =	rddreg [dreg:$0x3]  }
0x1e: {  	[tilespmem:s2], [sflag:$0x3] =	stream.linear.gather [hbm4b:s15+s2], $0xA00, $0x38;
	[tilespmem:$0x10A00] =	vst v63  }
0x1f: {  	_ =	swait.ge [sflag:s6], $0xA00  }
0x20: {  	[sflag:s6] =	ssyncset.done $0x0  }
0x21: {  	[sflag:s6] =	ssyncadd.s32 $0xFFFFF600  }
0x22: {  	v3 =	vld [tilespmem:$0x0];
	_ =	sdelay $0x4  }
0x23: {  	v4 =	vshll.u32 v3, $0x1  }
0x24: {  	v3 =	vand.u32 $0x7, v3;
	v4 =	vand.u32 $0xFFFFFFF0, v4  }
0x25: {  	v3 =	vor.u32 v3, v4  }
0x26: {  	v4 =	vperm.xlane v3, v0;
	_ =	sdelay $0x1  }
0x27: {  	v3 =	vperm.xlane v3, v2;
	v4 =	vadd.s32 v1, v4;
	_ =	sdelay $0x1  }
0x28: {  	v3 =	vadd.s32 v1, v3;
	_ =	sdelay $0x2  }
0x29: {  	[tilespmem:s7], [sflag:$0x1] =	stream.indirect_vreg.gather [hbm4b:s4+s2], $0x80, v4, vm0, $0xb8;
	[tilespmem:$0x10A00] =	vst v63  }
0x2a: {  	s3 =	simm.s32 $0x1200  }
0x2b: {  	[tilespmem:s3], [sflag:$0x1] =	stream.indirect_vreg.gather [hbm4b:s4+s2], $0x80, v3, vm0, $0xb8;
	[tilespmem:$0x10A00] =	vst v63  }
0x2c: {  	v3 =	vld [tilespmem:$0x10];
	_ =	sdelay $0x4  }
0x2d: {  	v17 =	vshll.u32 v3, $0x1  }
0x2e: {  	v3 =	vand.u32 $0x7, v3;
	v4 =	vand.u32 $0xFFFFFFF0, v17  }
0x2f: {  	v3 =	vor.u32 v3, v4  }
0x30: {  	v4 =	vperm.xlane v3, v0;
	_ =	sdelay $0x1  }
0x31: {  	v3 =	vperm.xlane v3, v2;
	v4 =	vadd.s32 v1, v4;
	_ =	sdelay $0x1  }
0x32: {  	v3 =	vadd.s32 v1, v3;
	_ =	sdelay $0x1  }
0x33: {  	s5 =	simm.s32 $0x1A00  }
0x34: {  	[tilespmem:s5], [sflag:$0x1] =	stream.indirect_vreg.gather [hbm4b:s4+s2], $0x80, v4, vm0, $0xb8;
	[tilespmem:$0x10A00] =	vst v63  }
0x35: {  	s8 =	simm.s32 $0x2200  }
0x36: {  	[tilespmem:s8], [sflag:$0x1] =	stream.indirect_vreg.gather [hbm4b:s4+s2], $0x80, v3, vm0, $0xb8;
	[tilespmem:$0x10A00] =	vst v63  }
0x37: {  	v3 =	vld [tilespmem:$0x20];
	_ =	sdelay $0x4  }
0x38: {  	v18 =	vshll.u32 v3, $0x1  }
0x39: {  	v3 =	vand.u32 $0x7, v3;
	v4 =	vand.u32 $0xFFFFFFF0, v18  }
0x3a: {  	v3 =	vor.u32 v3, v4  }
0x3b: {  	v4 =	vperm.xlane v3, v0;
	_ =	sdelay $0x1  }
0x3c: {  	v3 =	vperm.xlane v3, v2;
	v4 =	vadd.s32 v1, v4;
	_ =	sdelay $0x1  }
0x3d: {  	v3 =	vadd.s32 v1, v3;
	_ =	sdelay $0x1  }
0x3e: {  	s9 =	simm.s32 $0x2A00  }
0x3f: {  	[tilespmem:s9], [sflag:$0x1] =	stream.indirect_vreg.gather [hbm4b:s4+s2], $0x80, v4, vm0, $0xb8;
	[tilespmem:$0x10A00] =	vst v63  }
0x40: {  	s10 =	simm.s32 $0x3200  }
0x41: {  	[tilespmem:s10], [sflag:$0x1] =	stream.indirect_vreg.gather [hbm4b:s4+s2], $0x80, v3, vm0, $0xb8;
	[tilespmem:$0x10A00] =	vst v63  }
0x42: {  	v3 =	vld [tilespmem:$0x30];
	_ =	sdelay $0x4  }
0x43: {  	v19 =	vshll.u32 v3, $0x1  }
0x44: {  	v3 =	vand.u32 $0x7, v3;
	v4 =	vand.u32 $0xFFFFFFF0, v19  }
0x45: {  	v3 =	vor.u32 v3, v4  }
0x46: {  	v4 =	vperm.xlane v3, v0;
	_ =	sdelay $0x1  }
0x47: {  	v3 =	vperm.xlane v3, v2;
	v4 =	vadd.s32 v1, v4;
	_ =	sdelay $0x1  }
0x48: {  	v3 =	vadd.s32 v1, v3;
	_ =	sdelay $0x1  }
0x49: {  	s11 =	simm.s32 $0x3A00  }
0x4a: {  	[tilespmem:s11], [sflag:$0x1] =	stream.indirect_vreg.gather [hbm4b:s4+s2], $0x80, v4, vm0, $0xb8;
	[tilespmem:$0x10A00] =	vst v63  }
0x4b: {  	s12 =	simm.s32 $0x4200  }
0x4c: {  	[tilespmem:s12], [sflag:$0x1] =	stream.indirect_vreg.gather [hbm4b:s4+s2], $0x80, v3, vm0, $0xb8;
	[tilespmem:$0x10A00] =	vst v63  }
0x4d: {  	v3 =	vld [tilespmem:$0x40];
	_ =	sdelay $0x4  }
0x4e: {  	v20 =	vshll.u32 v3, $0x1  }
0x4f: {  	v3 =	vand.u32 $0x7, v3;
	v4 =	vand.u32 $0xFFFFFFF0, v20  }
0x50: {  	v3 =	vor.u32 v3, v4  }
0x51: {  	v4 =	vperm.xlane v3, v0;
	_ =	sdelay $0x1  }
0x52: {  	v3 =	vperm.xlane v3, v2;
	v4 =	vadd.s32 v1, v4;
	_ =	sdelay $0x1  }
0x53: {  	v3 =	vadd.s32 v1, v3;
	_ =	sdelay $0x1  }
0x54: {  	s15 =	simm.s32 $0x4A00  }
0x55: {  	[tilespmem:s15], [sflag:$0x1] =	stream.indirect_vreg.gather [hbm4b:s4+s2], $0x80, v4, vm0, $0xb8;
	[tilespmem:$0x10A00] =	vst v63  }
0x56: {  	s16 =	simm.s32 $0x5200  }
0x57: {  	[tilespmem:s16], [sflag:$0x1] =	stream.indirect_vreg.gather [hbm4b:s4+s2], $0x80, v3, vm0, $0xb8;
	[tilespmem:$0x10A00] =	vst v63  }
0x58: {  	v3 =	vld [tilespmem:$0x50];
	_ =	sdelay $0x4  }
0x59: {  	v21 =	vshll.u32 v3, $0x1  }
0x5a: {  	v3 =	vand.u32 $0x7, v3;
	v4 =	vand.u32 $0xFFFFFFF0, v21  }
0x5b: {  	v3 =	vor.u32 v3, v4  }
0x5c: {  	v4 =	vperm.xlane v3, v0;
	_ =	sdelay $0x1  }
0x5d: {  	v3 =	vperm.xlane v3, v2;
	v4 =	vadd.s32 v1, v4;
	_ =	sdelay $0x1  }
0x5e: {  	v3 =	vadd.s32 v1, v3;
	_ =	sdelay $0x1  }
0x5f: {  	s17 =	simm.s32 $0x5A00  }
0x60: {  	[tilespmem:s17], [sflag:$0x1] =	stream.indirect_vreg.gather [hbm4b:s4+s2], $0x80, v4, vm0, $0xb8;
	[tilespmem:$0x10A00] =	vst v63  }
0x61: {  	s19 =	simm.s32 $0x6200  }
0x62: {  	[tilespmem:s19], [sflag:$0x1] =	stream.indirect_vreg.gather [hbm4b:s4+s2], $0x80, v3, vm0, $0xb8;
	[tilespmem:$0x10A00] =	vst v63  }
0x63: {  	v3 =	vld [tilespmem:$0x60];
	_ =	sdelay $0x4  }
0x64: {  	v22 =	vshll.u32 v3, $0x1  }
0x65: {  	v3 =	vand.u32 $0x7, v3;
	v4 =	vand.u32 $0xFFFFFFF0, v22  }
0x66: {  	v3 =	vor.u32 v3, v4  }
0x67: {  	v4 =	vperm.xlane v3, v0;
	_ =	sdelay $0x1  }
0x68: {  	v3 =	vperm.xlane v3, v2;
	v4 =	vadd.s32 v1, v4;
	_ =	sdelay $0x1  }
0x69: {  	v3 =	vadd.s32 v1, v3;
	_ =	sdelay $0x1  }
0x6a: {  	s22 =	simm.s32 $0x6A00  }
0x6b: {  	[tilespmem:s22], [sflag:$0x1] =	stream.indirect_vreg.gather [hbm4b:s4+s2], $0x80, v4, vm0, $0xb8;
	[tilespmem:$0x10A00] =	vst v63  }
0x6c: {  	s26 =	simm.s32 $0x7200  }
0x6d: {  	[tilespmem:s26], [sflag:$0x1] =	stream.indirect_vreg.gather [hbm4b:s4+s2], $0x80, v3, vm0, $0xb8;
	[tilespmem:$0x10A00] =	vst v63  }
0x6e: {  	v3 =	vld [tilespmem:$0x70];
	_ =	sdelay $0x4  }
0x6f: {  	v23 =	vshll.u32 v3, $0x1  }
0x70: {  	v3 =	vand.u32 $0x7, v3;
	v4 =	vand.u32 $0xFFFFFFF0, v23  }
0x71: {  	v3 =	vor.u32 v3, v4  }
0x72: {  	v4 =	vperm.xlane v3, v0;
	_ =	sdelay $0x1  }
0x73: {  	v3 =	vperm.xlane v3, v2;
	v4 =	vadd.s32 v1, v4;
	_ =	sdelay $0x1  }
0x74: {  	v3 =	vadd.s32 v1, v3;
	_ =	sdelay $0x1  }
0x75: {  	s28 =	simm.s32 $0x7A00  }
0x76: {  	[tilespmem:s28], [sflag:$0x1] =	stream.indirect_vreg.gather [hbm4b:s4+s2], $0x80, v4, vm0, $0xb8;
	[tilespmem:$0x10A00] =	vst v63  }
0x77: {  	s29 =	simm.s32 $0x8200  }
0x78: {  	[tilespmem:s29], [sflag:$0x1] =	stream.indirect_vreg.gather [hbm4b:s4+s2], $0x80, v3, vm0, $0xb8;
	[tilespmem:$0x10A00] =	vst v63  }
0x79: {  	v3 =	vld [tilespmem:$0x80];
	_ =	sdelay $0x4  }
0x7a: {  	v24 =	vshll.u32 v3, $0x1  }
0x7b: {  	v3 =	vand.u32 $0x7, v3;
	v4 =	vand.u32 $0xFFFFFFF0, v24  }
0x7c: {  	v3 =	vor.u32 v3, v4  }
0x7d: {  	v4 =	vperm.xlane v3, v0;
	_ =	sdelay $0x1  }
0x7e: {  	v3 =	vperm.xlane v3, v2;
	v4 =	vadd.s32 v1, v4;
	_ =	sdelay $0x1  }
0x7f: {  	v3 =	vadd.s32 v1, v3;
	_ =	sdelay $0x2  }
0x80: {  	[tilespmem:s23], [sflag:$0x2] =	stream.indirect_vreg.gather [hbm4b:s4+s2], $0x80, v4, vm0, $0xb8;
	[tilespmem:$0x10A00] =	vst v63  }
0x81: {  	s30 =	simm.s32 $0x9200  }
0x82: {  	[tilespmem:s30], [sflag:$0x2] =	stream.indirect_vreg.gather [hbm4b:s4+s2], $0x80, v3, vm0, $0xb8;
	[tilespmem:$0x10A00] =	vst v63  }
0x83: {  	v3 =	vld [tilespmem:$0x90];
	_ =	sdelay $0x4  }
0x84: {  	v25 =	vshll.u32 v3, $0x1  }
0x85: {  	v3 =	vand.u32 $0x7, v3;
	v4 =	vand.u32 $0xFFFFFFF0, v25  }
0x86: {  	v3 =	vor.u32 v3, v4  }
0x87: {  	v4 =	vperm.xlane v3, v0;
	_ =	sdelay $0x1  }
0x88: {  	v3 =	vperm.xlane v3, v2;
	v4 =	vadd.s32 v1, v4;
	_ =	sdelay $0x1  }
0x89: {  	v3 =	vadd.s32 v1, v3;
	_ =	sdelay $0x1  }
0x8a: {  	s31 =	simm.s32 $0x9A00  }
0x8b: {  	[tilespmem:s31], [sflag:$0x2] =	stream.indirect_vreg.gather [hbm4b:s4+s2], $0x80, v4, vm0, $0xb8;
	[tilespmem:$0x10A00] =	vst v63  }
0x8c: {  	s1 =	simm.s32 $0xA200  }
0x8d: {  	[tilespmem:s1], [sflag:$0x2] =	stream.indirect_vreg.gather [hbm4b:s4+s2], $0x80, v3, vm0, $0xb8;
	[tilespmem:$0x10A00] =	vst v63  }
0x8e: {  	v3 =	vld [tilespmem:$0xA0];
	_ =	sdelay $0x4  }
0x8f: {  	v26 =	vshll.u32 v3, $0x1  }
0x90: {  	v3 =	vand.u32 $0x7, v3;
	v4 =	vand.u32 $0xFFFFFFF0, v26  }
0x91: {  	v3 =	vor.u32 v3, v4  }
0x92: {  	v4 =	vperm.xlane v3, v0;
	_ =	sdelay $0x1  }
0x93: {  	v3 =	vperm.xlane v3, v2;
	v4 =	vadd.s32 v1, v4;
	_ =	sdelay $0x1  }
0x94: {  	v3 =	vadd.s32 v1, v3;
	_ =	sdelay $0x1  }
0x95: {  	s3 =	simm.s32 $0xAA00  }
0x96: {  	[tilespmem:s3], [sflag:$0x2] =	stream.indirect_vreg.gather [hbm4b:s4+s2], $0x80, v4, vm0, $0xb8;
	[tilespmem:$0x10A00] =	vst v63  }
0x97: {  	s5 =	simm.s32 $0xB200  }
0x98: {  	[tilespmem:s5], [sflag:$0x2] =	stream.indirect_vreg.gather [hbm4b:s4+s2], $0x80, v3, vm0, $0xb8;
	[tilespmem:$0x10A00] =	vst v63  }
0x99: {  	v3 =	vld [tilespmem:$0xB0];
	_ =	sdelay $0x4  }
0x9a: {  	v27 =	vshll.u32 v3, $0x1  }
0x9b: {  	v3 =	vand.u32 $0x7, v3;
	v4 =	vand.u32 $0xFFFFFFF0, v27  }
0x9c: {  	v3 =	vor.u32 v3, v4  }
0x9d: {  	v4 =	vperm.xlane v3, v0;
	_ =	sdelay $0x1  }
0x9e: {  	v3 =	vperm.xlane v3, v2;
	v4 =	vadd.s32 v1, v4;
	_ =	sdelay $0x1  }
0x9f: {  	v3 =	vadd.s32 v1, v3;
	_ =	sdelay $0x1  }
0xa0: {  	s8 =	simm.s32 $0xBA00  }
0xa1: {  	[tilespmem:s8], [sflag:$0x2] =	stream.indirect_vreg.gather [hbm4b:s4+s2], $0x80, v4, vm0, $0xb8;
	[tilespmem:$0x10A00] =	vst v63  }
0xa2: {  	s11 =	simm.s32 $0xC200  }
0xa3: {  	[tilespmem:s11], [sflag:$0x2] =	stream.indirect_vreg.gather [hbm4b:s4+s2], $0x80, v3, vm0, $0xb8;
	[tilespmem:$0x10A00] =	vst v63  }
0xa4: {  	v3 =	vld [tilespmem:$0xC0];
	_ =	sdelay $0x4  }
0xa5: {  	v28 =	vshll.u32 v3, $0x1  }
0xa6: {  	v3 =	vand.u32 $0x7, v3;
	v4 =	vand.u32 $0xFFFFFFF0, v28  }
0xa7: {  	v3 =	vor.u32 v3, v4  }
0xa8: {  	v4 =	vperm.xlane v3, v0;
	_ =	sdelay $0x1  }
0xa9: {  	v3 =	vperm.xlane v3, v2;
	v4 =	vadd.s32 v1, v4;
	_ =	sdelay $0x1  }
0xaa: {  	v3 =	vadd.s32 v1, v3;
	_ =	sdelay $0x1  }
0xab: {  	s12 =	simm.s32 $0xCA00  }
0xac: {  	[tilespmem:s12], [sflag:$0x2] =	stream.indirect_vreg.gather [hbm4b:s4+s2], $0x80, v4, vm0, $0xb8;
	[tilespmem:$0x10A00] =	vst v63  }
0xad: {  	s16 =	simm.s32 $0xD200  }
0xae: {  	[tilespmem:s16], [sflag:$0x2] =	stream.indirect_vreg.gather [hbm4b:s4+s2], $0x80, v3, vm0, $0xb8;
	[tilespmem:$0x10A00] =	vst v63  }
0xaf: {  	v3 =	vld [tilespmem:$0xD0];
	_ =	sdelay $0x4  }
0xb0: {  	v29 =	vshll.u32 v3, $0x1  }
0xb1: {  	v3 =	vand.u32 $0x7, v3;
	v4 =	vand.u32 $0xFFFFFFF0, v29  }
0xb2: {  	v3 =	vor.u32 v3, v4  }
0xb3: {  	v4 =	vperm.xlane v3, v0;
	_ =	sdelay $0x1  }
0xb4: {  	v3 =	vperm.xlane v3, v2;
	v4 =	vadd.s32 v1, v4;
	_ =	sdelay $0x1  }
0xb5: {  	v3 =	vadd.s32 v1, v3;
	_ =	sdelay $0x1  }
0xb6: {  	s17 =	simm.s32 $0xDA00  }
0xb7: {  	[tilespmem:s17], [sflag:$0x2] =	stream.indirect_vreg.gather [hbm4b:s4+s2], $0x80, v4, vm0, $0xb8;
	[tilespmem:$0x10A00] =	vst v63  }
0xb8: {  	s22 =	simm.s32 $0xE200  }
0xb9: {  	[tilespmem:s22], [sflag:$0x2] =	stream.indirect_vreg.gather [hbm4b:s4+s2], $0x80, v3, vm0, $0xb8;
	[tilespmem:$0x10A00] =	vst v63  }
0xba: {  	v3 =	vld [tilespmem:$0xE0];
	_ =	sdelay $0x4  }
0xbb: {  	v30 =	vshll.u32 v3, $0x1  }
0xbc: {  	v3 =	vand.u32 $0x7, v3;
	v4 =	vand.u32 $0xFFFFFFF0, v30  }
0xbd: {  	v3 =	vor.u32 v3, v4  }
0xbe: {  	v4 =	vperm.xlane v3, v0;
	_ =	sdelay $0x1  }
0xbf: {  	v3 =	vperm.xlane v3, v2;
	v4 =	vadd.s32 v1, v4;
	_ =	sdelay $0x1  }
0xc0: {  	v3 =	vadd.s32 v1, v3;
	_ =	sdelay $0x1  }
0xc1: {  	s26 =	simm.s32 $0xEA00  }
0xc2: {  	[tilespmem:s26], [sflag:$0x2] =	stream.indirect_vreg.gather [hbm4b:s4+s2], $0x80, v4, vm0, $0xb8;
	[tilespmem:$0x10A00] =	vst v63  }
0xc3: {  	s28 =	simm.s32 $0xF200  }
0xc4: {  	[tilespmem:s28], [sflag:$0x2] =	stream.indirect_vreg.gather [hbm4b:s4+s2], $0x80, v3, vm0, $0xb8;
	[tilespmem:$0x10A00] =	vst v63  }
0xc5: {  	v3 =	vld [tilespmem:$0xF0];
	_ =	sdelay $0x4  }
0xc6: {  	v31 =	vshll.u32 v3, $0x1  }
0xc7: {  	v3 =	vand.u32 $0x7, v3;
	v4 =	vand.u32 $0xFFFFFFF0, v31  }
0xc8: {  	v3 =	vor.u32 v3, v4  }
0xc9: {  	v4 =	vperm.xlane v3, v0;
	_ =	sdelay $0x1  }
0xca: {  	v3 =	vperm.xlane v3, v2;
	v4 =	vadd.s32 v1, v4;
	_ =	sdelay $0x1  }
0xcb: {  	v3 =	vadd.s32 v1, v3;
	_ =	sdelay $0x1  }
0xcc: {  	s29 =	simm.s32 $0xFA00  }
0xcd: {  	[tilespmem:s29], [sflag:$0x2] =	stream.indirect_vreg.gather [hbm4b:s4+s2], $0x80, v4, vm0, $0xb8;
	[tilespmem:$0x10A00] =	vst v63  }
0xce: {  	s30 =	simm.s32 $0x10200  }
0xcf: {  	[tilespmem:s30], [sflag:$0x2] =	stream.indirect_vreg.gather [hbm4b:s4+s2], $0x80, v3, vm0, $0xb8;
	[tilespmem:$0x10A00] =	vst v63  }
0xd0: {  	_ =	swait.ge [sflag:s13], $0x8000  }
0xd1: {  	[sflag:s13] =	ssyncset.done $0x0  }
0xd2: {  	s31 =	rddreg [dreg:$0x17];
	[sflag:s13] =	ssyncadd.s32 $0xFFFF8000  }
0xd3: {  	[hbm4b:s31+s2] =	stream.linear.scatter [tilespmem:s7], [sflag:$0x3], $0x8000, $0x38;
	[tilespmem:$0x10A00] =	vst v63  }
0xd4: {  	_ =	swait.ge [sflag:s6], $0x8000  }
0xd5: {  	[sflag:s6] =	ssyncset.done $0x0  }
0xd6: {  	[sflag:s6] =	ssyncadd.s32 $0xFFFF8000  }
0xd7: {  	v3 =	vld [tilespmem:$0x100];
	_ =	sdelay $0x4  }
0xd8: {  	v32 =	vshll.u32 v3, $0x1  }
0xd9: {  	v3 =	vand.u32 $0x7, v3;
	v4 =	vand.u32 $0xFFFFFFF0, v32  }
0xda: {  	v3 =	vor.u32 v3, v4  }
0xdb: {  	v4 =	vperm.xlane v3, v0;
	_ =	sdelay $0x1  }
0xdc: {  	v3 =	vperm.xlane v3, v2;
	v4 =	vadd.s32 v1, v4;
	_ =	sdelay $0x1  }
0xdd: {  	v3 =	vadd.s32 v1, v3;
	_ =	sdelay $0x2  }
0xde: {  	[tilespmem:s7], [sflag:$0x1] =	stream.indirect_vreg.gather [hbm4b:s4+s2], $0x80, v4, vm0, $0xb8;
	[tilespmem:$0x10A00] =	vst v63  }
0xdf: {  	s20 =	simm.s32 $0x1200  }
0xe0: {  	[tilespmem:s20], [sflag:$0x1] =	stream.indirect_vreg.gather [hbm4b:s4+s2], $0x80, v3, vm0, $0xb8;
	[tilespmem:$0x10A00] =	vst v63  }
0xe1: {  	v3 =	vld [tilespmem:$0x110];
	_ =	sdelay $0x4  }
0xe2: {  	v33 =	vshll.u32 v3, $0x1  }
0xe3: {  	v3 =	vand.u32 $0x7, v3;
	v4 =	vand.u32 $0xFFFFFFF0, v33  }
0xe4: {  	v3 =	vor.u32 v3, v4  }
0xe5: {  	v4 =	vperm.xlane v3, v0;
	_ =	sdelay $0x1  }
0xe6: {  	v3 =	vperm.xlane v3, v2;
	v4 =	vadd.s32 v1, v4;
	_ =	sdelay $0x1  }
0xe7: {  	v3 =	vadd.s32 v1, v3;
	_ =	sdelay $0x1  }
0xe8: {  	s18 =	simm.s32 $0x1A00  }
0xe9: {  	[tilespmem:s18], [sflag:$0x1] =	stream.indirect_vreg.gather [hbm4b:s4+s2], $0x80, v4, vm0, $0xb8;
	[tilespmem:$0x10A00] =	vst v63  }
0xea: {  	s21 =	simm.s32 $0x2200  }
0xeb: {  	[tilespmem:s21], [sflag:$0x1] =	stream.indirect_vreg.gather [hbm4b:s4+s2], $0x80, v3, vm0, $0xb8;
	[tilespmem:$0x10A00] =	vst v63  }
0xec: {  	v3 =	vld [tilespmem:$0x120];
	_ =	sdelay $0x4  }
0xed: {  	v34 =	vshll.u32 v3, $0x1  }
0xee: {  	v3 =	vand.u32 $0x7, v3;
	v4 =	vand.u32 $0xFFFFFFF0, v34  }
0xef: {  	v3 =	vor.u32 v3, v4  }
0xf0: {  	v4 =	vperm.xlane v3, v0;
	_ =	sdelay $0x1  }
0xf1: {  	v3 =	vperm.xlane v3, v2;
	v4 =	vadd.s32 v1, v4;
	_ =	sdelay $0x1  }
0xf2: {  	v3 =	vadd.s32 v1, v3;
	_ =	sdelay $0x1  }
0xf3: {  	s20 =	simm.s32 $0x2A00  }
0xf4: {  	[tilespmem:s20], [sflag:$0x1] =	stream.indirect_vreg.gather [hbm4b:s4+s2], $0x80, v4, vm0, $0xb8;
	[tilespmem:$0x10A00] =	vst v63  }
0xf5: {  	s22 =	simm.s32 $0x3200  }
0xf6: {  	[tilespmem:s22], [sflag:$0x1] =	stream.indirect_vreg.gather [hbm4b:s4+s2], $0x80, v3, vm0, $0xb8;
	[tilespmem:$0x10A00] =	vst v63  }
0xf7: {  	v3 =	vld [tilespmem:$0x130];
	_ =	sdelay $0x4  }
0xf8: {  	v35 =	vshll.u32 v3, $0x1  }
0xf9: {  	v3 =	vand.u32 $0x7, v3;
	v4 =	vand.u32 $0xFFFFFFF0, v35  }
0xfa: {  	v3 =	vor.u32 v3, v4  }
0xfb: {  	v4 =	vperm.xlane v3, v0;
	_ =	sdelay $0x1  }
0xfc: {  	v3 =	vperm.xlane v3, v2;
	v4 =	vadd.s32 v1, v4;
	_ =	sdelay $0x1  }
0xfd: {  	v3 =	vadd.s32 v1, v3;
	_ =	sdelay $0x1  }
0xfe: {  	s21 =	simm.s32 $0x3A00  }
0xff: {  	[tilespmem:s21], [sflag:$0x1] =	stream.indirect_vreg.gather [hbm4b:s4+s2], $0x80, v4, vm0, $0xb8;
	[tilespmem:$0x10A00] =	vst v63  }
0x100: {  	s24 =	simm.s32 $0x4200  }
0x101: {  	[tilespmem:s24], [sflag:$0x1] =	stream.indirect_vreg.gather [hbm4b:s4+s2], $0x80, v3, vm0, $0xb8;
	[tilespmem:$0x10A00] =	vst v63  }
0x102: {  	v3 =	vld [tilespmem:$0x140];
	_ =	sdelay $0x4  }
0x103: {  	v36 =	vshll.u32 v3, $0x1  }
0x104: {  	v3 =	vand.u32 $0x7, v3;
	v4 =	vand.u32 $0xFFFFFFF0, v36  }
0x105: {  	v3 =	vor.u32 v3, v4  }
0x106: {  	v4 =	vperm.xlane v3, v0;
	_ =	sdelay $0x1  }
0x107: {  	v3 =	vperm.xlane v3, v2;
	v4 =	vadd.s32 v1, v4;
	_ =	sdelay $0x1  }
0x108: {  	v3 =	vadd.s32 v1, v3;
	_ =	sdelay $0x1  }
0x109: {  	s24 =	simm.s32 $0x4A00  }
0x10a: {  	[tilespmem:s24], [sflag:$0x1] =	stream.indirect_vreg.gather [hbm4b:s4+s2], $0x80, v4, vm0, $0xb8;
	[tilespmem:$0x10A00] =	vst v63  }
0x10b: {  	s26 =	simm.s32 $0x5200  }
0x10c: {  	[tilespmem:s26], [sflag:$0x1] =	stream.indirect_vreg.gather [hbm4b:s4+s2], $0x80, v3, vm0, $0xb8;
	[tilespmem:$0x10A00] =	vst v63  }
0x10d: {  	v3 =	vld [tilespmem:$0x150];
	_ =	sdelay $0x4  }
0x10e: {  	v37 =	vshll.u32 v3, $0x1  }
0x10f: {  	v3 =	vand.u32 $0x7, v3;
	v4 =	vand.u32 $0xFFFFFFF0, v37  }
0x110: {  	v3 =	vor.u32 v3, v4  }
0x111: {  	v4 =	vperm.xlane v3, v0;
	_ =	sdelay $0x1  }
0x112: {  	v3 =	vperm.xlane v3, v2;
	v4 =	vadd.s32 v1, v4;
	_ =	sdelay $0x1  }
0x113: {  	v3 =	vadd.s32 v1, v3;
	_ =	sdelay $0x1  }
0x114: {  	s25 =	simm.s32 $0x5A00  }
0x115: {  	[tilespmem:s25], [sflag:$0x1] =	stream.indirect_vreg.gather [hbm4b:s4+s2], $0x80, v4, vm0, $0xb8;
	[tilespmem:$0x10A00] =	vst v63  }
0x116: {  	s28 =	simm.s32 $0x6200  }
0x117: {  	[tilespmem:s28], [sflag:$0x1] =	stream.indirect_vreg.gather [hbm4b:s4+s2], $0x80, v3, vm0, $0xb8;
	[tilespmem:$0x10A00] =	vst v63  }
0x118: {  	v3 =	vld [tilespmem:$0x160];
	_ =	sdelay $0x4  }
0x119: {  	v38 =	vshll.u32 v3, $0x1  }
0x11a: {  	v3 =	vand.u32 $0x7, v3;
	v4 =	vand.u32 $0xFFFFFFF0, v38  }
0x11b: {  	v3 =	vor.u32 v3, v4  }
0x11c: {  	v4 =	vperm.xlane v3, v0;
	_ =	sdelay $0x1  }
0x11d: {  	v3 =	vperm.xlane v3, v2;
	v4 =	vadd.s32 v1, v4;
	_ =	sdelay $0x1  }
0x11e: {  	v3 =	vadd.s32 v1, v3;
	_ =	sdelay $0x1  }
0x11f: {  	s29 =	simm.s32 $0x6A00  }
0x120: {  	[tilespmem:s29], [sflag:$0x1] =	stream.indirect_vreg.gather [hbm4b:s4+s2], $0x80, v4, vm0, $0xb8;
	[tilespmem:$0x10A00] =	vst v63  }
0x121: {  	s30 =	simm.s32 $0x7200  }
0x122: {  	[tilespmem:s30], [sflag:$0x1] =	stream.indirect_vreg.gather [hbm4b:s4+s2], $0x80, v3, vm0, $0xb8;
	[tilespmem:$0x10A00] =	vst v63  }
0x123: {  	v3 =	vld [tilespmem:$0x170];
	_ =	sdelay $0x4  }
0x124: {  	v39 =	vshll.u32 v3, $0x1  }
0x125: {  	v3 =	vand.u32 $0x7, v3;
	v4 =	vand.u32 $0xFFFFFFF0, v39  }
0x126: {  	v3 =	vor.u32 v3, v4  }
0x127: {  	v4 =	vperm.xlane v3, v0;
	_ =	sdelay $0x1  }
0x128: {  	v3 =	vperm.xlane v3, v2;
	v4 =	vadd.s32 v1, v4;
	_ =	sdelay $0x1  }
0x129: {  	v3 =	vadd.s32 v1, v3;
	_ =	sdelay $0x1  }
0x12a: {  	s31 =	simm.s32 $0x7A00  }
0x12b: {  	[tilespmem:s31], [sflag:$0x1] =	stream.indirect_vreg.gather [hbm4b:s4+s2], $0x80, v4, vm0, $0xb8;
	[tilespmem:$0x10A00] =	vst v63  }
0x12c: {  	s25 =	simm.s32 $0x8200  }
0x12d: {  	[tilespmem:s25], [sflag:$0x1] =	stream.indirect_vreg.gather [hbm4b:s4+s2], $0x80, v3, vm0, $0xb8;
	[tilespmem:$0x10A00] =	vst v63  }
0x12e: {  	_ =	swait.ge [sflag:s14], $0x8000  }
0x12f: {  	[sflag:s14] =	ssyncset.done $0x0  }
0x130: {  	s18 =	rddreg [dreg:$0x4];
	[sflag:s14] =	ssyncadd.s32 $0xFFFF8000  }
0x131: {  	[hbm4b:s18+s2] =	stream.linear.scatter [tilespmem:s23], [sflag:$0x3], $0x8000, $0x38;
	[tilespmem:$0x10A00] =	vst v63  }
0x132: {  	_ =	swait.ge [sflag:s6], $0x8000  }
0x133: {  	[sflag:s6] =	ssyncset.done $0x0  }
0x134: {  	[sflag:s6] =	ssyncadd.s32 $0xFFFF8000  }
0x135: {  	v3 =	vld [tilespmem:$0x180];
	_ =	sdelay $0x4  }
0x136: {  	v40 =	vshll.u32 v3, $0x1  }
0x137: {  	v3 =	vand.u32 $0x7, v3;
	v4 =	vand.u32 $0xFFFFFFF0, v40  }
0x138: {  	v3 =	vor.u32 v3, v4  }
0x139: {  	v4 =	vperm.xlane v3, v0;
	_ =	sdelay $0x1  }
0x13a: {  	v3 =	vperm.xlane v3, v2;
	v4 =	vadd.s32 v1, v4;
	_ =	sdelay $0x1  }
0x13b: {  	v3 =	vadd.s32 v1, v3;
	_ =	sdelay $0x2  }
0x13c: {  	[tilespmem:s23], [sflag:$0x2] =	stream.indirect_vreg.gather [hbm4b:s4+s2], $0x80, v4, vm0, $0xb8;
	[tilespmem:$0x10A00] =	vst v63  }
0x13d: {  	s9 =	simm.s32 $0x9200  }
0x13e: {  	[tilespmem:s9], [sflag:$0x2] =	stream.indirect_vreg.gather [hbm4b:s4+s2], $0x80, v3, vm0, $0xb8;
	[tilespmem:$0x10A00] =	vst v63  }
0x13f: {  	v3 =	vld [tilespmem:$0x190];
	_ =	sdelay $0x4  }
0x140: {  	v41 =	vshll.u32 v3, $0x1  }
0x141: {  	v3 =	vand.u32 $0x7, v3;
	v4 =	vand.u32 $0xFFFFFFF0, v41  }
0x142: {  	v3 =	vor.u32 v3, v4  }
0x143: {  	v4 =	vperm.xlane v3, v0;
	_ =	sdelay $0x1  }
0x144: {  	v3 =	vperm.xlane v3, v2;
	v4 =	vadd.s32 v1, v4;
	_ =	sdelay $0x1  }
0x145: {  	v3 =	vadd.s32 v1, v3;
	_ =	sdelay $0x1  }
0x146: {  	s9 =	simm.s32 $0x9A00  }
0x147: {  	[tilespmem:s9], [sflag:$0x2] =	stream.indirect_vreg.gather [hbm4b:s4+s2], $0x80, v4, vm0, $0xb8;
	[tilespmem:$0x10A00] =	vst v63  }
0x148: {  	s10 =	simm.s32 $0xA200  }
0x149: {  	[tilespmem:s10], [sflag:$0x2] =	stream.indirect_vreg.gather [hbm4b:s4+s2], $0x80, v3, vm0, $0xb8;
	[tilespmem:$0x10A00] =	vst v63  }
0x14a: {  	v3 =	vld [tilespmem:$0x1A0];
	_ =	sdelay $0x4  }
0x14b: {  	v42 =	vshll.u32 v3, $0x1  }
0x14c: {  	v3 =	vand.u32 $0x7, v3;
	v4 =	vand.u32 $0xFFFFFFF0, v42  }
0x14d: {  	v3 =	vor.u32 v3, v4  }
0x14e: {  	v4 =	vperm.xlane v3, v0;
	_ =	sdelay $0x1  }
0x14f: {  	v3 =	vperm.xlane v3, v2;
	v4 =	vadd.s32 v1, v4;
	_ =	sdelay $0x1  }
0x150: {  	v3 =	vadd.s32 v1, v3;
	_ =	sdelay $0x1  }
0x151: {  	s10 =	simm.s32 $0xAA00  }
0x152: {  	[tilespmem:s10], [sflag:$0x2] =	stream.indirect_vreg.gather [hbm4b:s4+s2], $0x80, v4, vm0, $0xb8;
	[tilespmem:$0x10A00] =	vst v63  }
0x153: {  	s18 =	simm.s32 $0xB200  }
0x154: {  	[tilespmem:s18], [sflag:$0x2] =	stream.indirect_vreg.gather [hbm4b:s4+s2], $0x80, v3, vm0, $0xb8;
	[tilespmem:$0x10A00] =	vst v63  }
0x155: {  	v3 =	vld [tilespmem:$0x1B0];
	_ =	sdelay $0x4  }
0x156: {  	v43 =	vshll.u32 v3, $0x1  }
0x157: {  	v3 =	vand.u32 $0x7, v3;
	v4 =	vand.u32 $0xFFFFFFF0, v43  }
0x158: {  	v3 =	vor.u32 v3, v4  }
0x159: {  	v4 =	vperm.xlane v3, v0;
	_ =	sdelay $0x1  }
0x15a: {  	v3 =	vperm.xlane v3, v2;
	v4 =	vadd.s32 v1, v4;
	_ =	sdelay $0x1  }
0x15b: {  	v3 =	vadd.s32 v1, v3;
	_ =	sdelay $0x1  }
0x15c: {  	s8 =	simm.s32 $0xBA00  }
0x15d: {  	[tilespmem:s8], [sflag:$0x2] =	stream.indirect_vreg.gather [hbm4b:s4+s2], $0x80, v4, vm0, $0xb8;
	[tilespmem:$0x10A00] =	vst v63  }
0x15e: {  	s19 =	simm.s32 $0xC200  }
0x15f: {  	[tilespmem:s19], [sflag:$0x2] =	stream.indirect_vreg.gather [hbm4b:s4+s2], $0x80, v3, vm0, $0xb8;
	[tilespmem:$0x10A00] =	vst v63  }
0x160: {  	v3 =	vld [tilespmem:$0x1C0];
	_ =	sdelay $0x4  }
0x161: {  	v44 =	vshll.u32 v3, $0x1  }
0x162: {  	v3 =	vand.u32 $0x7, v3;
	v4 =	vand.u32 $0xFFFFFFF0, v44  }
0x163: {  	v3 =	vor.u32 v3, v4  }
0x164: {  	v4 =	vperm.xlane v3, v0;
	_ =	sdelay $0x1  }
0x165: {  	v3 =	vperm.xlane v3, v2;
	v4 =	vadd.s32 v1, v4;
	_ =	sdelay $0x1  }
0x166: {  	v3 =	vadd.s32 v1, v3;
	_ =	sdelay $0x1  }
0x167: {  	s0 =	simm.s32 $0xCA00  }
0x168: {  	[tilespmem:s0], [sflag:$0x2] =	stream.indirect_vreg.gather [hbm4b:s4+s2], $0x80, v4, vm0, $0xb8;
	[tilespmem:$0x10A00] =	vst v63  }
0x169: {  	s11 =	simm.s32 $0xD200  }
0x16a: {  	[tilespmem:s11], [sflag:$0x2] =	stream.indirect_vreg.gather [hbm4b:s4+s2], $0x80, v3, vm0, $0xb8;
	[tilespmem:$0x10A00] =	vst v63  }
0x16b: {  	v3 =	vld [tilespmem:$0x1D0];
	_ =	sdelay $0x4  }
0x16c: {  	v45 =	vshll.u32 v3, $0x1  }
0x16d: {  	v3 =	vand.u32 $0x7, v3;
	v4 =	vand.u32 $0xFFFFFFF0, v45  }
0x16e: {  	v3 =	vor.u32 v3, v4  }
0x16f: {  	v4 =	vperm.xlane v3, v0;
	_ =	sdelay $0x1  }
0x170: {  	v3 =	vperm.xlane v3, v2;
	v4 =	vadd.s32 v1, v4;
	_ =	sdelay $0x1  }
0x171: {  	v3 =	vadd.s32 v1, v3;
	_ =	sdelay $0x1  }
0x172: {  	s1 =	simm.s32 $0xDA00  }
0x173: {  	[tilespmem:s1], [sflag:$0x2] =	stream.indirect_vreg.gather [hbm4b:s4+s2], $0x80, v4, vm0, $0xb8;
	[tilespmem:$0x10A00] =	vst v63  }
0x174: {  	s12 =	simm.s32 $0xE200  }
0x175: {  	[tilespmem:s12], [sflag:$0x2] =	stream.indirect_vreg.gather [hbm4b:s4+s2], $0x80, v3, vm0, $0xb8;
	[tilespmem:$0x10A00] =	vst v63  }
0x176: {  	v3 =	vld [tilespmem:$0x1E0];
	_ =	sdelay $0x4  }
0x177: {  	v46 =	vshll.u32 v3, $0x1  }
0x178: {  	v3 =	vand.u32 $0x7, v3;
	v4 =	vand.u32 $0xFFFFFFF0, v46  }
0x179: {  	v3 =	vor.u32 v3, v4  }
0x17a: {  	v4 =	vperm.xlane v3, v0;
	_ =	sdelay $0x1  }
0x17b: {  	v3 =	vperm.xlane v3, v2;
	v4 =	vadd.s32 v1, v4;
	_ =	sdelay $0x1  }
0x17c: {  	v3 =	vadd.s32 v1, v3;
	_ =	sdelay $0x1  }
0x17d: {  	s3 =	simm.s32 $0xEA00  }
0x17e: {  	[tilespmem:s3], [sflag:$0x2] =	stream.indirect_vreg.gather [hbm4b:s4+s2], $0x80, v4, vm0, $0xb8;
	[tilespmem:$0x10A00] =	vst v63  }
0x17f: {  	s16 =	simm.s32 $0xF200  }
0x180: {  	[tilespmem:s16], [sflag:$0x2] =	stream.indirect_vreg.gather [hbm4b:s4+s2], $0x80, v3, vm0, $0xb8;
	[tilespmem:$0x10A00] =	vst v63  }
0x181: {  	v3 =	vld [tilespmem:$0x1F0];
	_ =	sdelay $0x4  }
0x182: {  	v47 =	vshll.u32 v3, $0x1  }
0x183: {  	v3 =	vand.u32 $0x7, v3;
	v4 =	vand.u32 $0xFFFFFFF0, v47  }
0x184: {  	v3 =	vor.u32 v3, v4  }
0x185: {  	v4 =	vperm.xlane v3, v0;
	_ =	sdelay $0x1  }
0x186: {  	v3 =	vperm.xlane v3, v2;
	v4 =	vadd.s32 v1, v4;
	_ =	sdelay $0x1  }
0x187: {  	v3 =	vadd.s32 v1, v3;
	_ =	sdelay $0x1  }
0x188: {  	s5 =	simm.s32 $0xFA00  }
0x189: {  	[tilespmem:s5], [sflag:$0x2] =	stream.indirect_vreg.gather [hbm4b:s4+s2], $0x80, v4, vm0, $0xb8;
	[tilespmem:$0x10A00] =	vst v63  }
0x18a: {  	s17 =	simm.s32 $0x10200  }
0x18b: {  	[tilespmem:s17], [sflag:$0x2] =	stream.indirect_vreg.gather [hbm4b:s4+s2], $0x80, v3, vm0, $0xb8;
	[tilespmem:$0x10A00] =	vst v63  }
0x18c: {  	_ =	swait.ge [sflag:s13], $0x8000  }
0x18d: {  	[sflag:s13] =	ssyncset.done $0x0  }
0x18e: {  	s15 =	rddreg [dreg:$0x5];
	[sflag:s13] =	ssyncadd.s32 $0xFFFF8000  }
0x18f: {  	[hbm4b:s15+s2] =	stream.linear.scatter [tilespmem:s7], [sflag:$0x3], $0x8000, $0x38;
	[tilespmem:$0x10A00] =	vst v63  }
0x190: {  	_ =	swait.ge [sflag:s6], $0x8000  }
0x191: {  	[sflag:s6] =	ssyncset.done $0x0  }
0x192: {  	[sflag:s6] =	ssyncadd.s32 $0xFFFF8000  }
0x193: {  	v3 =	vld [tilespmem:$0x200];
	_ =	sdelay $0x4  }
0x194: {  	v48 =	vshll.u32 v3, $0x1  }
0x195: {  	v3 =	vand.u32 $0x7, v3;
	v4 =	vand.u32 $0xFFFFFFF0, v48  }
0x196: {  	v3 =	vor.u32 v3, v4  }
0x197: {  	v4 =	vperm.xlane v3, v0;
	_ =	sdelay $0x1  }
0x198: {  	v3 =	vperm.xlane v3, v2;
	v4 =	vadd.s32 v1, v4;
	_ =	sdelay $0x1  }
0x199: {  	v3 =	vadd.s32 v1, v3;
	_ =	sdelay $0x2  }
0x19a: {  	[tilespmem:s7], [sflag:$0x1] =	stream.indirect_vreg.gather [hbm4b:s4+s2], $0x80, v4, vm0, $0xb8;
	[tilespmem:$0x10A00] =	vst v63  }
0x19b: {  	s15 =	simm.s32 $0x1200  }
0x19c: {  	[tilespmem:s15], [sflag:$0x1] =	stream.indirect_vreg.gather [hbm4b:s4+s2], $0x80, v3, vm0, $0xb8;
	[tilespmem:$0x10A00] =	vst v63  }
0x19d: {  	v3 =	vld [tilespmem:$0x210];
	_ =	sdelay $0x4  }
0x19e: {  	v49 =	vshll.u32 v3, $0x1  }
0x19f: {  	v3 =	vand.u32 $0x7, v3;
	v4 =	vand.u32 $0xFFFFFFF0, v49  }
0x1a0: {  	v3 =	vor.u32 v3, v4  }
0x1a1: {  	v4 =	vperm.xlane v3, v0;
	_ =	sdelay $0x1  }
0x1a2: {  	v3 =	vperm.xlane v3, v2;
	v4 =	vadd.s32 v1, v4;
	_ =	sdelay $0x1  }
0x1a3: {  	v3 =	vadd.s32 v1, v3;
	_ =	sdelay $0x1  }
0x1a4: {  	s15 =	simm.s32 $0x1A00  }
0x1a5: {  	[tilespmem:s15], [sflag:$0x1] =	stream.indirect_vreg.gather [hbm4b:s4+s2], $0x80, v4, vm0, $0xb8;
	[tilespmem:$0x10A00] =	vst v63  }
0x1a6: {  	s15 =	simm.s32 $0x2200  }
0x1a7: {  	[tilespmem:s15], [sflag:$0x1] =	stream.indirect_vreg.gather [hbm4b:s4+s2], $0x80, v3, vm0, $0xb8;
	[tilespmem:$0x10A00] =	vst v63  }
0x1a8: {  	v3 =	vld [tilespmem:$0x220];
	_ =	sdelay $0x4  }
0x1a9: {  	v50 =	vshll.u32 v3, $0x1  }
0x1aa: {  	v3 =	vand.u32 $0x7, v3;
	v4 =	vand.u32 $0xFFFFFFF0, v50  }
0x1ab: {  	v3 =	vor.u32 v3, v4  }
0x1ac: {  	v4 =	vperm.xlane v3, v0;
	_ =	sdelay $0x1  }
0x1ad: {  	v3 =	vperm.xlane v3, v2;
	v4 =	vadd.s32 v1, v4;
	_ =	sdelay $0x1  }
0x1ae: {  	v3 =	vadd.s32 v1, v3;
	_ =	sdelay $0x2  }
0x1af: {  	[tilespmem:s20], [sflag:$0x1] =	stream.indirect_vreg.gather [hbm4b:s4+s2], $0x80, v4, vm0, $0xb8;
	[tilespmem:$0x10A00] =	vst v63  }
0x1b0: {  	_ = 	snop  }
0x1b1: {  	[tilespmem:s22], [sflag:$0x1] =	stream.indirect_vreg.gather [hbm4b:s4+s2], $0x80, v3, vm0, $0xb8;
	[tilespmem:$0x10A00] =	vst v63  }
0x1b2: {  	v3 =	vld [tilespmem:$0x230];
	_ =	sdelay $0x4  }
0x1b3: {  	v51 =	vshll.u32 v3, $0x1  }
0x1b4: {  	v3 =	vand.u32 $0x7, v3;
	v4 =	vand.u32 $0xFFFFFFF0, v51  }
0x1b5: {  	v3 =	vor.u32 v3, v4  }
0x1b6: {  	v4 =	vperm.xlane v3, v0;
	_ =	sdelay $0x1  }
0x1b7: {  	v3 =	vperm.xlane v3, v2;
	v4 =	vadd.s32 v1, v4;
	_ =	sdelay $0x1  }
0x1b8: {  	v3 =	vadd.s32 v1, v3;
	_ =	sdelay $0x2  }
0x1b9: {  	[tilespmem:s21], [sflag:$0x1] =	stream.indirect_vreg.gather [hbm4b:s4+s2], $0x80, v4, vm0, $0xb8;
	[tilespmem:$0x10A00] =	vst v63  }
0x1ba: {  	s15 =	simm.s32 $0x4200  }
0x1bb: {  	[tilespmem:s15], [sflag:$0x1] =	stream.indirect_vreg.gather [hbm4b:s4+s2], $0x80, v3, vm0, $0xb8;
	[tilespmem:$0x10A00] =	vst v63  }
0x1bc: {  	v3 =	vld [tilespmem:$0x240];
	_ =	sdelay $0x4  }
0x1bd: {  	v52 =	vshll.u32 v3, $0x1  }
0x1be: {  	v3 =	vand.u32 $0x7, v3;
	v4 =	vand.u32 $0xFFFFFFF0, v52  }
0x1bf: {  	v3 =	vor.u32 v3, v4  }
0x1c0: {  	v4 =	vperm.xlane v3, v0;
	_ =	sdelay $0x1  }
0x1c1: {  	v3 =	vperm.xlane v3, v2;
	v4 =	vadd.s32 v1, v4;
	_ =	sdelay $0x1  }
0x1c2: {  	v3 =	vadd.s32 v1, v3;
	_ =	sdelay $0x2  }
0x1c3: {  	[tilespmem:s24], [sflag:$0x1] =	stream.indirect_vreg.gather [hbm4b:s4+s2], $0x80, v4, vm0, $0xb8;
	[tilespmem:$0x10A00] =	vst v63  }
0x1c4: {  	_ = 	snop  }
0x1c5: {  	[tilespmem:s26], [sflag:$0x1] =	stream.indirect_vreg.gather [hbm4b:s4+s2], $0x80, v3, vm0, $0xb8;
	[tilespmem:$0x10A00] =	vst v63  }
0x1c6: {  	v3 =	vld [tilespmem:$0x250];
	_ =	sdelay $0x4  }
0x1c7: {  	v53 =	vshll.u32 v3, $0x1  }
0x1c8: {  	v3 =	vand.u32 $0x7, v3;
	v4 =	vand.u32 $0xFFFFFFF0, v53  }
0x1c9: {  	v3 =	vor.u32 v3, v4  }
0x1ca: {  	v4 =	vperm.xlane v3, v0;
	_ =	sdelay $0x1  }
0x1cb: {  	v3 =	vperm.xlane v3, v2;
	v4 =	vadd.s32 v1, v4;
	_ =	sdelay $0x1  }
0x1cc: {  	v3 =	vadd.s32 v1, v3;
	_ =	sdelay $0x1  }
0x1cd: {  	s15 =	simm.s32 $0x5A00  }
0x1ce: {  	[tilespmem:s15], [sflag:$0x1] =	stream.indirect_vreg.gather [hbm4b:s4+s2], $0x80, v4, vm0, $0xb8;
	[tilespmem:$0x10A00] =	vst v63  }
0x1cf: {  	_ = 	snop  }
0x1d0: {  	[tilespmem:s28], [sflag:$0x1] =	stream.indirect_vreg.gather [hbm4b:s4+s2], $0x80, v3, vm0, $0xb8;
	[tilespmem:$0x10A00] =	vst v63  }
0x1d1: {  	v3 =	vld [tilespmem:$0x260];
	_ =	sdelay $0x4  }
0x1d2: {  	v54 =	vshll.u32 v3, $0x1  }
0x1d3: {  	v3 =	vand.u32 $0x7, v3;
	v4 =	vand.u32 $0xFFFFFFF0, v54  }
0x1d4: {  	v3 =	vor.u32 v3, v4  }
0x1d5: {  	v4 =	vperm.xlane v3, v0;
	_ =	sdelay $0x1  }
0x1d6: {  	v3 =	vperm.xlane v3, v2;
	v4 =	vadd.s32 v1, v4;
	_ =	sdelay $0x1  }
0x1d7: {  	v3 =	vadd.s32 v1, v3;
	_ =	sdelay $0x2  }
0x1d8: {  	[tilespmem:s29], [sflag:$0x1] =	stream.indirect_vreg.gather [hbm4b:s4+s2], $0x80, v4, vm0, $0xb8;
	[tilespmem:$0x10A00] =	vst v63  }
0x1d9: {  	_ = 	snop  }
0x1da: {  	[tilespmem:s30], [sflag:$0x1] =	stream.indirect_vreg.gather [hbm4b:s4+s2], $0x80, v3, vm0, $0xb8;
	[tilespmem:$0x10A00] =	vst v63  }
0x1db: {  	v3 =	vld [tilespmem:$0x270];
	_ =	sdelay $0x4  }
0x1dc: {  	v55 =	vshll.u32 v3, $0x1  }
0x1dd: {  	v3 =	vand.u32 $0x7, v3;
	v4 =	vand.u32 $0xFFFFFFF0, v55  }
0x1de: {  	v3 =	vor.u32 v3, v4  }
0x1df: {  	v4 =	vperm.xlane v3, v0;
	_ =	sdelay $0x1  }
0x1e0: {  	v3 =	vperm.xlane v3, v2;
	v4 =	vadd.s32 v1, v4;
	_ =	sdelay $0x1  }
0x1e1: {  	v3 =	vadd.s32 v1, v3;
	_ =	sdelay $0x2  }
0x1e2: {  	[tilespmem:s31], [sflag:$0x1] =	stream.indirect_vreg.gather [hbm4b:s4+s2], $0x80, v4, vm0, $0xb8;
	[tilespmem:$0x10A00] =	vst v63  }
0x1e3: {  	_ = 	snop  }
0x1e4: {  	[tilespmem:s25], [sflag:$0x1] =	stream.indirect_vreg.gather [hbm4b:s4+s2], $0x80, v3, vm0, $0xb8;
	[tilespmem:$0x10A00] =	vst v63  }
0x1e5: {  	_ =	swait.ge [sflag:s14], $0x8000  }
0x1e6: {  	[sflag:s14] =	ssyncset.done $0x0  }
0x1e7: {  	s15 =	rddreg [dreg:$0x6];
	[sflag:s14] =	ssyncadd.s32 $0xFFFF8000  }
0x1e8: {  	[hbm4b:s15+s2] =	stream.linear.scatter [tilespmem:s23], [sflag:$0x3], $0x8000, $0x38;
	[tilespmem:$0x10A00] =	vst v63  }
0x1e9: {  	_ =	swait.ge [sflag:s6], $0x8000  }
0x1ea: {  	[sflag:s6] =	ssyncset.done $0x0  }
0x1eb: {  	[sflag:s6] =	ssyncadd.s32 $0xFFFF8000  }
0x1ec: {  	v3 =	vld [tilespmem:$0x280];
	_ =	sdelay $0x4  }
0x1ed: {  	v56 =	vshll.u32 v3, $0x1  }
0x1ee: {  	v3 =	vand.u32 $0x7, v3;
	v4 =	vand.u32 $0xFFFFFFF0, v56  }
0x1ef: {  	v3 =	vor.u32 v3, v4  }
0x1f0: {  	v4 =	vperm.xlane v3, v0;
	_ =	sdelay $0x1  }
0x1f1: {  	v3 =	vperm.xlane v3, v2;
	v4 =	vadd.s32 v1, v4;
	_ =	sdelay $0x1  }
0x1f2: {  	v3 =	vadd.s32 v1, v3;
	_ =	sdelay $0x2  }
0x1f3: {  	[tilespmem:s23], [sflag:$0x2] =	stream.indirect_vreg.gather [hbm4b:s4+s2], $0x80, v4, vm0, $0xb8;
	[tilespmem:$0x10A00] =	vst v63  }
0x1f4: {  	s15 =	simm.s32 $0x9200  }
0x1f5: {  	[tilespmem:s15], [sflag:$0x2] =	stream.indirect_vreg.gather [hbm4b:s4+s2], $0x80, v3, vm0, $0xb8;
	[tilespmem:$0x10A00] =	vst v63  }
0x1f6: {  	v3 =	vld [tilespmem:$0x290];
	_ =	sdelay $0x4  }
0x1f7: {  	v57 =	vshll.u32 v3, $0x1  }
0x1f8: {  	v3 =	vand.u32 $0x7, v3;
	v4 =	vand.u32 $0xFFFFFFF0, v57  }
0x1f9: {  	v3 =	vor.u32 v3, v4  }
0x1fa: {  	v4 =	vperm.xlane v3, v0;
	_ =	sdelay $0x1  }
0x1fb: {  	v3 =	vperm.xlane v3, v2;
	v4 =	vadd.s32 v1, v4;
	_ =	sdelay $0x1  }
0x1fc: {  	v3 =	vadd.s32 v1, v3;
	_ =	sdelay $0x2  }
0x1fd: {  	[tilespmem:s9], [sflag:$0x2] =	stream.indirect_vreg.gather [hbm4b:s4+s2], $0x80, v4, vm0, $0xb8;
	[tilespmem:$0x10A00] =	vst v63  }
0x1fe: {  	s15 =	simm.s32 $0xA200  }
0x1ff: {  	[tilespmem:s15], [sflag:$0x2] =	stream.indirect_vreg.gather [hbm4b:s4+s2], $0x80, v3, vm0, $0xb8;
	[tilespmem:$0x10A00] =	vst v63  }
0x200: {  	v3 =	vld [tilespmem:$0x2A0];
	_ =	sdelay $0x4  }
0x201: {  	v58 =	vshll.u32 v3, $0x1  }
0x202: {  	v3 =	vand.u32 $0x7, v3;
	v4 =	vand.u32 $0xFFFFFFF0, v58  }
0x203: {  	v3 =	vor.u32 v3, v4  }
0x204: {  	v4 =	vperm.xlane v3, v0;
	_ =	sdelay $0x1  }
0x205: {  	v3 =	vperm.xlane v3, v2;
	v4 =	vadd.s32 v1, v4;
	_ =	sdelay $0x1  }
0x206: {  	v3 =	vadd.s32 v1, v3;
	_ =	sdelay $0x2  }
0x207: {  	[tilespmem:s10], [sflag:$0x2] =	stream.indirect_vreg.gather [hbm4b:s4+s2], $0x80, v4, vm0, $0xb8;
	[tilespmem:$0x10A00] =	vst v63  }
0x208: {  	_ = 	snop  }
0x209: {  	[tilespmem:s18], [sflag:$0x2] =	stream.indirect_vreg.gather [hbm4b:s4+s2], $0x80, v3, vm0, $0xb8;
	[tilespmem:$0x10A00] =	vst v63  }
0x20a: {  	v3 =	vld [tilespmem:$0x2B0];
	_ =	sdelay $0x4  }
0x20b: {  	v59 =	vshll.u32 v3, $0x1  }
0x20c: {  	v3 =	vand.u32 $0x7, v3;
	v4 =	vand.u32 $0xFFFFFFF0, v59  }
0x20d: {  	v3 =	vor.u32 v3, v4  }
0x20e: {  	v4 =	vperm.xlane v3, v0;
	_ =	sdelay $0x1  }
0x20f: {  	v3 =	vperm.xlane v3, v2;
	v4 =	vadd.s32 v1, v4;
	_ =	sdelay $0x1  }
0x210: {  	v3 =	vadd.s32 v1, v3;
	_ =	sdelay $0x1  }
0x211: {  	s8 =	simm.s32 $0xBA00  }
0x212: {  	[tilespmem:s8], [sflag:$0x2] =	stream.indirect_vreg.gather [hbm4b:s4+s2], $0x80, v4, vm0, $0xb8;
	[tilespmem:$0x10A00] =	vst v63  }
0x213: {  	s19 =	simm.s32 $0xC200  }
0x214: {  	[tilespmem:s19], [sflag:$0x2] =	stream.indirect_vreg.gather [hbm4b:s4+s2], $0x80, v3, vm0, $0xb8;
	[tilespmem:$0x10A00] =	vst v63  }
0x215: {  	v3 =	vld [tilespmem:$0x2C0];
	_ =	sdelay $0x4  }
0x216: {  	v60 =	vshll.u32 v3, $0x1  }
0x217: {  	v3 =	vand.u32 $0x7, v3;
	v4 =	vand.u32 $0xFFFFFFF0, v60  }
0x218: {  	v3 =	vor.u32 v3, v4  }
0x219: {  	v4 =	vperm.xlane v3, v0;
	_ =	sdelay $0x1  }
0x21a: {  	v3 =	vperm.xlane v3, v2;
	v4 =	vadd.s32 v1, v4;
	_ =	sdelay $0x1  }
0x21b: {  	v3 =	vadd.s32 v1, v3;
	_ =	sdelay $0x1  }
0x21c: {  	s0 =	simm.s32 $0xCA00  }
0x21d: {  	[tilespmem:s0], [sflag:$0x2] =	stream.indirect_vreg.gather [hbm4b:s4+s2], $0x80, v4, vm0, $0xb8;
	[tilespmem:$0x10A00] =	vst v63  }
0x21e: {  	s11 =	simm.s32 $0xD200  }
0x21f: {  	[tilespmem:s11], [sflag:$0x2] =	stream.indirect_vreg.gather [hbm4b:s4+s2], $0x80, v3, vm0, $0xb8;
	[tilespmem:$0x10A00] =	vst v63  }
0x220: {  	v3 =	vld [tilespmem:$0x2D0];
	_ =	sdelay $0x4  }
0x221: {  	v61 =	vshll.u32 v3, $0x1  }
0x222: {  	v3 =	vand.u32 $0x7, v3;
	v4 =	vand.u32 $0xFFFFFFF0, v61  }
0x223: {  	v3 =	vor.u32 v3, v4  }
0x224: {  	v4 =	vperm.xlane v3, v0;
	_ =	sdelay $0x1  }
0x225: {  	v3 =	vperm.xlane v3, v2;
	v4 =	vadd.s32 v1, v4;
	_ =	sdelay $0x1  }
0x226: {  	v3 =	vadd.s32 v1, v3;
	_ =	sdelay $0x1  }
0x227: {  	s1 =	simm.s32 $0xDA00  }
0x228: {  	[tilespmem:s1], [sflag:$0x2] =	stream.indirect_vreg.gather [hbm4b:s4+s2], $0x80, v4, vm0, $0xb8;
	[tilespmem:$0x10A00] =	vst v63  }
0x229: {  	s12 =	simm.s32 $0xE200  }
0x22a: {  	[tilespmem:s12], [sflag:$0x2] =	stream.indirect_vreg.gather [hbm4b:s4+s2], $0x80, v3, vm0, $0xb8;
	[tilespmem:$0x10A00] =	vst v63  }
0x22b: {  	v3 =	vld [tilespmem:$0x2E0];
	_ =	sdelay $0x4  }
0x22c: {  	v62 =	vshll.u32 v3, $0x1  }
0x22d: {  	v3 =	vand.u32 $0x7, v3;
	v4 =	vand.u32 $0xFFFFFFF0, v62  }
0x22e: {  	v3 =	vor.u32 v3, v4  }
0x22f: {  	v4 =	vperm.xlane v3, v0;
	_ =	sdelay $0x1  }
0x230: {  	v3 =	vperm.xlane v3, v2;
	v4 =	vadd.s32 v1, v4;
	_ =	sdelay $0x1  }
0x231: {  	v3 =	vadd.s32 v1, v3;
	_ =	sdelay $0x1  }
0x232: {  	s3 =	simm.s32 $0xEA00  }
0x233: {  	[tilespmem:s3], [sflag:$0x2] =	stream.indirect_vreg.gather [hbm4b:s4+s2], $0x80, v4, vm0, $0xb8;
	[tilespmem:$0x10A00] =	vst v63  }
0x234: {  	s16 =	simm.s32 $0xF200  }
0x235: {  	[tilespmem:s16], [sflag:$0x2] =	stream.indirect_vreg.gather [hbm4b:s4+s2], $0x80, v3, vm0, $0xb8;
	[tilespmem:$0x10A00] =	vst v63  }
0x236: {  	v3 =	vld [tilespmem:$0x2F0];
	_ =	sdelay $0x4  }
0x237: {  	v63 =	vshll.u32 v3, $0x1  }
0x238: {  	v3 =	vand.u32 $0x7, v3;
	v4 =	vand.u32 $0xFFFFFFF0, v63  }
0x239: {  	v3 =	vor.u32 v3, v4  }
0x23a: {  	v4 =	vperm.xlane v3, v0;
	_ =	sdelay $0x1  }
0x23b: {  	v3 =	vperm.xlane v3, v2;
	v4 =	vadd.s32 v1, v4;
	_ =	sdelay $0x1  }
0x23c: {  	v3 =	vadd.s32 v1, v3;
	_ =	sdelay $0x1  }
0x23d: {  	s5 =	simm.s32 $0xFA00  }
0x23e: {  	[tilespmem:s5], [sflag:$0x2] =	stream.indirect_vreg.gather [hbm4b:s4+s2], $0x80, v4, vm0, $0xb8;
	[tilespmem:$0x10A00] =	vst v63  }
0x23f: {  	s17 =	simm.s32 $0x10200  }
0x240: {  	[tilespmem:s17], [sflag:$0x2] =	stream.indirect_vreg.gather [hbm4b:s4+s2], $0x80, v3, vm0, $0xb8;
	[tilespmem:$0x10A00] =	vst v63  }
0x241: {  	_ =	swait.ge [sflag:s13], $0x8000  }
0x242: {  	[sflag:s13] =	ssyncset.done $0x0  }
0x243: {  	s15 =	rddreg [dreg:$0x7];
	[sflag:s13] =	ssyncadd.s32 $0xFFFF8000  }
0x244: {  	[hbm4b:s15+s2] =	stream.linear.scatter [tilespmem:s7], [sflag:$0x3], $0x8000, $0x38;
	[tilespmem:$0x10A00] =	vst v63  }
0x245: {  	_ =	swait.ge [sflag:s6], $0x8000  }
0x246: {  	[sflag:s6] =	ssyncset.done $0x0  }
0x247: {  	[sflag:s6] =	ssyncadd.s32 $0xFFFF8000  }
0x248: {  	v3 =	vld [tilespmem:$0x300];
	_ =	sdelay $0x4  }
0x249: {  	v8 =	vshll.u32 v3, $0x1  }
0x24a: {  	v3 =	vand.u32 $0x7, v3;
	v4 =	vand.u32 $0xFFFFFFF0, v8  }
0x24b: {  	v3 =	vor.u32 v3, v4  }
0x24c: {  	v4 =	vperm.xlane v3, v0;
	_ =	sdelay $0x1  }
0x24d: {  	v3 =	vperm.xlane v3, v2;
	v4 =	vadd.s32 v1, v4;
	_ =	sdelay $0x1  }
0x24e: {  	v3 =	vadd.s32 v1, v3;
	_ =	sdelay $0x2  }
0x24f: {  	[tilespmem:s7], [sflag:$0x1] =	stream.indirect_vreg.gather [hbm4b:s4+s2], $0x80, v4, vm0, $0xb8;
	[tilespmem:$0x10A00] =	vst v63  }
0x250: {  	s15 =	simm.s32 $0x1200  }
0x251: {  	[tilespmem:s15], [sflag:$0x1] =	stream.indirect_vreg.gather [hbm4b:s4+s2], $0x80, v3, vm0, $0xb8;
	[tilespmem:$0x10A00] =	vst v63  }
0x252: {  	v3 =	vld [tilespmem:$0x310];
	_ =	sdelay $0x4  }
0x253: {  	v9 =	vshll.u32 v3, $0x1  }
0x254: {  	v3 =	vand.u32 $0x7, v3;
	v4 =	vand.u32 $0xFFFFFFF0, v9  }
0x255: {  	v3 =	vor.u32 v3, v4  }
0x256: {  	v4 =	vperm.xlane v3, v0;
	_ =	sdelay $0x1  }
0x257: {  	v3 =	vperm.xlane v3, v2;
	v4 =	vadd.s32 v1, v4;
	_ =	sdelay $0x1  }
0x258: {  	v3 =	vadd.s32 v1, v3;
	_ =	sdelay $0x1  }
0x259: {  	s15 =	simm.s32 $0x1A00  }
0x25a: {  	[tilespmem:s15], [sflag:$0x1] =	stream.indirect_vreg.gather [hbm4b:s4+s2], $0x80, v4, vm0, $0xb8;
	[tilespmem:$0x10A00] =	vst v63  }
0x25b: {  	s15 =	simm.s32 $0x2200  }
0x25c: {  	[tilespmem:s15], [sflag:$0x1] =	stream.indirect_vreg.gather [hbm4b:s4+s2], $0x80, v3, vm0, $0xb8;
	[tilespmem:$0x10A00] =	vst v63  }
0x25d: {  	v3 =	vld [tilespmem:$0x320];
	_ =	sdelay $0x4  }
0x25e: {  	v10 =	vshll.u32 v3, $0x1  }
0x25f: {  	v3 =	vand.u32 $0x7, v3;
	v4 =	vand.u32 $0xFFFFFFF0, v10  }
0x260: {  	v3 =	vor.u32 v3, v4  }
0x261: {  	v4 =	vperm.xlane v3, v0;
	_ =	sdelay $0x1  }
0x262: {  	v3 =	vperm.xlane v3, v2;
	v4 =	vadd.s32 v1, v4;
	_ =	sdelay $0x1  }
0x263: {  	v3 =	vadd.s32 v1, v3;
	_ =	sdelay $0x1  }
0x264: {  	s20 =	simm.s32 $0x2A00  }
0x265: {  	[tilespmem:s20], [sflag:$0x1] =	stream.indirect_vreg.gather [hbm4b:s4+s2], $0x80, v4, vm0, $0xb8;
	[tilespmem:$0x10A00] =	vst v63  }
0x266: {  	s22 =	simm.s32 $0x3200  }
0x267: {  	[tilespmem:s22], [sflag:$0x1] =	stream.indirect_vreg.gather [hbm4b:s4+s2], $0x80, v3, vm0, $0xb8;
	[tilespmem:$0x10A00] =	vst v63  }
0x268: {  	v3 =	vld [tilespmem:$0x330];
	_ =	sdelay $0x4  }
0x269: {  	v11 =	vshll.u32 v3, $0x1  }
0x26a: {  	v3 =	vand.u32 $0x7, v3;
	v4 =	vand.u32 $0xFFFFFFF0, v11  }
0x26b: {  	v3 =	vor.u32 v3, v4  }
0x26c: {  	v4 =	vperm.xlane v3, v0;
	_ =	sdelay $0x1  }
0x26d: {  	v3 =	vperm.xlane v3, v2;
	v4 =	vadd.s32 v1, v4;
	_ =	sdelay $0x1  }
0x26e: {  	v3 =	vadd.s32 v1, v3;
	_ =	sdelay $0x1  }
0x26f: {  	s21 =	simm.s32 $0x3A00  }
0x270: {  	[tilespmem:s21], [sflag:$0x1] =	stream.indirect_vreg.gather [hbm4b:s4+s2], $0x80, v4, vm0, $0xb8;
	[tilespmem:$0x10A00] =	vst v63  }
0x271: {  	s15 =	simm.s32 $0x4200  }
0x272: {  	[tilespmem:s15], [sflag:$0x1] =	stream.indirect_vreg.gather [hbm4b:s4+s2], $0x80, v3, vm0, $0xb8;
	[tilespmem:$0x10A00] =	vst v63  }
0x273: {  	v3 =	vld [tilespmem:$0x340];
	_ =	sdelay $0x4  }
0x274: {  	v12 =	vshll.u32 v3, $0x1  }
0x275: {  	v3 =	vand.u32 $0x7, v3;
	v4 =	vand.u32 $0xFFFFFFF0, v12  }
0x276: {  	v3 =	vor.u32 v3, v4  }
0x277: {  	v4 =	vperm.xlane v3, v0;
	_ =	sdelay $0x1  }
0x278: {  	v3 =	vperm.xlane v3, v2;
	v4 =	vadd.s32 v1, v4;
	_ =	sdelay $0x1  }
0x279: {  	v3 =	vadd.s32 v1, v3;
	_ =	sdelay $0x1  }
0x27a: {  	s24 =	simm.s32 $0x4A00  }
0x27b: {  	[tilespmem:s24], [sflag:$0x1] =	stream.indirect_vreg.gather [hbm4b:s4+s2], $0x80, v4, vm0, $0xb8;
	[tilespmem:$0x10A00] =	vst v63  }
0x27c: {  	s26 =	simm.s32 $0x5200  }
0x27d: {  	[tilespmem:s26], [sflag:$0x1] =	stream.indirect_vreg.gather [hbm4b:s4+s2], $0x80, v3, vm0, $0xb8;
	[tilespmem:$0x10A00] =	vst v63  }
0x27e: {  	v3 =	vld [tilespmem:$0x350];
	_ =	sdelay $0x4  }
0x27f: {  	v13 =	vshll.u32 v3, $0x1  }
0x280: {  	v3 =	vand.u32 $0x7, v3;
	v4 =	vand.u32 $0xFFFFFFF0, v13  }
0x281: {  	v3 =	vor.u32 v3, v4  }
0x282: {  	v4 =	vperm.xlane v3, v0;
	_ =	sdelay $0x1  }
0x283: {  	v3 =	vperm.xlane v3, v2;
	v4 =	vadd.s32 v1, v4;
	_ =	sdelay $0x1  }
0x284: {  	v3 =	vadd.s32 v1, v3;
	_ =	sdelay $0x1  }
0x285: {  	s15 =	simm.s32 $0x5A00  }
0x286: {  	[tilespmem:s15], [sflag:$0x1] =	stream.indirect_vreg.gather [hbm4b:s4+s2], $0x80, v4, vm0, $0xb8;
	[tilespmem:$0x10A00] =	vst v63  }
0x287: {  	s28 =	simm.s32 $0x6200  }
0x288: {  	[tilespmem:s28], [sflag:$0x1] =	stream.indirect_vreg.gather [hbm4b:s4+s2], $0x80, v3, vm0, $0xb8;
	[tilespmem:$0x10A00] =	vst v63  }
0x289: {  	v3 =	vld [tilespmem:$0x360];
	_ =	sdelay $0x4  }
0x28a: {  	v14 =	vshll.u32 v3, $0x1  }
0x28b: {  	v3 =	vand.u32 $0x7, v3;
	v4 =	vand.u32 $0xFFFFFFF0, v14  }
0x28c: {  	v3 =	vor.u32 v3, v4  }
0x28d: {  	v4 =	vperm.xlane v3, v0;
	_ =	sdelay $0x1  }
0x28e: {  	v3 =	vperm.xlane v3, v2;
	v4 =	vadd.s32 v1, v4;
	_ =	sdelay $0x1  }
0x28f: {  	v3 =	vadd.s32 v1, v3;
	_ =	sdelay $0x1  }
0x290: {  	s29 =	simm.s32 $0x6A00  }
0x291: {  	[tilespmem:s29], [sflag:$0x1] =	stream.indirect_vreg.gather [hbm4b:s4+s2], $0x80, v4, vm0, $0xb8;
	[tilespmem:$0x10A00] =	vst v63  }
0x292: {  	s30 =	simm.s32 $0x7200  }
0x293: {  	[tilespmem:s30], [sflag:$0x1] =	stream.indirect_vreg.gather [hbm4b:s4+s2], $0x80, v3, vm0, $0xb8;
	[tilespmem:$0x10A00] =	vst v63  }
0x294: {  	v3 =	vld [tilespmem:$0x370];
	_ =	sdelay $0x4  }
0x295: {  	v15 =	vshll.u32 v3, $0x1  }
0x296: {  	v3 =	vand.u32 $0x7, v3;
	v4 =	vand.u32 $0xFFFFFFF0, v15  }
0x297: {  	v3 =	vor.u32 v3, v4  }
0x298: {  	v4 =	vperm.xlane v3, v0;
	_ =	sdelay $0x1  }
0x299: {  	v3 =	vperm.xlane v3, v2;
	v4 =	vadd.s32 v1, v4;
	_ =	sdelay $0x1  }
0x29a: {  	v3 =	vadd.s32 v1, v3;
	_ =	sdelay $0x1  }
0x29b: {  	s31 =	simm.s32 $0x7A00  }
0x29c: {  	[tilespmem:s31], [sflag:$0x1] =	stream.indirect_vreg.gather [hbm4b:s4+s2], $0x80, v4, vm0, $0xb8;
	[tilespmem:$0x10A00] =	vst v63  }
0x29d: {  	s25 =	simm.s32 $0x8200  }
0x29e: {  	[tilespmem:s25], [sflag:$0x1] =	stream.indirect_vreg.gather [hbm4b:s4+s2], $0x80, v3, vm0, $0xb8;
	[tilespmem:$0x10A00] =	vst v63  }
0x29f: {  	_ =	swait.ge [sflag:s14], $0x8000  }
0x2a0: {  	[sflag:s14] =	ssyncset.done $0x0  }
0x2a1: {  	s15 =	rddreg [dreg:$0x8];
	[sflag:s14] =	ssyncadd.s32 $0xFFFF8000  }
0x2a2: {  	[hbm4b:s15+s2] =	stream.linear.scatter [tilespmem:s23], [sflag:$0x3], $0x8000, $0x38;
	[tilespmem:$0x10A00] =	vst v63  }
0x2a3: {  	_ =	swait.ge [sflag:s6], $0x8000  }
0x2a4: {  	[sflag:s6] =	ssyncset.done $0x0  }
0x2a5: {  	[sflag:s6] =	ssyncadd.s32 $0xFFFF8000  }
0x2a6: {  	v3 =	vld [tilespmem:$0x380];
	_ =	sdelay $0x4  }
0x2a7: {  	v16 =	vshll.u32 v3, $0x1  }
0x2a8: {  	v3 =	vand.u32 $0x7, v3;
	v4 =	vand.u32 $0xFFFFFFF0, v16  }
0x2a9: {  	v3 =	vor.u32 v3, v4  }
0x2aa: {  	v4 =	vperm.xlane v3, v0;
	_ =	sdelay $0x1  }
0x2ab: {  	v3 =	vperm.xlane v3, v2;
	v4 =	vadd.s32 v1, v4;
	_ =	sdelay $0x1  }
0x2ac: {  	v3 =	vadd.s32 v1, v3;
	_ =	sdelay $0x2  }
0x2ad: {  	[tilespmem:s23], [sflag:$0x2] =	stream.indirect_vreg.gather [hbm4b:s4+s2], $0x80, v4, vm0, $0xb8;
	[tilespmem:$0x10A00] =	vst v63  }
0x2ae: {  	s15 =	simm.s32 $0x9200  }
0x2af: {  	[tilespmem:s15], [sflag:$0x2] =	stream.indirect_vreg.gather [hbm4b:s4+s2], $0x80, v3, vm0, $0xb8;
	[tilespmem:$0x10A00] =	vst v63  }
0x2b0: {  	v3 =	vld [tilespmem:$0x390];
	_ =	sdelay $0x4  }
0x2b1: {  	v17 =	vshll.u32 v3, $0x1  }
0x2b2: {  	v3 =	vand.u32 $0x7, v3;
	v4 =	vand.u32 $0xFFFFFFF0, v17  }
0x2b3: {  	v3 =	vor.u32 v3, v4  }
0x2b4: {  	v4 =	vperm.xlane v3, v0;
	_ =	sdelay $0x1  }
0x2b5: {  	v3 =	vperm.xlane v3, v2;
	v4 =	vadd.s32 v1, v4;
	_ =	sdelay $0x1  }
0x2b6: {  	v3 =	vadd.s32 v1, v3;
	_ =	sdelay $0x1  }
0x2b7: {  	s9 =	simm.s32 $0x9A00  }
0x2b8: {  	[tilespmem:s9], [sflag:$0x2] =	stream.indirect_vreg.gather [hbm4b:s4+s2], $0x80, v4, vm0, $0xb8;
	[tilespmem:$0x10A00] =	vst v63  }
0x2b9: {  	s15 =	simm.s32 $0xA200  }
0x2ba: {  	[tilespmem:s15], [sflag:$0x2] =	stream.indirect_vreg.gather [hbm4b:s4+s2], $0x80, v3, vm0, $0xb8;
	[tilespmem:$0x10A00] =	vst v63  }
0x2bb: {  	v3 =	vld [tilespmem:$0x3A0];
	_ =	sdelay $0x4  }
0x2bc: {  	v18 =	vshll.u32 v3, $0x1  }
0x2bd: {  	v3 =	vand.u32 $0x7, v3;
	v4 =	vand.u32 $0xFFFFFFF0, v18  }
0x2be: {  	v3 =	vor.u32 v3, v4  }
0x2bf: {  	v4 =	vperm.xlane v3, v0;
	_ =	sdelay $0x1  }
0x2c0: {  	v3 =	vperm.xlane v3, v2;
	v4 =	vadd.s32 v1, v4;
	_ =	sdelay $0x1  }
0x2c1: {  	v3 =	vadd.s32 v1, v3;
	_ =	sdelay $0x1  }
0x2c2: {  	s10 =	simm.s32 $0xAA00  }
0x2c3: {  	[tilespmem:s10], [sflag:$0x2] =	stream.indirect_vreg.gather [hbm4b:s4+s2], $0x80, v4, vm0, $0xb8;
	[tilespmem:$0x10A00] =	vst v63  }
0x2c4: {  	s18 =	simm.s32 $0xB200  }
0x2c5: {  	[tilespmem:s18], [sflag:$0x2] =	stream.indirect_vreg.gather [hbm4b:s4+s2], $0x80, v3, vm0, $0xb8;
	[tilespmem:$0x10A00] =	vst v63  }
0x2c6: {  	v3 =	vld [tilespmem:$0x3B0];
	_ =	sdelay $0x4  }
0x2c7: {  	v19 =	vshll.u32 v3, $0x1  }
0x2c8: {  	v3 =	vand.u32 $0x7, v3;
	v4 =	vand.u32 $0xFFFFFFF0, v19  }
0x2c9: {  	v3 =	vor.u32 v3, v4  }
0x2ca: {  	v4 =	vperm.xlane v3, v0;
	_ =	sdelay $0x1  }
0x2cb: {  	v3 =	vperm.xlane v3, v2;
	v4 =	vadd.s32 v1, v4;
	_ =	sdelay $0x1  }
0x2cc: {  	v3 =	vadd.s32 v1, v3;
	_ =	sdelay $0x1  }
0x2cd: {  	s8 =	simm.s32 $0xBA00  }
0x2ce: {  	[tilespmem:s8], [sflag:$0x2] =	stream.indirect_vreg.gather [hbm4b:s4+s2], $0x80, v4, vm0, $0xb8;
	[tilespmem:$0x10A00] =	vst v63  }
0x2cf: {  	s19 =	simm.s32 $0xC200  }
0x2d0: {  	[tilespmem:s19], [sflag:$0x2] =	stream.indirect_vreg.gather [hbm4b:s4+s2], $0x80, v3, vm0, $0xb8;
	[tilespmem:$0x10A00] =	vst v63  }
0x2d1: {  	v3 =	vld [tilespmem:$0x3C0];
	_ =	sdelay $0x4  }
0x2d2: {  	v20 =	vshll.u32 v3, $0x1  }
0x2d3: {  	v3 =	vand.u32 $0x7, v3;
	v4 =	vand.u32 $0xFFFFFFF0, v20  }
0x2d4: {  	v3 =	vor.u32 v3, v4  }
0x2d5: {  	v4 =	vperm.xlane v3, v0;
	_ =	sdelay $0x1  }
0x2d6: {  	v3 =	vperm.xlane v3, v2;
	v4 =	vadd.s32 v1, v4;
	_ =	sdelay $0x1  }
0x2d7: {  	v3 =	vadd.s32 v1, v3;
	_ =	sdelay $0x1  }
0x2d8: {  	s0 =	simm.s32 $0xCA00  }
0x2d9: {  	[tilespmem:s0], [sflag:$0x2] =	stream.indirect_vreg.gather [hbm4b:s4+s2], $0x80, v4, vm0, $0xb8;
	[tilespmem:$0x10A00] =	vst v63  }
0x2da: {  	s11 =	simm.s32 $0xD200  }
0x2db: {  	[tilespmem:s11], [sflag:$0x2] =	stream.indirect_vreg.gather [hbm4b:s4+s2], $0x80, v3, vm0, $0xb8;
	[tilespmem:$0x10A00] =	vst v63  }
0x2dc: {  	v3 =	vld [tilespmem:$0x3D0];
	_ =	sdelay $0x4  }
0x2dd: {  	v21 =	vshll.u32 v3, $0x1  }
0x2de: {  	v3 =	vand.u32 $0x7, v3;
	v4 =	vand.u32 $0xFFFFFFF0, v21  }
0x2df: {  	v3 =	vor.u32 v3, v4  }
0x2e0: {  	v4 =	vperm.xlane v3, v0;
	_ =	sdelay $0x1  }
0x2e1: {  	v3 =	vperm.xlane v3, v2;
	v4 =	vadd.s32 v1, v4;
	_ =	sdelay $0x1  }
0x2e2: {  	v3 =	vadd.s32 v1, v3;
	_ =	sdelay $0x1  }
0x2e3: {  	s1 =	simm.s32 $0xDA00  }
0x2e4: {  	[tilespmem:s1], [sflag:$0x2] =	stream.indirect_vreg.gather [hbm4b:s4+s2], $0x80, v4, vm0, $0xb8;
	[tilespmem:$0x10A00] =	vst v63  }
0x2e5: {  	s12 =	simm.s32 $0xE200  }
0x2e6: {  	[tilespmem:s12], [sflag:$0x2] =	stream.indirect_vreg.gather [hbm4b:s4+s2], $0x80, v3, vm0, $0xb8;
	[tilespmem:$0x10A00] =	vst v63  }
0x2e7: {  	v3 =	vld [tilespmem:$0x3E0];
	_ =	sdelay $0x4  }
0x2e8: {  	v22 =	vshll.u32 v3, $0x1  }
0x2e9: {  	v3 =	vand.u32 $0x7, v3;
	v4 =	vand.u32 $0xFFFFFFF0, v22  }
0x2ea: {  	v3 =	vor.u32 v3, v4  }
0x2eb: {  	v4 =	vperm.xlane v3, v0;
	_ =	sdelay $0x1  }
0x2ec: {  	v3 =	vperm.xlane v3, v2;
	v4 =	vadd.s32 v1, v4;
	_ =	sdelay $0x1  }
0x2ed: {  	v3 =	vadd.s32 v1, v3;
	_ =	sdelay $0x1  }
0x2ee: {  	s3 =	simm.s32 $0xEA00  }
0x2ef: {  	[tilespmem:s3], [sflag:$0x2] =	stream.indirect_vreg.gather [hbm4b:s4+s2], $0x80, v4, vm0, $0xb8;
	[tilespmem:$0x10A00] =	vst v63  }
0x2f0: {  	s16 =	simm.s32 $0xF200  }
0x2f1: {  	[tilespmem:s16], [sflag:$0x2] =	stream.indirect_vreg.gather [hbm4b:s4+s2], $0x80, v3, vm0, $0xb8;
	[tilespmem:$0x10A00] =	vst v63  }
0x2f2: {  	v3 =	vld [tilespmem:$0x3F0];
	_ =	sdelay $0x4  }
0x2f3: {  	v23 =	vshll.u32 v3, $0x1  }
0x2f4: {  	v3 =	vand.u32 $0x7, v3;
	v4 =	vand.u32 $0xFFFFFFF0, v23  }
0x2f5: {  	v3 =	vor.u32 v3, v4  }
0x2f6: {  	v4 =	vperm.xlane v3, v0;
	_ =	sdelay $0x1  }
0x2f7: {  	v3 =	vperm.xlane v3, v2;
	v4 =	vadd.s32 v1, v4;
	_ =	sdelay $0x1  }
0x2f8: {  	v3 =	vadd.s32 v1, v3;
	_ =	sdelay $0x1  }
0x2f9: {  	s5 =	simm.s32 $0xFA00  }
0x2fa: {  	[tilespmem:s5], [sflag:$0x2] =	stream.indirect_vreg.gather [hbm4b:s4+s2], $0x80, v4, vm0, $0xb8;
	[tilespmem:$0x10A00] =	vst v63  }
0x2fb: {  	s17 =	simm.s32 $0x10200  }
0x2fc: {  	[tilespmem:s17], [sflag:$0x2] =	stream.indirect_vreg.gather [hbm4b:s4+s2], $0x80, v3, vm0, $0xb8;
	[tilespmem:$0x10A00] =	vst v63  }
0x2fd: {  	_ =	swait.ge [sflag:s13], $0x8000  }
0x2fe: {  	[sflag:s13] =	ssyncset.done $0x0  }
0x2ff: {  	s15 =	rddreg [dreg:$0x9];
	[sflag:s13] =	ssyncadd.s32 $0xFFFF8000  }
0x300: {  	[hbm4b:s15+s2] =	stream.linear.scatter [tilespmem:s7], [sflag:$0x3], $0x8000, $0x38;
	[tilespmem:$0x10A00] =	vst v63  }
0x301: {  	_ =	swait.ge [sflag:s6], $0x8000  }
0x302: {  	[sflag:s6] =	ssyncset.done $0x0  }
0x303: {  	[sflag:s6] =	ssyncadd.s32 $0xFFFF8000  }
0x304: {  	v3 =	vld [tilespmem:$0x400];
	_ =	sdelay $0x4  }
0x305: {  	v24 =	vshll.u32 v3, $0x1  }
0x306: {  	v3 =	vand.u32 $0x7, v3;
	v4 =	vand.u32 $0xFFFFFFF0, v24  }
0x307: {  	v3 =	vor.u32 v3, v4  }
0x308: {  	v4 =	vperm.xlane v3, v0;
	_ =	sdelay $0x1  }
0x309: {  	v3 =	vperm.xlane v3, v2;
	v4 =	vadd.s32 v1, v4;
	_ =	sdelay $0x1  }
0x30a: {  	v3 =	vadd.s32 v1, v3;
	_ =	sdelay $0x2  }
0x30b: {  	[tilespmem:s7], [sflag:$0x1] =	stream.indirect_vreg.gather [hbm4b:s4+s2], $0x80, v4, vm0, $0xb8;
	[tilespmem:$0x10A00] =	vst v63  }
0x30c: {  	s15 =	simm.s32 $0x1200  }
0x30d: {  	[tilespmem:s15], [sflag:$0x1] =	stream.indirect_vreg.gather [hbm4b:s4+s2], $0x80, v3, vm0, $0xb8;
	[tilespmem:$0x10A00] =	vst v63  }
0x30e: {  	v3 =	vld [tilespmem:$0x410];
	_ =	sdelay $0x4  }
0x30f: {  	v25 =	vshll.u32 v3, $0x1  }
0x310: {  	v3 =	vand.u32 $0x7, v3;
	v4 =	vand.u32 $0xFFFFFFF0, v25  }
0x311: {  	v3 =	vor.u32 v3, v4  }
0x312: {  	v4 =	vperm.xlane v3, v0;
	_ =	sdelay $0x1  }
0x313: {  	v3 =	vperm.xlane v3, v2;
	v4 =	vadd.s32 v1, v4;
	_ =	sdelay $0x1  }
0x314: {  	v3 =	vadd.s32 v1, v3;
	_ =	sdelay $0x1  }
0x315: {  	s15 =	simm.s32 $0x1A00  }
0x316: {  	[tilespmem:s15], [sflag:$0x1] =	stream.indirect_vreg.gather [hbm4b:s4+s2], $0x80, v4, vm0, $0xb8;
	[tilespmem:$0x10A00] =	vst v63  }
0x317: {  	s15 =	simm.s32 $0x2200  }
0x318: {  	[tilespmem:s15], [sflag:$0x1] =	stream.indirect_vreg.gather [hbm4b:s4+s2], $0x80, v3, vm0, $0xb8;
	[tilespmem:$0x10A00] =	vst v63  }
0x319: {  	v3 =	vld [tilespmem:$0x420];
	_ =	sdelay $0x4  }
0x31a: {  	v26 =	vshll.u32 v3, $0x1  }
0x31b: {  	v3 =	vand.u32 $0x7, v3;
	v4 =	vand.u32 $0xFFFFFFF0, v26  }
0x31c: {  	v3 =	vor.u32 v3, v4  }
0x31d: {  	v4 =	vperm.xlane v3, v0;
	_ =	sdelay $0x1  }
0x31e: {  	v3 =	vperm.xlane v3, v2;
	v4 =	vadd.s32 v1, v4;
	_ =	sdelay $0x1  }
0x31f: {  	v3 =	vadd.s32 v1, v3;
	_ =	sdelay $0x1  }
0x320: {  	s20 =	simm.s32 $0x2A00  }
0x321: {  	[tilespmem:s20], [sflag:$0x1] =	stream.indirect_vreg.gather [hbm4b:s4+s2], $0x80, v4, vm0, $0xb8;
	[tilespmem:$0x10A00] =	vst v63  }
0x322: {  	s22 =	simm.s32 $0x3200  }
0x323: {  	[tilespmem:s22], [sflag:$0x1] =	stream.indirect_vreg.gather [hbm4b:s4+s2], $0x80, v3, vm0, $0xb8;
	[tilespmem:$0x10A00] =	vst v63  }
0x324: {  	v3 =	vld [tilespmem:$0x430];
	_ =	sdelay $0x4  }
0x325: {  	v27 =	vshll.u32 v3, $0x1  }
0x326: {  	v3 =	vand.u32 $0x7, v3;
	v4 =	vand.u32 $0xFFFFFFF0, v27  }
0x327: {  	v3 =	vor.u32 v3, v4  }
0x328: {  	v4 =	vperm.xlane v3, v0;
	_ =	sdelay $0x1  }
0x329: {  	v3 =	vperm.xlane v3, v2;
	v4 =	vadd.s32 v1, v4;
	_ =	sdelay $0x1  }
0x32a: {  	v3 =	vadd.s32 v1, v3;
	_ =	sdelay $0x1  }
0x32b: {  	s21 =	simm.s32 $0x3A00  }
0x32c: {  	[tilespmem:s21], [sflag:$0x1] =	stream.indirect_vreg.gather [hbm4b:s4+s2], $0x80, v4, vm0, $0xb8;
	[tilespmem:$0x10A00] =	vst v63  }
0x32d: {  	s15 =	simm.s32 $0x4200  }
0x32e: {  	[tilespmem:s15], [sflag:$0x1] =	stream.indirect_vreg.gather [hbm4b:s4+s2], $0x80, v3, vm0, $0xb8;
	[tilespmem:$0x10A00] =	vst v63  }
0x32f: {  	v3 =	vld [tilespmem:$0x440];
	_ =	sdelay $0x4  }
0x330: {  	v28 =	vshll.u32 v3, $0x1  }
0x331: {  	v3 =	vand.u32 $0x7, v3;
	v4 =	vand.u32 $0xFFFFFFF0, v28  }
0x332: {  	v3 =	vor.u32 v3, v4  }
0x333: {  	v4 =	vperm.xlane v3, v0;
	_ =	sdelay $0x1  }
0x334: {  	v3 =	vperm.xlane v3, v2;
	v4 =	vadd.s32 v1, v4;
	_ =	sdelay $0x1  }
0x335: {  	v3 =	vadd.s32 v1, v3;
	_ =	sdelay $0x1  }
0x336: {  	s24 =	simm.s32 $0x4A00  }
0x337: {  	[tilespmem:s24], [sflag:$0x1] =	stream.indirect_vreg.gather [hbm4b:s4+s2], $0x80, v4, vm0, $0xb8;
	[tilespmem:$0x10A00] =	vst v63  }
0x338: {  	s26 =	simm.s32 $0x5200  }
0x339: {  	[tilespmem:s26], [sflag:$0x1] =	stream.indirect_vreg.gather [hbm4b:s4+s2], $0x80, v3, vm0, $0xb8;
	[tilespmem:$0x10A00] =	vst v63  }
0x33a: {  	v3 =	vld [tilespmem:$0x450];
	_ =	sdelay $0x4  }
0x33b: {  	v29 =	vshll.u32 v3, $0x1  }
0x33c: {  	v3 =	vand.u32 $0x7, v3;
	v4 =	vand.u32 $0xFFFFFFF0, v29  }
0x33d: {  	v3 =	vor.u32 v3, v4  }
0x33e: {  	v4 =	vperm.xlane v3, v0;
	_ =	sdelay $0x1  }
0x33f: {  	v3 =	vperm.xlane v3, v2;
	v4 =	vadd.s32 v1, v4;
	_ =	sdelay $0x1  }
0x340: {  	v3 =	vadd.s32 v1, v3;
	_ =	sdelay $0x1  }
0x341: {  	s15 =	simm.s32 $0x5A00  }
0x342: {  	[tilespmem:s15], [sflag:$0x1] =	stream.indirect_vreg.gather [hbm4b:s4+s2], $0x80, v4, vm0, $0xb8;
	[tilespmem:$0x10A00] =	vst v63  }
0x343: {  	s28 =	simm.s32 $0x6200  }
0x344: {  	[tilespmem:s28], [sflag:$0x1] =	stream.indirect_vreg.gather [hbm4b:s4+s2], $0x80, v3, vm0, $0xb8;
	[tilespmem:$0x10A00] =	vst v63  }
0x345: {  	v3 =	vld [tilespmem:$0x460];
	_ =	sdelay $0x4  }
0x346: {  	v30 =	vshll.u32 v3, $0x1  }
0x347: {  	v3 =	vand.u32 $0x7, v3;
	v4 =	vand.u32 $0xFFFFFFF0, v30  }
0x348: {  	v3 =	vor.u32 v3, v4  }
0x349: {  	v4 =	vperm.xlane v3, v0;
	_ =	sdelay $0x1  }
0x34a: {  	v3 =	vperm.xlane v3, v2;
	v4 =	vadd.s32 v1, v4;
	_ =	sdelay $0x1  }
0x34b: {  	v3 =	vadd.s32 v1, v3;
	_ =	sdelay $0x1  }
0x34c: {  	s29 =	simm.s32 $0x6A00  }
0x34d: {  	[tilespmem:s29], [sflag:$0x1] =	stream.indirect_vreg.gather [hbm4b:s4+s2], $0x80, v4, vm0, $0xb8;
	[tilespmem:$0x10A00] =	vst v63  }
0x34e: {  	s30 =	simm.s32 $0x7200  }
0x34f: {  	[tilespmem:s30], [sflag:$0x1] =	stream.indirect_vreg.gather [hbm4b:s4+s2], $0x80, v3, vm0, $0xb8;
	[tilespmem:$0x10A00] =	vst v63  }
0x350: {  	v3 =	vld [tilespmem:$0x470];
	_ =	sdelay $0x4  }
0x351: {  	v31 =	vshll.u32 v3, $0x1  }
0x352: {  	v3 =	vand.u32 $0x7, v3;
	v4 =	vand.u32 $0xFFFFFFF0, v31  }
0x353: {  	v3 =	vor.u32 v3, v4  }
0x354: {  	v4 =	vperm.xlane v3, v0;
	_ =	sdelay $0x1  }
0x355: {  	v3 =	vperm.xlane v3, v2;
	v4 =	vadd.s32 v1, v4;
	_ =	sdelay $0x1  }
0x356: {  	v3 =	vadd.s32 v1, v3;
	_ =	sdelay $0x1  }
0x357: {  	s31 =	simm.s32 $0x7A00  }
0x358: {  	[tilespmem:s31], [sflag:$0x1] =	stream.indirect_vreg.gather [hbm4b:s4+s2], $0x80, v4, vm0, $0xb8;
	[tilespmem:$0x10A00] =	vst v63  }
0x359: {  	s25 =	simm.s32 $0x8200  }
0x35a: {  	[tilespmem:s25], [sflag:$0x1] =	stream.indirect_vreg.gather [hbm4b:s4+s2], $0x80, v3, vm0, $0xb8;
	[tilespmem:$0x10A00] =	vst v63  }
0x35b: {  	_ =	swait.ge [sflag:s14], $0x8000  }
0x35c: {  	[sflag:s14] =	ssyncset.done $0x0  }
0x35d: {  	s15 =	rddreg [dreg:$0xa];
	[sflag:s14] =	ssyncadd.s32 $0xFFFF8000  }
0x35e: {  	[hbm4b:s15+s2] =	stream.linear.scatter [tilespmem:s23], [sflag:$0x3], $0x8000, $0x38;
	[tilespmem:$0x10A00] =	vst v63  }
0x35f: {  	_ =	swait.ge [sflag:s6], $0x8000  }
0x360: {  	[sflag:s6] =	ssyncset.done $0x0  }
0x361: {  	[sflag:s6] =	ssyncadd.s32 $0xFFFF8000  }
0x362: {  	v3 =	vld [tilespmem:$0x480];
	_ =	sdelay $0x4  }
0x363: {  	v32 =	vshll.u32 v3, $0x1  }
0x364: {  	v3 =	vand.u32 $0x7, v3;
	v4 =	vand.u32 $0xFFFFFFF0, v32  }
0x365: {  	v3 =	vor.u32 v3, v4  }
0x366: {  	v4 =	vperm.xlane v3, v0;
	_ =	sdelay $0x1  }
0x367: {  	v3 =	vperm.xlane v3, v2;
	v4 =	vadd.s32 v1, v4;
	_ =	sdelay $0x1  }
0x368: {  	v3 =	vadd.s32 v1, v3;
	_ =	sdelay $0x2  }
0x369: {  	[tilespmem:s23], [sflag:$0x2] =	stream.indirect_vreg.gather [hbm4b:s4+s2], $0x80, v4, vm0, $0xb8;
	[tilespmem:$0x10A00] =	vst v63  }
0x36a: {  	s15 =	simm.s32 $0x9200  }
0x36b: {  	[tilespmem:s15], [sflag:$0x2] =	stream.indirect_vreg.gather [hbm4b:s4+s2], $0x80, v3, vm0, $0xb8;
	[tilespmem:$0x10A00] =	vst v63  }
0x36c: {  	v3 =	vld [tilespmem:$0x490];
	_ =	sdelay $0x4  }
0x36d: {  	v33 =	vshll.u32 v3, $0x1  }
0x36e: {  	v3 =	vand.u32 $0x7, v3;
	v4 =	vand.u32 $0xFFFFFFF0, v33  }
0x36f: {  	v3 =	vor.u32 v3, v4  }
0x370: {  	v4 =	vperm.xlane v3, v0;
	_ =	sdelay $0x1  }
0x371: {  	v3 =	vperm.xlane v3, v2;
	v4 =	vadd.s32 v1, v4;
	_ =	sdelay $0x1  }
0x372: {  	v3 =	vadd.s32 v1, v3;
	_ =	sdelay $0x1  }
0x373: {  	s9 =	simm.s32 $0x9A00  }
0x374: {  	[tilespmem:s9], [sflag:$0x2] =	stream.indirect_vreg.gather [hbm4b:s4+s2], $0x80, v4, vm0, $0xb8;
	[tilespmem:$0x10A00] =	vst v63  }
0x375: {  	s15 =	simm.s32 $0xA200  }
0x376: {  	[tilespmem:s15], [sflag:$0x2] =	stream.indirect_vreg.gather [hbm4b:s4+s2], $0x80, v3, vm0, $0xb8;
	[tilespmem:$0x10A00] =	vst v63  }
0x377: {  	v3 =	vld [tilespmem:$0x4A0];
	_ =	sdelay $0x4  }
0x378: {  	v34 =	vshll.u32 v3, $0x1  }
0x379: {  	v3 =	vand.u32 $0x7, v3;
	v4 =	vand.u32 $0xFFFFFFF0, v34  }
0x37a: {  	v3 =	vor.u32 v3, v4  }
0x37b: {  	v4 =	vperm.xlane v3, v0;
	_ =	sdelay $0x1  }
0x37c: {  	v3 =	vperm.xlane v3, v2;
	v4 =	vadd.s32 v1, v4;
	_ =	sdelay $0x1  }
0x37d: {  	v3 =	vadd.s32 v1, v3;
	_ =	sdelay $0x1  }
0x37e: {  	s10 =	simm.s32 $0xAA00  }
0x37f: {  	[tilespmem:s10], [sflag:$0x2] =	stream.indirect_vreg.gather [hbm4b:s4+s2], $0x80, v4, vm0, $0xb8;
	[tilespmem:$0x10A00] =	vst v63  }
0x380: {  	s18 =	simm.s32 $0xB200  }
0x381: {  	[tilespmem:s18], [sflag:$0x2] =	stream.indirect_vreg.gather [hbm4b:s4+s2], $0x80, v3, vm0, $0xb8;
	[tilespmem:$0x10A00] =	vst v63  }
0x382: {  	v3 =	vld [tilespmem:$0x4B0];
	_ =	sdelay $0x4  }
0x383: {  	v35 =	vshll.u32 v3, $0x1  }
0x384: {  	v3 =	vand.u32 $0x7, v3;
	v4 =	vand.u32 $0xFFFFFFF0, v35  }
0x385: {  	v3 =	vor.u32 v3, v4  }
0x386: {  	v4 =	vperm.xlane v3, v0;
	_ =	sdelay $0x1  }
0x387: {  	v3 =	vperm.xlane v3, v2;
	v4 =	vadd.s32 v1, v4;
	_ =	sdelay $0x1  }
0x388: {  	v3 =	vadd.s32 v1, v3;
	_ =	sdelay $0x1  }
0x389: {  	s8 =	simm.s32 $0xBA00  }
0x38a: {  	[tilespmem:s8], [sflag:$0x2] =	stream.indirect_vreg.gather [hbm4b:s4+s2], $0x80, v4, vm0, $0xb8;
	[tilespmem:$0x10A00] =	vst v63  }
0x38b: {  	s19 =	simm.s32 $0xC200  }
0x38c: {  	[tilespmem:s19], [sflag:$0x2] =	stream.indirect_vreg.gather [hbm4b:s4+s2], $0x80, v3, vm0, $0xb8;
	[tilespmem:$0x10A00] =	vst v63  }
0x38d: {  	v3 =	vld [tilespmem:$0x4C0];
	_ =	sdelay $0x4  }
0x38e: {  	v36 =	vshll.u32 v3, $0x1  }
0x38f: {  	v3 =	vand.u32 $0x7, v3;
	v4 =	vand.u32 $0xFFFFFFF0, v36  }
0x390: {  	v3 =	vor.u32 v3, v4  }
0x391: {  	v4 =	vperm.xlane v3, v0;
	_ =	sdelay $0x1  }
0x392: {  	v3 =	vperm.xlane v3, v2;
	v4 =	vadd.s32 v1, v4;
	_ =	sdelay $0x1  }
0x393: {  	v3 =	vadd.s32 v1, v3;
	_ =	sdelay $0x1  }
0x394: {  	s0 =	simm.s32 $0xCA00  }
0x395: {  	[tilespmem:s0], [sflag:$0x2] =	stream.indirect_vreg.gather [hbm4b:s4+s2], $0x80, v4, vm0, $0xb8;
	[tilespmem:$0x10A00] =	vst v63  }
0x396: {  	s11 =	simm.s32 $0xD200  }
0x397: {  	[tilespmem:s11], [sflag:$0x2] =	stream.indirect_vreg.gather [hbm4b:s4+s2], $0x80, v3, vm0, $0xb8;
	[tilespmem:$0x10A00] =	vst v63  }
0x398: {  	v3 =	vld [tilespmem:$0x4D0];
	_ =	sdelay $0x4  }
0x399: {  	v37 =	vshll.u32 v3, $0x1  }
0x39a: {  	v3 =	vand.u32 $0x7, v3;
	v4 =	vand.u32 $0xFFFFFFF0, v37  }
0x39b: {  	v3 =	vor.u32 v3, v4  }
0x39c: {  	v4 =	vperm.xlane v3, v0;
	_ =	sdelay $0x1  }
0x39d: {  	v3 =	vperm.xlane v3, v2;
	v4 =	vadd.s32 v1, v4;
	_ =	sdelay $0x1  }
0x39e: {  	v3 =	vadd.s32 v1, v3;
	_ =	sdelay $0x1  }
0x39f: {  	s1 =	simm.s32 $0xDA00  }
0x3a0: {  	[tilespmem:s1], [sflag:$0x2] =	stream.indirect_vreg.gather [hbm4b:s4+s2], $0x80, v4, vm0, $0xb8;
	[tilespmem:$0x10A00] =	vst v63  }
0x3a1: {  	s12 =	simm.s32 $0xE200  }
0x3a2: {  	[tilespmem:s12], [sflag:$0x2] =	stream.indirect_vreg.gather [hbm4b:s4+s2], $0x80, v3, vm0, $0xb8;
	[tilespmem:$0x10A00] =	vst v63  }
0x3a3: {  	v3 =	vld [tilespmem:$0x4E0];
	_ =	sdelay $0x4  }
0x3a4: {  	v38 =	vshll.u32 v3, $0x1  }
0x3a5: {  	v3 =	vand.u32 $0x7, v3;
	v4 =	vand.u32 $0xFFFFFFF0, v38  }
0x3a6: {  	v3 =	vor.u32 v3, v4  }
0x3a7: {  	v4 =	vperm.xlane v3, v0;
	_ =	sdelay $0x1  }
0x3a8: {  	v3 =	vperm.xlane v3, v2;
	v4 =	vadd.s32 v1, v4;
	_ =	sdelay $0x1  }
0x3a9: {  	v3 =	vadd.s32 v1, v3;
	_ =	sdelay $0x1  }
0x3aa: {  	s3 =	simm.s32 $0xEA00  }
0x3ab: {  	[tilespmem:s3], [sflag:$0x2] =	stream.indirect_vreg.gather [hbm4b:s4+s2], $0x80, v4, vm0, $0xb8;
	[tilespmem:$0x10A00] =	vst v63  }
0x3ac: {  	s16 =	simm.s32 $0xF200  }
0x3ad: {  	[tilespmem:s16], [sflag:$0x2] =	stream.indirect_vreg.gather [hbm4b:s4+s2], $0x80, v3, vm0, $0xb8;
	[tilespmem:$0x10A00] =	vst v63  }
0x3ae: {  	v3 =	vld [tilespmem:$0x4F0];
	_ =	sdelay $0x4  }
0x3af: {  	v39 =	vshll.u32 v3, $0x1  }
0x3b0: {  	v3 =	vand.u32 $0x7, v3;
	v4 =	vand.u32 $0xFFFFFFF0, v39  }
0x3b1: {  	v3 =	vor.u32 v3, v4  }
0x3b2: {  	v4 =	vperm.xlane v3, v0;
	_ =	sdelay $0x1  }
0x3b3: {  	v3 =	vperm.xlane v3, v2;
	v4 =	vadd.s32 v1, v4;
	_ =	sdelay $0x1  }
0x3b4: {  	v3 =	vadd.s32 v1, v3;
	_ =	sdelay $0x1  }
0x3b5: {  	s5 =	simm.s32 $0xFA00  }
0x3b6: {  	[tilespmem:s5], [sflag:$0x2] =	stream.indirect_vreg.gather [hbm4b:s4+s2], $0x80, v4, vm0, $0xb8;
	[tilespmem:$0x10A00] =	vst v63  }
0x3b7: {  	s17 =	simm.s32 $0x10200  }
0x3b8: {  	[tilespmem:s17], [sflag:$0x2] =	stream.indirect_vreg.gather [hbm4b:s4+s2], $0x80, v3, vm0, $0xb8;
	[tilespmem:$0x10A00] =	vst v63  }
0x3b9: {  	_ =	swait.ge [sflag:s13], $0x8000  }
0x3ba: {  	[sflag:s13] =	ssyncset.done $0x0  }
0x3bb: {  	s15 =	rddreg [dreg:$0xb];
	[sflag:s13] =	ssyncadd.s32 $0xFFFF8000  }
0x3bc: {  	[hbm4b:s15+s2] =	stream.linear.scatter [tilespmem:s7], [sflag:$0x3], $0x8000, $0x38;
	[tilespmem:$0x10A00] =	vst v63  }
0x3bd: {  	_ =	swait.ge [sflag:s6], $0x8000  }
0x3be: {  	[sflag:s6] =	ssyncset.done $0x0  }
0x3bf: {  	[sflag:s6] =	ssyncadd.s32 $0xFFFF8000  }
0x3c0: {  	v3 =	vld [tilespmem:$0x500];
	_ =	sdelay $0x4  }
0x3c1: {  	v40 =	vshll.u32 v3, $0x1  }
0x3c2: {  	v3 =	vand.u32 $0x7, v3;
	v4 =	vand.u32 $0xFFFFFFF0, v40  }
0x3c3: {  	v3 =	vor.u32 v3, v4  }
0x3c4: {  	v4 =	vperm.xlane v3, v0;
	_ =	sdelay $0x1  }
0x3c5: {  	v3 =	vperm.xlane v3, v2;
	v4 =	vadd.s32 v1, v4;
	_ =	sdelay $0x1  }
0x3c6: {  	v3 =	vadd.s32 v1, v3;
	_ =	sdelay $0x2  }
0x3c7: {  	[tilespmem:s7], [sflag:$0x1] =	stream.indirect_vreg.gather [hbm4b:s4+s2], $0x80, v4, vm0, $0xb8;
	[tilespmem:$0x10A00] =	vst v63  }
0x3c8: {  	s15 =	simm.s32 $0x1200  }
0x3c9: {  	[tilespmem:s15], [sflag:$0x1] =	stream.indirect_vreg.gather [hbm4b:s4+s2], $0x80, v3, vm0, $0xb8;
	[tilespmem:$0x10A00] =	vst v63  }
0x3ca: {  	v3 =	vld [tilespmem:$0x510];
	_ =	sdelay $0x4  }
0x3cb: {  	v41 =	vshll.u32 v3, $0x1  }
0x3cc: {  	v3 =	vand.u32 $0x7, v3;
	v4 =	vand.u32 $0xFFFFFFF0, v41  }
0x3cd: {  	v3 =	vor.u32 v3, v4  }
0x3ce: {  	v4 =	vperm.xlane v3, v0;
	_ =	sdelay $0x1  }
0x3cf: {  	v3 =	vperm.xlane v3, v2;
	v4 =	vadd.s32 v1, v4;
	_ =	sdelay $0x1  }
0x3d0: {  	v3 =	vadd.s32 v1, v3;
	_ =	sdelay $0x1  }
0x3d1: {  	s15 =	simm.s32 $0x1A00  }
0x3d2: {  	[tilespmem:s15], [sflag:$0x1] =	stream.indirect_vreg.gather [hbm4b:s4+s2], $0x80, v4, vm0, $0xb8;
	[tilespmem:$0x10A00] =	vst v63  }
0x3d3: {  	s15 =	simm.s32 $0x2200  }
0x3d4: {  	[tilespmem:s15], [sflag:$0x1] =	stream.indirect_vreg.gather [hbm4b:s4+s2], $0x80, v3, vm0, $0xb8;
	[tilespmem:$0x10A00] =	vst v63  }
0x3d5: {  	v3 =	vld [tilespmem:$0x520];
	_ =	sdelay $0x4  }
0x3d6: {  	v42 =	vshll.u32 v3, $0x1  }
0x3d7: {  	v3 =	vand.u32 $0x7, v3;
	v4 =	vand.u32 $0xFFFFFFF0, v42  }
0x3d8: {  	v3 =	vor.u32 v3, v4  }
0x3d9: {  	v4 =	vperm.xlane v3, v0;
	_ =	sdelay $0x1  }
0x3da: {  	v3 =	vperm.xlane v3, v2;
	v4 =	vadd.s32 v1, v4;
	_ =	sdelay $0x1  }
0x3db: {  	v3 =	vadd.s32 v1, v3;
	_ =	sdelay $0x1  }
0x3dc: {  	s20 =	simm.s32 $0x2A00  }
0x3dd: {  	[tilespmem:s20], [sflag:$0x1] =	stream.indirect_vreg.gather [hbm4b:s4+s2], $0x80, v4, vm0, $0xb8;
	[tilespmem:$0x10A00] =	vst v63  }
0x3de: {  	s22 =	simm.s32 $0x3200  }
0x3df: {  	[tilespmem:s22], [sflag:$0x1] =	stream.indirect_vreg.gather [hbm4b:s4+s2], $0x80, v3, vm0, $0xb8;
	[tilespmem:$0x10A00] =	vst v63  }
0x3e0: {  	v3 =	vld [tilespmem:$0x530];
	_ =	sdelay $0x4  }
0x3e1: {  	v43 =	vshll.u32 v3, $0x1  }
0x3e2: {  	v3 =	vand.u32 $0x7, v3;
	v4 =	vand.u32 $0xFFFFFFF0, v43  }
0x3e3: {  	v3 =	vor.u32 v3, v4  }
0x3e4: {  	v4 =	vperm.xlane v3, v0;
	_ =	sdelay $0x1  }
0x3e5: {  	v3 =	vperm.xlane v3, v2;
	v4 =	vadd.s32 v1, v4;
	_ =	sdelay $0x1  }
0x3e6: {  	v3 =	vadd.s32 v1, v3;
	_ =	sdelay $0x1  }
0x3e7: {  	s21 =	simm.s32 $0x3A00  }
0x3e8: {  	[tilespmem:s21], [sflag:$0x1] =	stream.indirect_vreg.gather [hbm4b:s4+s2], $0x80, v4, vm0, $0xb8;
	[tilespmem:$0x10A00] =	vst v63  }
0x3e9: {  	s15 =	simm.s32 $0x4200  }
0x3ea: {  	[tilespmem:s15], [sflag:$0x1] =	stream.indirect_vreg.gather [hbm4b:s4+s2], $0x80, v3, vm0, $0xb8;
	[tilespmem:$0x10A00] =	vst v63  }
0x3eb: {  	v3 =	vld [tilespmem:$0x540];
	_ =	sdelay $0x4  }
0x3ec: {  	v44 =	vshll.u32 v3, $0x1  }
0x3ed: {  	v3 =	vand.u32 $0x7, v3;
	v4 =	vand.u32 $0xFFFFFFF0, v44  }
0x3ee: {  	v3 =	vor.u32 v3, v4  }
0x3ef: {  	v4 =	vperm.xlane v3, v0;
	_ =	sdelay $0x1  }
0x3f0: {  	v3 =	vperm.xlane v3, v2;
	v4 =	vadd.s32 v1, v4;
	_ =	sdelay $0x1  }
0x3f1: {  	v3 =	vadd.s32 v1, v3;
	_ =	sdelay $0x1  }
0x3f2: {  	s24 =	simm.s32 $0x4A00  }
0x3f3: {  	[tilespmem:s24], [sflag:$0x1] =	stream.indirect_vreg.gather [hbm4b:s4+s2], $0x80, v4, vm0, $0xb8;
	[tilespmem:$0x10A00] =	vst v63  }
0x3f4: {  	s26 =	simm.s32 $0x5200  }
0x3f5: {  	[tilespmem:s26], [sflag:$0x1] =	stream.indirect_vreg.gather [hbm4b:s4+s2], $0x80, v3, vm0, $0xb8;
	[tilespmem:$0x10A00] =	vst v63  }
0x3f6: {  	v3 =	vld [tilespmem:$0x550];
	_ =	sdelay $0x4  }
0x3f7: {  	v45 =	vshll.u32 v3, $0x1  }
0x3f8: {  	v3 =	vand.u32 $0x7, v3;
	v4 =	vand.u32 $0xFFFFFFF0, v45  }
0x3f9: {  	v3 =	vor.u32 v3, v4  }
0x3fa: {  	v4 =	vperm.xlane v3, v0;
	_ =	sdelay $0x1  }
0x3fb: {  	v3 =	vperm.xlane v3, v2;
	v4 =	vadd.s32 v1, v4;
	_ =	sdelay $0x1  }
0x3fc: {  	v3 =	vadd.s32 v1, v3;
	_ =	sdelay $0x1  }
0x3fd: {  	s15 =	simm.s32 $0x5A00  }
0x3fe: {  	[tilespmem:s15], [sflag:$0x1] =	stream.indirect_vreg.gather [hbm4b:s4+s2], $0x80, v4, vm0, $0xb8;
	[tilespmem:$0x10A00] =	vst v63  }
0x3ff: {  	s28 =	simm.s32 $0x6200  }
0x400: {  	[tilespmem:s28], [sflag:$0x1] =	stream.indirect_vreg.gather [hbm4b:s4+s2], $0x80, v3, vm0, $0xb8;
	[tilespmem:$0x10A00] =	vst v63  }
0x401: {  	v3 =	vld [tilespmem:$0x560];
	_ =	sdelay $0x4  }
0x402: {  	v46 =	vshll.u32 v3, $0x1  }
0x403: {  	v3 =	vand.u32 $0x7, v3;
	v4 =	vand.u32 $0xFFFFFFF0, v46  }
0x404: {  	v3 =	vor.u32 v3, v4  }
0x405: {  	v4 =	vperm.xlane v3, v0;
	_ =	sdelay $0x1  }
0x406: {  	v3 =	vperm.xlane v3, v2;
	v4 =	vadd.s32 v1, v4;
	_ =	sdelay $0x1  }
0x407: {  	v3 =	vadd.s32 v1, v3;
	_ =	sdelay $0x1  }
0x408: {  	s29 =	simm.s32 $0x6A00  }
0x409: {  	[tilespmem:s29], [sflag:$0x1] =	stream.indirect_vreg.gather [hbm4b:s4+s2], $0x80, v4, vm0, $0xb8;
	[tilespmem:$0x10A00] =	vst v63  }
0x40a: {  	s30 =	simm.s32 $0x7200  }
0x40b: {  	[tilespmem:s30], [sflag:$0x1] =	stream.indirect_vreg.gather [hbm4b:s4+s2], $0x80, v3, vm0, $0xb8;
	[tilespmem:$0x10A00] =	vst v63  }
0x40c: {  	v3 =	vld [tilespmem:$0x570];
	_ =	sdelay $0x4  }
0x40d: {  	v47 =	vshll.u32 v3, $0x1  }
0x40e: {  	v3 =	vand.u32 $0x7, v3;
	v4 =	vand.u32 $0xFFFFFFF0, v47  }
0x40f: {  	v3 =	vor.u32 v3, v4  }
0x410: {  	v4 =	vperm.xlane v3, v0;
	_ =	sdelay $0x1  }
0x411: {  	v3 =	vperm.xlane v3, v2;
	v4 =	vadd.s32 v1, v4;
	_ =	sdelay $0x1  }
0x412: {  	v3 =	vadd.s32 v1, v3;
	_ =	sdelay $0x1  }
0x413: {  	s31 =	simm.s32 $0x7A00  }
0x414: {  	[tilespmem:s31], [sflag:$0x1] =	stream.indirect_vreg.gather [hbm4b:s4+s2], $0x80, v4, vm0, $0xb8;
	[tilespmem:$0x10A00] =	vst v63  }
0x415: {  	s25 =	simm.s32 $0x8200  }
0x416: {  	[tilespmem:s25], [sflag:$0x1] =	stream.indirect_vreg.gather [hbm4b:s4+s2], $0x80, v3, vm0, $0xb8;
	[tilespmem:$0x10A00] =	vst v63  }
0x417: {  	_ =	swait.ge [sflag:s14], $0x8000  }
0x418: {  	[sflag:s14] =	ssyncset.done $0x0  }
0x419: {  	s15 =	rddreg [dreg:$0xc];
	[sflag:s14] =	ssyncadd.s32 $0xFFFF8000  }
0x41a: {  	[hbm4b:s15+s2] =	stream.linear.scatter [tilespmem:s23], [sflag:$0x3], $0x8000, $0x38;
	[tilespmem:$0x10A00] =	vst v63  }
0x41b: {  	_ =	swait.ge [sflag:s6], $0x8000  }
0x41c: {  	[sflag:s6] =	ssyncset.done $0x0  }
0x41d: {  	[sflag:s6] =	ssyncadd.s32 $0xFFFF8000  }
0x41e: {  	v3 =	vld [tilespmem:$0x580];
	_ =	sdelay $0x4  }
0x41f: {  	v48 =	vshll.u32 v3, $0x1  }
0x420: {  	v3 =	vand.u32 $0x7, v3;
	v4 =	vand.u32 $0xFFFFFFF0, v48  }
0x421: {  	v3 =	vor.u32 v3, v4  }
0x422: {  	v4 =	vperm.xlane v3, v0;
	_ =	sdelay $0x1  }
0x423: {  	v3 =	vperm.xlane v3, v2;
	v4 =	vadd.s32 v1, v4;
	_ =	sdelay $0x1  }
0x424: {  	v3 =	vadd.s32 v1, v3;
	_ =	sdelay $0x2  }
0x425: {  	[tilespmem:s23], [sflag:$0x2] =	stream.indirect_vreg.gather [hbm4b:s4+s2], $0x80, v4, vm0, $0xb8;
	[tilespmem:$0x10A00] =	vst v63  }
0x426: {  	s15 =	simm.s32 $0x9200  }
0x427: {  	[tilespmem:s15], [sflag:$0x2] =	stream.indirect_vreg.gather [hbm4b:s4+s2], $0x80, v3, vm0, $0xb8;
	[tilespmem:$0x10A00] =	vst v63  }
0x428: {  	v3 =	vld [tilespmem:$0x590];
	_ =	sdelay $0x4  }
0x429: {  	v49 =	vshll.u32 v3, $0x1  }
0x42a: {  	v3 =	vand.u32 $0x7, v3;
	v4 =	vand.u32 $0xFFFFFFF0, v49  }
0x42b: {  	v3 =	vor.u32 v3, v4  }
0x42c: {  	v4 =	vperm.xlane v3, v0;
	_ =	sdelay $0x1  }
0x42d: {  	v3 =	vperm.xlane v3, v2;
	v4 =	vadd.s32 v1, v4;
	_ =	sdelay $0x1  }
0x42e: {  	v3 =	vadd.s32 v1, v3;
	_ =	sdelay $0x1  }
0x42f: {  	s9 =	simm.s32 $0x9A00  }
0x430: {  	[tilespmem:s9], [sflag:$0x2] =	stream.indirect_vreg.gather [hbm4b:s4+s2], $0x80, v4, vm0, $0xb8;
	[tilespmem:$0x10A00] =	vst v63  }
0x431: {  	s15 =	simm.s32 $0xA200  }
0x432: {  	[tilespmem:s15], [sflag:$0x2] =	stream.indirect_vreg.gather [hbm4b:s4+s2], $0x80, v3, vm0, $0xb8;
	[tilespmem:$0x10A00] =	vst v63  }
0x433: {  	v3 =	vld [tilespmem:$0x5A0];
	_ =	sdelay $0x4  }
0x434: {  	v50 =	vshll.u32 v3, $0x1  }
0x435: {  	v3 =	vand.u32 $0x7, v3;
	v4 =	vand.u32 $0xFFFFFFF0, v50  }
0x436: {  	v3 =	vor.u32 v3, v4  }
0x437: {  	v4 =	vperm.xlane v3, v0;
	_ =	sdelay $0x1  }
0x438: {  	v3 =	vperm.xlane v3, v2;
	v4 =	vadd.s32 v1, v4;
	_ =	sdelay $0x1  }
0x439: {  	v3 =	vadd.s32 v1, v3;
	_ =	sdelay $0x1  }
0x43a: {  	s10 =	simm.s32 $0xAA00  }
0x43b: {  	[tilespmem:s10], [sflag:$0x2] =	stream.indirect_vreg.gather [hbm4b:s4+s2], $0x80, v4, vm0, $0xb8;
	[tilespmem:$0x10A00] =	vst v63  }
0x43c: {  	s18 =	simm.s32 $0xB200  }
0x43d: {  	[tilespmem:s18], [sflag:$0x2] =	stream.indirect_vreg.gather [hbm4b:s4+s2], $0x80, v3, vm0, $0xb8;
	[tilespmem:$0x10A00] =	vst v63  }
0x43e: {  	v3 =	vld [tilespmem:$0x5B0];
	_ =	sdelay $0x4  }
0x43f: {  	v51 =	vshll.u32 v3, $0x1  }
0x440: {  	v3 =	vand.u32 $0x7, v3;
	v4 =	vand.u32 $0xFFFFFFF0, v51  }
0x441: {  	v3 =	vor.u32 v3, v4  }
0x442: {  	v4 =	vperm.xlane v3, v0;
	_ =	sdelay $0x1  }
0x443: {  	v3 =	vperm.xlane v3, v2;
	v4 =	vadd.s32 v1, v4;
	_ =	sdelay $0x1  }
0x444: {  	v3 =	vadd.s32 v1, v3;
	_ =	sdelay $0x1  }
0x445: {  	s8 =	simm.s32 $0xBA00  }
0x446: {  	[tilespmem:s8], [sflag:$0x2] =	stream.indirect_vreg.gather [hbm4b:s4+s2], $0x80, v4, vm0, $0xb8;
	[tilespmem:$0x10A00] =	vst v63  }
0x447: {  	s19 =	simm.s32 $0xC200  }
0x448: {  	[tilespmem:s19], [sflag:$0x2] =	stream.indirect_vreg.gather [hbm4b:s4+s2], $0x80, v3, vm0, $0xb8;
	[tilespmem:$0x10A00] =	vst v63  }
0x449: {  	v3 =	vld [tilespmem:$0x5C0];
	_ =	sdelay $0x4  }
0x44a: {  	v52 =	vshll.u32 v3, $0x1  }
0x44b: {  	v3 =	vand.u32 $0x7, v3;
	v4 =	vand.u32 $0xFFFFFFF0, v52  }
0x44c: {  	v3 =	vor.u32 v3, v4  }
0x44d: {  	v4 =	vperm.xlane v3, v0;
	_ =	sdelay $0x1  }
0x44e: {  	v3 =	vperm.xlane v3, v2;
	v4 =	vadd.s32 v1, v4;
	_ =	sdelay $0x1  }
0x44f: {  	v3 =	vadd.s32 v1, v3;
	_ =	sdelay $0x1  }
0x450: {  	s0 =	simm.s32 $0xCA00  }
0x451: {  	[tilespmem:s0], [sflag:$0x2] =	stream.indirect_vreg.gather [hbm4b:s4+s2], $0x80, v4, vm0, $0xb8;
	[tilespmem:$0x10A00] =	vst v63  }
0x452: {  	s11 =	simm.s32 $0xD200  }
0x453: {  	[tilespmem:s11], [sflag:$0x2] =	stream.indirect_vreg.gather [hbm4b:s4+s2], $0x80, v3, vm0, $0xb8;
	[tilespmem:$0x10A00] =	vst v63  }
0x454: {  	v3 =	vld [tilespmem:$0x5D0];
	_ =	sdelay $0x4  }
0x455: {  	v53 =	vshll.u32 v3, $0x1  }
0x456: {  	v3 =	vand.u32 $0x7, v3;
	v4 =	vand.u32 $0xFFFFFFF0, v53  }
0x457: {  	v3 =	vor.u32 v3, v4  }
0x458: {  	v4 =	vperm.xlane v3, v0;
	_ =	sdelay $0x1  }
0x459: {  	v3 =	vperm.xlane v3, v2;
	v4 =	vadd.s32 v1, v4;
	_ =	sdelay $0x1  }
0x45a: {  	v3 =	vadd.s32 v1, v3;
	_ =	sdelay $0x1  }
0x45b: {  	s1 =	simm.s32 $0xDA00  }
0x45c: {  	[tilespmem:s1], [sflag:$0x2] =	stream.indirect_vreg.gather [hbm4b:s4+s2], $0x80, v4, vm0, $0xb8;
	[tilespmem:$0x10A00] =	vst v63  }
0x45d: {  	s12 =	simm.s32 $0xE200  }
0x45e: {  	[tilespmem:s12], [sflag:$0x2] =	stream.indirect_vreg.gather [hbm4b:s4+s2], $0x80, v3, vm0, $0xb8;
	[tilespmem:$0x10A00] =	vst v63  }
0x45f: {  	v3 =	vld [tilespmem:$0x5E0];
	_ =	sdelay $0x4  }
0x460: {  	v54 =	vshll.u32 v3, $0x1  }
0x461: {  	v3 =	vand.u32 $0x7, v3;
	v4 =	vand.u32 $0xFFFFFFF0, v54  }
0x462: {  	v3 =	vor.u32 v3, v4  }
0x463: {  	v4 =	vperm.xlane v3, v0;
	_ =	sdelay $0x1  }
0x464: {  	v3 =	vperm.xlane v3, v2;
	v4 =	vadd.s32 v1, v4;
	_ =	sdelay $0x1  }
0x465: {  	v3 =	vadd.s32 v1, v3;
	_ =	sdelay $0x1  }
0x466: {  	s3 =	simm.s32 $0xEA00  }
0x467: {  	[tilespmem:s3], [sflag:$0x2] =	stream.indirect_vreg.gather [hbm4b:s4+s2], $0x80, v4, vm0, $0xb8;
	[tilespmem:$0x10A00] =	vst v63  }
0x468: {  	s16 =	simm.s32 $0xF200  }
0x469: {  	[tilespmem:s16], [sflag:$0x2] =	stream.indirect_vreg.gather [hbm4b:s4+s2], $0x80, v3, vm0, $0xb8;
	[tilespmem:$0x10A00] =	vst v63  }
0x46a: {  	v3 =	vld [tilespmem:$0x5F0];
	_ =	sdelay $0x4  }
0x46b: {  	v55 =	vshll.u32 v3, $0x1  }
0x46c: {  	v3 =	vand.u32 $0x7, v3;
	v4 =	vand.u32 $0xFFFFFFF0, v55  }
0x46d: {  	v3 =	vor.u32 v3, v4  }
0x46e: {  	v4 =	vperm.xlane v3, v0;
	_ =	sdelay $0x1  }
0x46f: {  	v3 =	vperm.xlane v3, v2;
	v4 =	vadd.s32 v1, v4;
	_ =	sdelay $0x1  }
0x470: {  	v3 =	vadd.s32 v1, v3;
	_ =	sdelay $0x1  }
0x471: {  	s5 =	simm.s32 $0xFA00  }
0x472: {  	[tilespmem:s5], [sflag:$0x2] =	stream.indirect_vreg.gather [hbm4b:s4+s2], $0x80, v4, vm0, $0xb8;
	[tilespmem:$0x10A00] =	vst v63  }
0x473: {  	s17 =	simm.s32 $0x10200  }
0x474: {  	[tilespmem:s17], [sflag:$0x2] =	stream.indirect_vreg.gather [hbm4b:s4+s2], $0x80, v3, vm0, $0xb8;
	[tilespmem:$0x10A00] =	vst v63  }
0x475: {  	_ =	swait.ge [sflag:s13], $0x8000  }
0x476: {  	[sflag:s13] =	ssyncset.done $0x0  }
0x477: {  	s15 =	rddreg [dreg:$0xd];
	[sflag:s13] =	ssyncadd.s32 $0xFFFF8000  }
0x478: {  	[hbm4b:s15+s2] =	stream.linear.scatter [tilespmem:s7], [sflag:$0x3], $0x8000, $0x38;
	[tilespmem:$0x10A00] =	vst v63  }
0x479: {  	_ =	swait.ge [sflag:s6], $0x8000  }
0x47a: {  	[sflag:s6] =	ssyncset.done $0x0  }
0x47b: {  	[sflag:s6] =	ssyncadd.s32 $0xFFFF8000  }
0x47c: {  	v3 =	vld [tilespmem:$0x600];
	_ =	sdelay $0x4  }
0x47d: {  	v56 =	vshll.u32 v3, $0x1  }
0x47e: {  	v3 =	vand.u32 $0x7, v3;
	v4 =	vand.u32 $0xFFFFFFF0, v56  }
0x47f: {  	v3 =	vor.u32 v3, v4  }
0x480: {  	v4 =	vperm.xlane v3, v0;
	_ =	sdelay $0x1  }
0x481: {  	v3 =	vperm.xlane v3, v2;
	v4 =	vadd.s32 v1, v4;
	_ =	sdelay $0x1  }
0x482: {  	v3 =	vadd.s32 v1, v3;
	_ =	sdelay $0x2  }
0x483: {  	[tilespmem:s7], [sflag:$0x1] =	stream.indirect_vreg.gather [hbm4b:s4+s2], $0x80, v4, vm0, $0xb8;
	[tilespmem:$0x10A00] =	vst v63  }
0x484: {  	s15 =	simm.s32 $0x1200  }
0x485: {  	[tilespmem:s15], [sflag:$0x1] =	stream.indirect_vreg.gather [hbm4b:s4+s2], $0x80, v3, vm0, $0xb8;
	[tilespmem:$0x10A00] =	vst v63  }
0x486: {  	v3 =	vld [tilespmem:$0x610];
	_ =	sdelay $0x4  }
0x487: {  	v57 =	vshll.u32 v3, $0x1  }
0x488: {  	v3 =	vand.u32 $0x7, v3;
	v4 =	vand.u32 $0xFFFFFFF0, v57  }
0x489: {  	v3 =	vor.u32 v3, v4  }
0x48a: {  	v4 =	vperm.xlane v3, v0;
	_ =	sdelay $0x1  }
0x48b: {  	v3 =	vperm.xlane v3, v2;
	v4 =	vadd.s32 v1, v4;
	_ =	sdelay $0x1  }
0x48c: {  	v3 =	vadd.s32 v1, v3;
	_ =	sdelay $0x1  }
0x48d: {  	s15 =	simm.s32 $0x1A00  }
0x48e: {  	[tilespmem:s15], [sflag:$0x1] =	stream.indirect_vreg.gather [hbm4b:s4+s2], $0x80, v4, vm0, $0xb8;
	[tilespmem:$0x10A00] =	vst v63  }
0x48f: {  	s15 =	simm.s32 $0x2200  }
0x490: {  	[tilespmem:s15], [sflag:$0x1] =	stream.indirect_vreg.gather [hbm4b:s4+s2], $0x80, v3, vm0, $0xb8;
	[tilespmem:$0x10A00] =	vst v63  }
0x491: {  	v3 =	vld [tilespmem:$0x620];
	_ =	sdelay $0x4  }
0x492: {  	v58 =	vshll.u32 v3, $0x1  }
0x493: {  	v3 =	vand.u32 $0x7, v3;
	v4 =	vand.u32 $0xFFFFFFF0, v58  }
0x494: {  	v3 =	vor.u32 v3, v4  }
0x495: {  	v4 =	vperm.xlane v3, v0;
	_ =	sdelay $0x1  }
0x496: {  	v3 =	vperm.xlane v3, v2;
	v4 =	vadd.s32 v1, v4;
	_ =	sdelay $0x1  }
0x497: {  	v3 =	vadd.s32 v1, v3;
	_ =	sdelay $0x1  }
0x498: {  	s20 =	simm.s32 $0x2A00  }
0x499: {  	[tilespmem:s20], [sflag:$0x1] =	stream.indirect_vreg.gather [hbm4b:s4+s2], $0x80, v4, vm0, $0xb8;
	[tilespmem:$0x10A00] =	vst v63  }
0x49a: {  	s22 =	simm.s32 $0x3200  }
0x49b: {  	[tilespmem:s22], [sflag:$0x1] =	stream.indirect_vreg.gather [hbm4b:s4+s2], $0x80, v3, vm0, $0xb8;
	[tilespmem:$0x10A00] =	vst v63  }
0x49c: {  	v3 =	vld [tilespmem:$0x630];
	_ =	sdelay $0x4  }
0x49d: {  	v59 =	vshll.u32 v3, $0x1  }
0x49e: {  	v3 =	vand.u32 $0x7, v3;
	v4 =	vand.u32 $0xFFFFFFF0, v59  }
0x49f: {  	v3 =	vor.u32 v3, v4  }
0x4a0: {  	v4 =	vperm.xlane v3, v0;
	_ =	sdelay $0x1  }
0x4a1: {  	v3 =	vperm.xlane v3, v2;
	v4 =	vadd.s32 v1, v4;
	_ =	sdelay $0x1  }
0x4a2: {  	v3 =	vadd.s32 v1, v3;
	_ =	sdelay $0x1  }
0x4a3: {  	s21 =	simm.s32 $0x3A00  }
0x4a4: {  	[tilespmem:s21], [sflag:$0x1] =	stream.indirect_vreg.gather [hbm4b:s4+s2], $0x80, v4, vm0, $0xb8;
	[tilespmem:$0x10A00] =	vst v63  }
0x4a5: {  	s15 =	simm.s32 $0x4200  }
0x4a6: {  	[tilespmem:s15], [sflag:$0x1] =	stream.indirect_vreg.gather [hbm4b:s4+s2], $0x80, v3, vm0, $0xb8;
	[tilespmem:$0x10A00] =	vst v63  }
0x4a7: {  	v3 =	vld [tilespmem:$0x640];
	_ =	sdelay $0x4  }
0x4a8: {  	v60 =	vshll.u32 v3, $0x1  }
0x4a9: {  	v3 =	vand.u32 $0x7, v3;
	v4 =	vand.u32 $0xFFFFFFF0, v60  }
0x4aa: {  	v3 =	vor.u32 v3, v4  }
0x4ab: {  	v4 =	vperm.xlane v3, v0;
	_ =	sdelay $0x1  }
0x4ac: {  	v3 =	vperm.xlane v3, v2;
	v4 =	vadd.s32 v1, v4;
	_ =	sdelay $0x1  }
0x4ad: {  	v3 =	vadd.s32 v1, v3;
	_ =	sdelay $0x1  }
0x4ae: {  	s24 =	simm.s32 $0x4A00  }
0x4af: {  	[tilespmem:s24], [sflag:$0x1] =	stream.indirect_vreg.gather [hbm4b:s4+s2], $0x80, v4, vm0, $0xb8;
	[tilespmem:$0x10A00] =	vst v63  }
0x4b0: {  	s26 =	simm.s32 $0x5200  }
0x4b1: {  	[tilespmem:s26], [sflag:$0x1] =	stream.indirect_vreg.gather [hbm4b:s4+s2], $0x80, v3, vm0, $0xb8;
	[tilespmem:$0x10A00] =	vst v63  }
0x4b2: {  	v3 =	vld [tilespmem:$0x650];
	_ =	sdelay $0x4  }
0x4b3: {  	v61 =	vshll.u32 v3, $0x1  }
0x4b4: {  	v3 =	vand.u32 $0x7, v3;
	v4 =	vand.u32 $0xFFFFFFF0, v61  }
0x4b5: {  	v3 =	vor.u32 v3, v4  }
0x4b6: {  	v4 =	vperm.xlane v3, v0;
	_ =	sdelay $0x1  }
0x4b7: {  	v3 =	vperm.xlane v3, v2;
	v4 =	vadd.s32 v1, v4;
	_ =	sdelay $0x1  }
0x4b8: {  	v3 =	vadd.s32 v1, v3;
	_ =	sdelay $0x1  }
0x4b9: {  	s15 =	simm.s32 $0x5A00  }
0x4ba: {  	[tilespmem:s15], [sflag:$0x1] =	stream.indirect_vreg.gather [hbm4b:s4+s2], $0x80, v4, vm0, $0xb8;
	[tilespmem:$0x10A00] =	vst v63  }
0x4bb: {  	s28 =	simm.s32 $0x6200  }
0x4bc: {  	[tilespmem:s28], [sflag:$0x1] =	stream.indirect_vreg.gather [hbm4b:s4+s2], $0x80, v3, vm0, $0xb8;
	[tilespmem:$0x10A00] =	vst v63  }
0x4bd: {  	v3 =	vld [tilespmem:$0x660];
	_ =	sdelay $0x4  }
0x4be: {  	v62 =	vshll.u32 v3, $0x1  }
0x4bf: {  	v3 =	vand.u32 $0x7, v3;
	v4 =	vand.u32 $0xFFFFFFF0, v62  }
0x4c0: {  	v3 =	vor.u32 v3, v4  }
0x4c1: {  	v4 =	vperm.xlane v3, v0;
	_ =	sdelay $0x1  }
0x4c2: {  	v3 =	vperm.xlane v3, v2;
	v4 =	vadd.s32 v1, v4;
	_ =	sdelay $0x1  }
0x4c3: {  	v3 =	vadd.s32 v1, v3;
	_ =	sdelay $0x1  }
0x4c4: {  	s29 =	simm.s32 $0x6A00  }
0x4c5: {  	[tilespmem:s29], [sflag:$0x1] =	stream.indirect_vreg.gather [hbm4b:s4+s2], $0x80, v4, vm0, $0xb8;
	[tilespmem:$0x10A00] =	vst v63  }
0x4c6: {  	s30 =	simm.s32 $0x7200  }
0x4c7: {  	[tilespmem:s30], [sflag:$0x1] =	stream.indirect_vreg.gather [hbm4b:s4+s2], $0x80, v3, vm0, $0xb8;
	[tilespmem:$0x10A00] =	vst v63  }
0x4c8: {  	v3 =	vld [tilespmem:$0x670];
	_ =	sdelay $0x4  }
0x4c9: {  	v63 =	vshll.u32 v3, $0x1  }
0x4ca: {  	v3 =	vand.u32 $0x7, v3;
	v4 =	vand.u32 $0xFFFFFFF0, v63  }
0x4cb: {  	v3 =	vor.u32 v3, v4  }
0x4cc: {  	v4 =	vperm.xlane v3, v0;
	_ =	sdelay $0x1  }
0x4cd: {  	v3 =	vperm.xlane v3, v2;
	v4 =	vadd.s32 v1, v4;
	_ =	sdelay $0x1  }
0x4ce: {  	v3 =	vadd.s32 v1, v3;
	_ =	sdelay $0x1  }
0x4cf: {  	s31 =	simm.s32 $0x7A00  }
0x4d0: {  	[tilespmem:s31], [sflag:$0x1] =	stream.indirect_vreg.gather [hbm4b:s4+s2], $0x80, v4, vm0, $0xb8;
	[tilespmem:$0x10A00] =	vst v63  }
0x4d1: {  	s25 =	simm.s32 $0x8200  }
0x4d2: {  	[tilespmem:s25], [sflag:$0x1] =	stream.indirect_vreg.gather [hbm4b:s4+s2], $0x80, v3, vm0, $0xb8;
	[tilespmem:$0x10A00] =	vst v63  }
0x4d3: {  	_ =	swait.ge [sflag:s14], $0x8000  }
0x4d4: {  	[sflag:s14] =	ssyncset.done $0x0  }
0x4d5: {  	s15 =	rddreg [dreg:$0xe];
	[sflag:s14] =	ssyncadd.s32 $0xFFFF8000  }
0x4d6: {  	[hbm4b:s15+s2] =	stream.linear.scatter [tilespmem:s23], [sflag:$0x3], $0x8000, $0x38;
	[tilespmem:$0x10A00] =	vst v63  }
0x4d7: {  	_ =	swait.ge [sflag:s6], $0x8000  }
0x4d8: {  	[sflag:s6] =	ssyncset.done $0x0  }
0x4d9: {  	[sflag:s6] =	ssyncadd.s32 $0xFFFF8000  }
0x4da: {  	v3 =	vld [tilespmem:$0x680];
	_ =	sdelay $0x4  }
0x4db: {  	v8 =	vshll.u32 v3, $0x1  }
0x4dc: {  	v3 =	vand.u32 $0x7, v3;
	v4 =	vand.u32 $0xFFFFFFF0, v8  }
0x4dd: {  	v3 =	vor.u32 v3, v4  }
0x4de: {  	v4 =	vperm.xlane v3, v0;
	_ =	sdelay $0x1  }
0x4df: {  	v3 =	vperm.xlane v3, v2;
	v4 =	vadd.s32 v1, v4;
	_ =	sdelay $0x1  }
0x4e0: {  	v3 =	vadd.s32 v1, v3;
	_ =	sdelay $0x2  }
0x4e1: {  	[tilespmem:s23], [sflag:$0x2] =	stream.indirect_vreg.gather [hbm4b:s4+s2], $0x80, v4, vm0, $0xb8;
	[tilespmem:$0x10A00] =	vst v63  }
0x4e2: {  	s15 =	simm.s32 $0x9200  }
0x4e3: {  	[tilespmem:s15], [sflag:$0x2] =	stream.indirect_vreg.gather [hbm4b:s4+s2], $0x80, v3, vm0, $0xb8;
	[tilespmem:$0x10A00] =	vst v63  }
0x4e4: {  	v3 =	vld [tilespmem:$0x690];
	_ =	sdelay $0x4  }
0x4e5: {  	v9 =	vshll.u32 v3, $0x1  }
0x4e6: {  	v3 =	vand.u32 $0x7, v3;
	v4 =	vand.u32 $0xFFFFFFF0, v9  }
0x4e7: {  	v3 =	vor.u32 v3, v4  }
0x4e8: {  	v4 =	vperm.xlane v3, v0;
	_ =	sdelay $0x1  }
0x4e9: {  	v3 =	vperm.xlane v3, v2;
	v4 =	vadd.s32 v1, v4;
	_ =	sdelay $0x1  }
0x4ea: {  	v3 =	vadd.s32 v1, v3;
	_ =	sdelay $0x1  }
0x4eb: {  	s9 =	simm.s32 $0x9A00  }
0x4ec: {  	[tilespmem:s9], [sflag:$0x2] =	stream.indirect_vreg.gather [hbm4b:s4+s2], $0x80, v4, vm0, $0xb8;
	[tilespmem:$0x10A00] =	vst v63  }
0x4ed: {  	s15 =	simm.s32 $0xA200  }
0x4ee: {  	[tilespmem:s15], [sflag:$0x2] =	stream.indirect_vreg.gather [hbm4b:s4+s2], $0x80, v3, vm0, $0xb8;
	[tilespmem:$0x10A00] =	vst v63  }
0x4ef: {  	v3 =	vld [tilespmem:$0x6A0];
	_ =	sdelay $0x4  }
0x4f0: {  	v10 =	vshll.u32 v3, $0x1  }
0x4f1: {  	v3 =	vand.u32 $0x7, v3;
	v4 =	vand.u32 $0xFFFFFFF0, v10  }
0x4f2: {  	v3 =	vor.u32 v3, v4  }
0x4f3: {  	v4 =	vperm.xlane v3, v0;
	_ =	sdelay $0x1  }
0x4f4: {  	v3 =	vperm.xlane v3, v2;
	v4 =	vadd.s32 v1, v4;
	_ =	sdelay $0x1  }
0x4f5: {  	v3 =	vadd.s32 v1, v3;
	_ =	sdelay $0x1  }
0x4f6: {  	s10 =	simm.s32 $0xAA00  }
0x4f7: {  	[tilespmem:s10], [sflag:$0x2] =	stream.indirect_vreg.gather [hbm4b:s4+s2], $0x80, v4, vm0, $0xb8;
	[tilespmem:$0x10A00] =	vst v63  }
0x4f8: {  	s18 =	simm.s32 $0xB200  }
0x4f9: {  	[tilespmem:s18], [sflag:$0x2] =	stream.indirect_vreg.gather [hbm4b:s4+s2], $0x80, v3, vm0, $0xb8;
	[tilespmem:$0x10A00] =	vst v63  }
0x4fa: {  	v3 =	vld [tilespmem:$0x6B0];
	_ =	sdelay $0x4  }
0x4fb: {  	v11 =	vshll.u32 v3, $0x1  }
0x4fc: {  	v3 =	vand.u32 $0x7, v3;
	v4 =	vand.u32 $0xFFFFFFF0, v11  }
0x4fd: {  	v3 =	vor.u32 v3, v4  }
0x4fe: {  	v4 =	vperm.xlane v3, v0;
	_ =	sdelay $0x1  }
0x4ff: {  	v3 =	vperm.xlane v3, v2;
	v4 =	vadd.s32 v1, v4;
	_ =	sdelay $0x1  }
0x500: {  	v3 =	vadd.s32 v1, v3;
	_ =	sdelay $0x1  }
0x501: {  	s8 =	simm.s32 $0xBA00  }
0x502: {  	[tilespmem:s8], [sflag:$0x2] =	stream.indirect_vreg.gather [hbm4b:s4+s2], $0x80, v4, vm0, $0xb8;
	[tilespmem:$0x10A00] =	vst v63  }
0x503: {  	s19 =	simm.s32 $0xC200  }
0x504: {  	[tilespmem:s19], [sflag:$0x2] =	stream.indirect_vreg.gather [hbm4b:s4+s2], $0x80, v3, vm0, $0xb8;
	[tilespmem:$0x10A00] =	vst v63  }
0x505: {  	v3 =	vld [tilespmem:$0x6C0];
	_ =	sdelay $0x4  }
0x506: {  	v12 =	vshll.u32 v3, $0x1  }
0x507: {  	v3 =	vand.u32 $0x7, v3;
	v4 =	vand.u32 $0xFFFFFFF0, v12  }
0x508: {  	v3 =	vor.u32 v3, v4  }
0x509: {  	v4 =	vperm.xlane v3, v0;
	_ =	sdelay $0x1  }
0x50a: {  	v3 =	vperm.xlane v3, v2;
	v4 =	vadd.s32 v1, v4;
	_ =	sdelay $0x1  }
0x50b: {  	v3 =	vadd.s32 v1, v3;
	_ =	sdelay $0x1  }
0x50c: {  	s0 =	simm.s32 $0xCA00  }
0x50d: {  	[tilespmem:s0], [sflag:$0x2] =	stream.indirect_vreg.gather [hbm4b:s4+s2], $0x80, v4, vm0, $0xb8;
	[tilespmem:$0x10A00] =	vst v63  }
0x50e: {  	s11 =	simm.s32 $0xD200  }
0x50f: {  	[tilespmem:s11], [sflag:$0x2] =	stream.indirect_vreg.gather [hbm4b:s4+s2], $0x80, v3, vm0, $0xb8;
	[tilespmem:$0x10A00] =	vst v63  }
0x510: {  	v3 =	vld [tilespmem:$0x6D0];
	_ =	sdelay $0x4  }
0x511: {  	v13 =	vshll.u32 v3, $0x1  }
0x512: {  	v3 =	vand.u32 $0x7, v3;
	v4 =	vand.u32 $0xFFFFFFF0, v13  }
0x513: {  	v3 =	vor.u32 v3, v4  }
0x514: {  	v4 =	vperm.xlane v3, v0;
	_ =	sdelay $0x1  }
0x515: {  	v3 =	vperm.xlane v3, v2;
	v4 =	vadd.s32 v1, v4;
	_ =	sdelay $0x1  }
0x516: {  	v3 =	vadd.s32 v1, v3;
	_ =	sdelay $0x1  }
0x517: {  	s1 =	simm.s32 $0xDA00  }
0x518: {  	[tilespmem:s1], [sflag:$0x2] =	stream.indirect_vreg.gather [hbm4b:s4+s2], $0x80, v4, vm0, $0xb8;
	[tilespmem:$0x10A00] =	vst v63  }
0x519: {  	s12 =	simm.s32 $0xE200  }
0x51a: {  	[tilespmem:s12], [sflag:$0x2] =	stream.indirect_vreg.gather [hbm4b:s4+s2], $0x80, v3, vm0, $0xb8;
	[tilespmem:$0x10A00] =	vst v63  }
0x51b: {  	v3 =	vld [tilespmem:$0x6E0];
	_ =	sdelay $0x4  }
0x51c: {  	v14 =	vshll.u32 v3, $0x1  }
0x51d: {  	v3 =	vand.u32 $0x7, v3;
	v4 =	vand.u32 $0xFFFFFFF0, v14  }
0x51e: {  	v3 =	vor.u32 v3, v4  }
0x51f: {  	v4 =	vperm.xlane v3, v0;
	_ =	sdelay $0x1  }
0x520: {  	v3 =	vperm.xlane v3, v2;
	v4 =	vadd.s32 v1, v4;
	_ =	sdelay $0x1  }
0x521: {  	v3 =	vadd.s32 v1, v3;
	_ =	sdelay $0x1  }
0x522: {  	s3 =	simm.s32 $0xEA00  }
0x523: {  	[tilespmem:s3], [sflag:$0x2] =	stream.indirect_vreg.gather [hbm4b:s4+s2], $0x80, v4, vm0, $0xb8;
	[tilespmem:$0x10A00] =	vst v63  }
0x524: {  	s16 =	simm.s32 $0xF200  }
0x525: {  	[tilespmem:s16], [sflag:$0x2] =	stream.indirect_vreg.gather [hbm4b:s4+s2], $0x80, v3, vm0, $0xb8;
	[tilespmem:$0x10A00] =	vst v63  }
0x526: {  	v3 =	vld [tilespmem:$0x6F0];
	_ =	sdelay $0x4  }
0x527: {  	v15 =	vshll.u32 v3, $0x1  }
0x528: {  	v3 =	vand.u32 $0x7, v3;
	v4 =	vand.u32 $0xFFFFFFF0, v15  }
0x529: {  	v3 =	vor.u32 v3, v4  }
0x52a: {  	v4 =	vperm.xlane v3, v0;
	_ =	sdelay $0x1  }
0x52b: {  	v3 =	vperm.xlane v3, v2;
	v4 =	vadd.s32 v1, v4;
	_ =	sdelay $0x1  }
0x52c: {  	v3 =	vadd.s32 v1, v3;
	_ =	sdelay $0x1  }
0x52d: {  	s5 =	simm.s32 $0xFA00  }
0x52e: {  	[tilespmem:s5], [sflag:$0x2] =	stream.indirect_vreg.gather [hbm4b:s4+s2], $0x80, v4, vm0, $0xb8;
	[tilespmem:$0x10A00] =	vst v63  }
0x52f: {  	s17 =	simm.s32 $0x10200  }
0x530: {  	[tilespmem:s17], [sflag:$0x2] =	stream.indirect_vreg.gather [hbm4b:s4+s2], $0x80, v3, vm0, $0xb8;
	[tilespmem:$0x10A00] =	vst v63  }
0x531: {  	_ =	swait.ge [sflag:s13], $0x8000  }
0x532: {  	[sflag:s13] =	ssyncset.done $0x0  }
0x533: {  	s15 =	rddreg [dreg:$0xf];
	[sflag:s13] =	ssyncadd.s32 $0xFFFF8000  }
0x534: {  	[hbm4b:s15+s2] =	stream.linear.scatter [tilespmem:s7], [sflag:$0x3], $0x8000, $0x38;
	[tilespmem:$0x10A00] =	vst v63  }
0x535: {  	_ =	swait.ge [sflag:s6], $0x8000  }
0x536: {  	[sflag:s6] =	ssyncset.done $0x0  }
0x537: {  	[sflag:s6] =	ssyncadd.s32 $0xFFFF8000  }
0x538: {  	v3 =	vld [tilespmem:$0x700];
	_ =	sdelay $0x4  }
0x539: {  	v16 =	vshll.u32 v3, $0x1  }
0x53a: {  	v3 =	vand.u32 $0x7, v3;
	v4 =	vand.u32 $0xFFFFFFF0, v16  }
0x53b: {  	v3 =	vor.u32 v3, v4  }
0x53c: {  	v4 =	vperm.xlane v3, v0;
	_ =	sdelay $0x1  }
0x53d: {  	v3 =	vperm.xlane v3, v2;
	v4 =	vadd.s32 v1, v4;
	_ =	sdelay $0x1  }
0x53e: {  	v3 =	vadd.s32 v1, v3;
	_ =	sdelay $0x2  }
0x53f: {  	[tilespmem:s7], [sflag:$0x1] =	stream.indirect_vreg.gather [hbm4b:s4+s2], $0x80, v4, vm0, $0xb8;
	[tilespmem:$0x10A00] =	vst v63  }
0x540: {  	s15 =	simm.s32 $0x1200  }
0x541: {  	[tilespmem:s15], [sflag:$0x1] =	stream.indirect_vreg.gather [hbm4b:s4+s2], $0x80, v3, vm0, $0xb8;
	[tilespmem:$0x10A00] =	vst v63  }
0x542: {  	v3 =	vld [tilespmem:$0x710];
	_ =	sdelay $0x4  }
0x543: {  	v17 =	vshll.u32 v3, $0x1  }
0x544: {  	v3 =	vand.u32 $0x7, v3;
	v4 =	vand.u32 $0xFFFFFFF0, v17  }
0x545: {  	v3 =	vor.u32 v3, v4  }
0x546: {  	v4 =	vperm.xlane v3, v0;
	_ =	sdelay $0x1  }
0x547: {  	v3 =	vperm.xlane v3, v2;
	v4 =	vadd.s32 v1, v4;
	_ =	sdelay $0x1  }
0x548: {  	v3 =	vadd.s32 v1, v3;
	_ =	sdelay $0x1  }
0x549: {  	s15 =	simm.s32 $0x1A00  }
0x54a: {  	[tilespmem:s15], [sflag:$0x1] =	stream.indirect_vreg.gather [hbm4b:s4+s2], $0x80, v4, vm0, $0xb8;
	[tilespmem:$0x10A00] =	vst v63  }
0x54b: {  	s15 =	simm.s32 $0x2200  }
0x54c: {  	[tilespmem:s15], [sflag:$0x1] =	stream.indirect_vreg.gather [hbm4b:s4+s2], $0x80, v3, vm0, $0xb8;
	[tilespmem:$0x10A00] =	vst v63  }
0x54d: {  	v3 =	vld [tilespmem:$0x720];
	_ =	sdelay $0x4  }
0x54e: {  	v18 =	vshll.u32 v3, $0x1  }
0x54f: {  	v3 =	vand.u32 $0x7, v3;
	v4 =	vand.u32 $0xFFFFFFF0, v18  }
0x550: {  	v3 =	vor.u32 v3, v4  }
0x551: {  	v4 =	vperm.xlane v3, v0;
	_ =	sdelay $0x1  }
0x552: {  	v3 =	vperm.xlane v3, v2;
	v4 =	vadd.s32 v1, v4;
	_ =	sdelay $0x1  }
0x553: {  	v3 =	vadd.s32 v1, v3;
	_ =	sdelay $0x1  }
0x554: {  	s20 =	simm.s32 $0x2A00  }
0x555: {  	[tilespmem:s20], [sflag:$0x1] =	stream.indirect_vreg.gather [hbm4b:s4+s2], $0x80, v4, vm0, $0xb8;
	[tilespmem:$0x10A00] =	vst v63  }
0x556: {  	s22 =	simm.s32 $0x3200  }
0x557: {  	[tilespmem:s22], [sflag:$0x1] =	stream.indirect_vreg.gather [hbm4b:s4+s2], $0x80, v3, vm0, $0xb8;
	[tilespmem:$0x10A00] =	vst v63  }
0x558: {  	v3 =	vld [tilespmem:$0x730];
	_ =	sdelay $0x4  }
0x559: {  	v19 =	vshll.u32 v3, $0x1  }
0x55a: {  	v3 =	vand.u32 $0x7, v3;
	v4 =	vand.u32 $0xFFFFFFF0, v19  }
0x55b: {  	v3 =	vor.u32 v3, v4  }
0x55c: {  	v4 =	vperm.xlane v3, v0;
	_ =	sdelay $0x1  }
0x55d: {  	v3 =	vperm.xlane v3, v2;
	v4 =	vadd.s32 v1, v4;
	_ =	sdelay $0x1  }
0x55e: {  	v3 =	vadd.s32 v1, v3;
	_ =	sdelay $0x1  }
0x55f: {  	s21 =	simm.s32 $0x3A00  }
0x560: {  	[tilespmem:s21], [sflag:$0x1] =	stream.indirect_vreg.gather [hbm4b:s4+s2], $0x80, v4, vm0, $0xb8;
	[tilespmem:$0x10A00] =	vst v63  }
0x561: {  	s15 =	simm.s32 $0x4200  }
0x562: {  	[tilespmem:s15], [sflag:$0x1] =	stream.indirect_vreg.gather [hbm4b:s4+s2], $0x80, v3, vm0, $0xb8;
	[tilespmem:$0x10A00] =	vst v63  }
0x563: {  	v3 =	vld [tilespmem:$0x740];
	_ =	sdelay $0x4  }
0x564: {  	v20 =	vshll.u32 v3, $0x1  }
0x565: {  	v3 =	vand.u32 $0x7, v3;
	v4 =	vand.u32 $0xFFFFFFF0, v20  }
0x566: {  	v3 =	vor.u32 v3, v4  }
0x567: {  	v4 =	vperm.xlane v3, v0;
	_ =	sdelay $0x1  }
0x568: {  	v3 =	vperm.xlane v3, v2;
	v4 =	vadd.s32 v1, v4;
	_ =	sdelay $0x1  }
0x569: {  	v3 =	vadd.s32 v1, v3;
	_ =	sdelay $0x1  }
0x56a: {  	s24 =	simm.s32 $0x4A00  }
0x56b: {  	[tilespmem:s24], [sflag:$0x1] =	stream.indirect_vreg.gather [hbm4b:s4+s2], $0x80, v4, vm0, $0xb8;
	[tilespmem:$0x10A00] =	vst v63  }
0x56c: {  	s26 =	simm.s32 $0x5200  }
0x56d: {  	[tilespmem:s26], [sflag:$0x1] =	stream.indirect_vreg.gather [hbm4b:s4+s2], $0x80, v3, vm0, $0xb8;
	[tilespmem:$0x10A00] =	vst v63  }
0x56e: {  	v3 =	vld [tilespmem:$0x750];
	_ =	sdelay $0x4  }
0x56f: {  	v21 =	vshll.u32 v3, $0x1  }
0x570: {  	v3 =	vand.u32 $0x7, v3;
	v4 =	vand.u32 $0xFFFFFFF0, v21  }
0x571: {  	v3 =	vor.u32 v3, v4  }
0x572: {  	v4 =	vperm.xlane v3, v0;
	_ =	sdelay $0x1  }
0x573: {  	v3 =	vperm.xlane v3, v2;
	v4 =	vadd.s32 v1, v4;
	_ =	sdelay $0x1  }
0x574: {  	v3 =	vadd.s32 v1, v3;
	_ =	sdelay $0x1  }
0x575: {  	s15 =	simm.s32 $0x5A00  }
0x576: {  	[tilespmem:s15], [sflag:$0x1] =	stream.indirect_vreg.gather [hbm4b:s4+s2], $0x80, v4, vm0, $0xb8;
	[tilespmem:$0x10A00] =	vst v63  }
0x577: {  	s28 =	simm.s32 $0x6200  }
0x578: {  	[tilespmem:s28], [sflag:$0x1] =	stream.indirect_vreg.gather [hbm4b:s4+s2], $0x80, v3, vm0, $0xb8;
	[tilespmem:$0x10A00] =	vst v63  }
0x579: {  	v3 =	vld [tilespmem:$0x760];
	_ =	sdelay $0x4  }
0x57a: {  	v22 =	vshll.u32 v3, $0x1  }
0x57b: {  	v3 =	vand.u32 $0x7, v3;
	v4 =	vand.u32 $0xFFFFFFF0, v22  }
0x57c: {  	v3 =	vor.u32 v3, v4  }
0x57d: {  	v4 =	vperm.xlane v3, v0;
	_ =	sdelay $0x1  }
0x57e: {  	v3 =	vperm.xlane v3, v2;
	v4 =	vadd.s32 v1, v4;
	_ =	sdelay $0x1  }
0x57f: {  	v3 =	vadd.s32 v1, v3;
	_ =	sdelay $0x1  }
0x580: {  	s29 =	simm.s32 $0x6A00  }
0x581: {  	[tilespmem:s29], [sflag:$0x1] =	stream.indirect_vreg.gather [hbm4b:s4+s2], $0x80, v4, vm0, $0xb8;
	[tilespmem:$0x10A00] =	vst v63  }
0x582: {  	s30 =	simm.s32 $0x7200  }
0x583: {  	[tilespmem:s30], [sflag:$0x1] =	stream.indirect_vreg.gather [hbm4b:s4+s2], $0x80, v3, vm0, $0xb8;
	[tilespmem:$0x10A00] =	vst v63  }
0x584: {  	v3 =	vld [tilespmem:$0x770];
	_ =	sdelay $0x4  }
0x585: {  	v23 =	vshll.u32 v3, $0x1  }
0x586: {  	v3 =	vand.u32 $0x7, v3;
	v4 =	vand.u32 $0xFFFFFFF0, v23  }
0x587: {  	v3 =	vor.u32 v3, v4  }
0x588: {  	v4 =	vperm.xlane v3, v0;
	_ =	sdelay $0x1  }
0x589: {  	v3 =	vperm.xlane v3, v2;
	v4 =	vadd.s32 v1, v4;
	_ =	sdelay $0x1  }
0x58a: {  	v3 =	vadd.s32 v1, v3;
	_ =	sdelay $0x1  }
0x58b: {  	s31 =	simm.s32 $0x7A00  }
0x58c: {  	[tilespmem:s31], [sflag:$0x1] =	stream.indirect_vreg.gather [hbm4b:s4+s2], $0x80, v4, vm0, $0xb8;
	[tilespmem:$0x10A00] =	vst v63  }
0x58d: {  	s25 =	simm.s32 $0x8200  }
0x58e: {  	[tilespmem:s25], [sflag:$0x1] =	stream.indirect_vreg.gather [hbm4b:s4+s2], $0x80, v3, vm0, $0xb8;
	[tilespmem:$0x10A00] =	vst v63  }
0x58f: {  	_ =	swait.ge [sflag:s14], $0x8000  }
0x590: {  	[sflag:s14] =	ssyncset.done $0x0  }
0x591: {  	s15 =	rddreg [dreg:$0x10];
	[sflag:s14] =	ssyncadd.s32 $0xFFFF8000  }
0x592: {  	[hbm4b:s15+s2] =	stream.linear.scatter [tilespmem:s23], [sflag:$0x3], $0x8000, $0x38;
	[tilespmem:$0x10A00] =	vst v63  }
0x593: {  	_ =	swait.ge [sflag:s6], $0x8000  }
0x594: {  	[sflag:s6] =	ssyncset.done $0x0  }
0x595: {  	[sflag:s6] =	ssyncadd.s32 $0xFFFF8000  }
0x596: {  	v3 =	vld [tilespmem:$0x780];
	_ =	sdelay $0x4  }
0x597: {  	v24 =	vshll.u32 v3, $0x1  }
0x598: {  	v3 =	vand.u32 $0x7, v3;
	v4 =	vand.u32 $0xFFFFFFF0, v24  }
0x599: {  	v3 =	vor.u32 v3, v4  }
0x59a: {  	v4 =	vperm.xlane v3, v0;
	_ =	sdelay $0x1  }
0x59b: {  	v3 =	vperm.xlane v3, v2;
	v4 =	vadd.s32 v1, v4;
	_ =	sdelay $0x1  }
0x59c: {  	v3 =	vadd.s32 v1, v3;
	_ =	sdelay $0x2  }
0x59d: {  	[tilespmem:s23], [sflag:$0x2] =	stream.indirect_vreg.gather [hbm4b:s4+s2], $0x80, v4, vm0, $0xb8;
	[tilespmem:$0x10A00] =	vst v63  }
0x59e: {  	s15 =	simm.s32 $0x9200  }
0x59f: {  	[tilespmem:s15], [sflag:$0x2] =	stream.indirect_vreg.gather [hbm4b:s4+s2], $0x80, v3, vm0, $0xb8;
	[tilespmem:$0x10A00] =	vst v63  }
0x5a0: {  	v3 =	vld [tilespmem:$0x790];
	_ =	sdelay $0x4  }
0x5a1: {  	v25 =	vshll.u32 v3, $0x1  }
0x5a2: {  	v3 =	vand.u32 $0x7, v3;
	v4 =	vand.u32 $0xFFFFFFF0, v25  }
0x5a3: {  	v3 =	vor.u32 v3, v4  }
0x5a4: {  	v4 =	vperm.xlane v3, v0;
	_ =	sdelay $0x1  }
0x5a5: {  	v3 =	vperm.xlane v3, v2;
	v4 =	vadd.s32 v1, v4;
	_ =	sdelay $0x1  }
0x5a6: {  	v3 =	vadd.s32 v1, v3;
	_ =	sdelay $0x1  }
0x5a7: {  	s9 =	simm.s32 $0x9A00  }
0x5a8: {  	[tilespmem:s9], [sflag:$0x2] =	stream.indirect_vreg.gather [hbm4b:s4+s2], $0x80, v4, vm0, $0xb8;
	[tilespmem:$0x10A00] =	vst v63  }
0x5a9: {  	s15 =	simm.s32 $0xA200  }
0x5aa: {  	[tilespmem:s15], [sflag:$0x2] =	stream.indirect_vreg.gather [hbm4b:s4+s2], $0x80, v3, vm0, $0xb8;
	[tilespmem:$0x10A00] =	vst v63  }
0x5ab: {  	v3 =	vld [tilespmem:$0x7A0];
	_ =	sdelay $0x4  }
0x5ac: {  	v26 =	vshll.u32 v3, $0x1  }
0x5ad: {  	v3 =	vand.u32 $0x7, v3;
	v4 =	vand.u32 $0xFFFFFFF0, v26  }
0x5ae: {  	v3 =	vor.u32 v3, v4  }
0x5af: {  	v4 =	vperm.xlane v3, v0;
	_ =	sdelay $0x1  }
0x5b0: {  	v3 =	vperm.xlane v3, v2;
	v4 =	vadd.s32 v1, v4;
	_ =	sdelay $0x1  }
0x5b1: {  	v3 =	vadd.s32 v1, v3;
	_ =	sdelay $0x1  }
0x5b2: {  	s10 =	simm.s32 $0xAA00  }
0x5b3: {  	[tilespmem:s10], [sflag:$0x2] =	stream.indirect_vreg.gather [hbm4b:s4+s2], $0x80, v4, vm0, $0xb8;
	[tilespmem:$0x10A00] =	vst v63  }
0x5b4: {  	s18 =	simm.s32 $0xB200  }
0x5b5: {  	[tilespmem:s18], [sflag:$0x2] =	stream.indirect_vreg.gather [hbm4b:s4+s2], $0x80, v3, vm0, $0xb8;
	[tilespmem:$0x10A00] =	vst v63  }
0x5b6: {  	v3 =	vld [tilespmem:$0x7B0];
	_ =	sdelay $0x4  }
0x5b7: {  	v27 =	vshll.u32 v3, $0x1  }
0x5b8: {  	v3 =	vand.u32 $0x7, v3;
	v4 =	vand.u32 $0xFFFFFFF0, v27  }
0x5b9: {  	v3 =	vor.u32 v3, v4  }
0x5ba: {  	v4 =	vperm.xlane v3, v0;
	_ =	sdelay $0x1  }
0x5bb: {  	v3 =	vperm.xlane v3, v2;
	v4 =	vadd.s32 v1, v4;
	_ =	sdelay $0x1  }
0x5bc: {  	v3 =	vadd.s32 v1, v3;
	_ =	sdelay $0x1  }
0x5bd: {  	s8 =	simm.s32 $0xBA00  }
0x5be: {  	[tilespmem:s8], [sflag:$0x2] =	stream.indirect_vreg.gather [hbm4b:s4+s2], $0x80, v4, vm0, $0xb8;
	[tilespmem:$0x10A00] =	vst v63  }
0x5bf: {  	s19 =	simm.s32 $0xC200  }
0x5c0: {  	[tilespmem:s19], [sflag:$0x2] =	stream.indirect_vreg.gather [hbm4b:s4+s2], $0x80, v3, vm0, $0xb8;
	[tilespmem:$0x10A00] =	vst v63  }
0x5c1: {  	v3 =	vld [tilespmem:$0x7C0];
	_ =	sdelay $0x4  }
0x5c2: {  	v28 =	vshll.u32 v3, $0x1  }
0x5c3: {  	v3 =	vand.u32 $0x7, v3;
	v4 =	vand.u32 $0xFFFFFFF0, v28  }
0x5c4: {  	v3 =	vor.u32 v3, v4  }
0x5c5: {  	v4 =	vperm.xlane v3, v0;
	_ =	sdelay $0x1  }
0x5c6: {  	v3 =	vperm.xlane v3, v2;
	v4 =	vadd.s32 v1, v4;
	_ =	sdelay $0x1  }
0x5c7: {  	v3 =	vadd.s32 v1, v3;
	_ =	sdelay $0x1  }
0x5c8: {  	s0 =	simm.s32 $0xCA00  }
0x5c9: {  	[tilespmem:s0], [sflag:$0x2] =	stream.indirect_vreg.gather [hbm4b:s4+s2], $0x80, v4, vm0, $0xb8;
	[tilespmem:$0x10A00] =	vst v63  }
0x5ca: {  	s11 =	simm.s32 $0xD200  }
0x5cb: {  	[tilespmem:s11], [sflag:$0x2] =	stream.indirect_vreg.gather [hbm4b:s4+s2], $0x80, v3, vm0, $0xb8;
	[tilespmem:$0x10A00] =	vst v63  }
0x5cc: {  	v3 =	vld [tilespmem:$0x7D0];
	_ =	sdelay $0x4  }
0x5cd: {  	v29 =	vshll.u32 v3, $0x1  }
0x5ce: {  	v3 =	vand.u32 $0x7, v3;
	v4 =	vand.u32 $0xFFFFFFF0, v29  }
0x5cf: {  	v3 =	vor.u32 v3, v4  }
0x5d0: {  	v4 =	vperm.xlane v3, v0;
	_ =	sdelay $0x1  }
0x5d1: {  	v3 =	vperm.xlane v3, v2;
	v4 =	vadd.s32 v1, v4;
	_ =	sdelay $0x1  }
0x5d2: {  	v3 =	vadd.s32 v1, v3;
	_ =	sdelay $0x1  }
0x5d3: {  	s1 =	simm.s32 $0xDA00  }
0x5d4: {  	[tilespmem:s1], [sflag:$0x2] =	stream.indirect_vreg.gather [hbm4b:s4+s2], $0x80, v4, vm0, $0xb8;
	[tilespmem:$0x10A00] =	vst v63  }
0x5d5: {  	s12 =	simm.s32 $0xE200  }
0x5d6: {  	[tilespmem:s12], [sflag:$0x2] =	stream.indirect_vreg.gather [hbm4b:s4+s2], $0x80, v3, vm0, $0xb8;
	[tilespmem:$0x10A00] =	vst v63  }
0x5d7: {  	v3 =	vld [tilespmem:$0x7E0];
	_ =	sdelay $0x4  }
0x5d8: {  	v30 =	vshll.u32 v3, $0x1  }
0x5d9: {  	v3 =	vand.u32 $0x7, v3;
	v4 =	vand.u32 $0xFFFFFFF0, v30  }
0x5da: {  	v3 =	vor.u32 v3, v4  }
0x5db: {  	v4 =	vperm.xlane v3, v0;
	_ =	sdelay $0x1  }
0x5dc: {  	v3 =	vperm.xlane v3, v2;
	v4 =	vadd.s32 v1, v4;
	_ =	sdelay $0x1  }
0x5dd: {  	v3 =	vadd.s32 v1, v3;
	_ =	sdelay $0x1  }
0x5de: {  	s3 =	simm.s32 $0xEA00  }
0x5df: {  	[tilespmem:s3], [sflag:$0x2] =	stream.indirect_vreg.gather [hbm4b:s4+s2], $0x80, v4, vm0, $0xb8;
	[tilespmem:$0x10A00] =	vst v63  }
0x5e0: {  	s16 =	simm.s32 $0xF200  }
0x5e1: {  	[tilespmem:s16], [sflag:$0x2] =	stream.indirect_vreg.gather [hbm4b:s4+s2], $0x80, v3, vm0, $0xb8;
	[tilespmem:$0x10A00] =	vst v63  }
0x5e2: {  	v3 =	vld [tilespmem:$0x7F0];
	_ =	sdelay $0x4  }
0x5e3: {  	v31 =	vshll.u32 v3, $0x1  }
0x5e4: {  	v3 =	vand.u32 $0x7, v3;
	v4 =	vand.u32 $0xFFFFFFF0, v31  }
0x5e5: {  	v3 =	vor.u32 v3, v4  }
0x5e6: {  	v4 =	vperm.xlane v3, v0;
	_ =	sdelay $0x1  }
0x5e7: {  	v3 =	vperm.xlane v3, v2;
	v4 =	vadd.s32 v1, v4;
	_ =	sdelay $0x1  }
0x5e8: {  	v3 =	vadd.s32 v1, v3;
	_ =	sdelay $0x1  }
0x5e9: {  	s5 =	simm.s32 $0xFA00  }
0x5ea: {  	[tilespmem:s5], [sflag:$0x2] =	stream.indirect_vreg.gather [hbm4b:s4+s2], $0x80, v4, vm0, $0xb8;
	[tilespmem:$0x10A00] =	vst v63  }
0x5eb: {  	s17 =	simm.s32 $0x10200  }
0x5ec: {  	[tilespmem:s17], [sflag:$0x2] =	stream.indirect_vreg.gather [hbm4b:s4+s2], $0x80, v3, vm0, $0xb8;
	[tilespmem:$0x10A00] =	vst v63  }
0x5ed: {  	_ =	swait.ge [sflag:s13], $0x8000  }
0x5ee: {  	[sflag:s13] =	ssyncset.done $0x0  }
0x5ef: {  	s19 =	rddreg [dreg:$0x11];
	[sflag:s13] =	ssyncadd.s32 $0xFFFF8000  }
0x5f0: {  	[hbm4b:s19+s2] =	stream.linear.scatter [tilespmem:s7], [sflag:$0x3], $0x8000, $0x38;
	[tilespmem:$0x10A00] =	vst v63  }
0x5f1: {  	_ =	swait.ge [sflag:s6], $0x8000  }
0x5f2: {  	[sflag:s6] =	ssyncset.done $0x0  }
0x5f3: {  	[sflag:s6] =	ssyncadd.s32 $0xFFFF8000  }
0x5f4: {  	v3 =	vld [tilespmem:$0x800];
	_ =	sdelay $0x4  }
0x5f5: {  	v32 =	vshll.u32 v3, $0x1  }
0x5f6: {  	v3 =	vand.u32 $0x7, v3;
	v4 =	vand.u32 $0xFFFFFFF0, v32  }
0x5f7: {  	v3 =	vor.u32 v3, v4  }
0x5f8: {  	v4 =	vperm.xlane v3, v0;
	_ =	sdelay $0x1  }
0x5f9: {  	v3 =	vperm.xlane v3, v2;
	v4 =	vadd.s32 v1, v4;
	_ =	sdelay $0x1  }
0x5fa: {  	v3 =	vadd.s32 v1, v3;
	_ =	sdelay $0x2  }
0x5fb: {  	[tilespmem:s7], [sflag:$0x1] =	stream.indirect_vreg.gather [hbm4b:s4+s2], $0x80, v4, vm0, $0xb8;
	[tilespmem:$0x10A00] =	vst v63  }
0x5fc: {  	s16 =	simm.s32 $0x1200  }
0x5fd: {  	[tilespmem:s16], [sflag:$0x1] =	stream.indirect_vreg.gather [hbm4b:s4+s2], $0x80, v3, vm0, $0xb8;
	[tilespmem:$0x10A00] =	vst v63  }
0x5fe: {  	v3 =	vld [tilespmem:$0x810];
	_ =	sdelay $0x4  }
0x5ff: {  	v33 =	vshll.u32 v3, $0x1  }
0x600: {  	v3 =	vand.u32 $0x7, v3;
	v4 =	vand.u32 $0xFFFFFFF0, v33  }
0x601: {  	v3 =	vor.u32 v3, v4  }
0x602: {  	v4 =	vperm.xlane v3, v0;
	_ =	sdelay $0x1  }
0x603: {  	v3 =	vperm.xlane v3, v2;
	v4 =	vadd.s32 v1, v4;
	_ =	sdelay $0x1  }
0x604: {  	v3 =	vadd.s32 v1, v3;
	_ =	sdelay $0x1  }
0x605: {  	s17 =	simm.s32 $0x1A00  }
0x606: {  	[tilespmem:s17], [sflag:$0x1] =	stream.indirect_vreg.gather [hbm4b:s4+s2], $0x80, v4, vm0, $0xb8;
	[tilespmem:$0x10A00] =	vst v63  }
0x607: {  	s19 =	simm.s32 $0x2200  }
0x608: {  	[tilespmem:s19], [sflag:$0x1] =	stream.indirect_vreg.gather [hbm4b:s4+s2], $0x80, v3, vm0, $0xb8;
	[tilespmem:$0x10A00] =	vst v63  }
0x609: {  	v3 =	vld [tilespmem:$0x820];
	_ =	sdelay $0x4  }
0x60a: {  	v34 =	vshll.u32 v3, $0x1  }
0x60b: {  	v3 =	vand.u32 $0x7, v3;
	v4 =	vand.u32 $0xFFFFFFF0, v34  }
0x60c: {  	v3 =	vor.u32 v3, v4  }
0x60d: {  	v4 =	vperm.xlane v3, v0;
	_ =	sdelay $0x1  }
0x60e: {  	v3 =	vperm.xlane v3, v2;
	v4 =	vadd.s32 v1, v4;
	_ =	sdelay $0x1  }
0x60f: {  	v3 =	vadd.s32 v1, v3;
	_ =	sdelay $0x1  }
0x610: {  	s20 =	simm.s32 $0x2A00  }
0x611: {  	[tilespmem:s20], [sflag:$0x1] =	stream.indirect_vreg.gather [hbm4b:s4+s2], $0x80, v4, vm0, $0xb8;
	[tilespmem:$0x10A00] =	vst v63  }
0x612: {  	s22 =	simm.s32 $0x3200  }
0x613: {  	[tilespmem:s22], [sflag:$0x1] =	stream.indirect_vreg.gather [hbm4b:s4+s2], $0x80, v3, vm0, $0xb8;
	[tilespmem:$0x10A00] =	vst v63  }
0x614: {  	v3 =	vld [tilespmem:$0x830];
	_ =	sdelay $0x4  }
0x615: {  	v35 =	vshll.u32 v3, $0x1  }
0x616: {  	v3 =	vand.u32 $0x7, v3;
	v4 =	vand.u32 $0xFFFFFFF0, v35  }
0x617: {  	v3 =	vor.u32 v3, v4  }
0x618: {  	v4 =	vperm.xlane v3, v0;
	_ =	sdelay $0x1  }
0x619: {  	v3 =	vperm.xlane v3, v2;
	v4 =	vadd.s32 v1, v4;
	_ =	sdelay $0x1  }
0x61a: {  	v3 =	vadd.s32 v1, v3;
	_ =	sdelay $0x1  }
0x61b: {  	s21 =	simm.s32 $0x3A00  }
0x61c: {  	[tilespmem:s21], [sflag:$0x1] =	stream.indirect_vreg.gather [hbm4b:s4+s2], $0x80, v4, vm0, $0xb8;
	[tilespmem:$0x10A00] =	vst v63  }
0x61d: {  	s21 =	simm.s32 $0x4200  }
0x61e: {  	[tilespmem:s21], [sflag:$0x1] =	stream.indirect_vreg.gather [hbm4b:s4+s2], $0x80, v3, vm0, $0xb8;
	[tilespmem:$0x10A00] =	vst v63  }
0x61f: {  	v3 =	vld [tilespmem:$0x840];
	_ =	sdelay $0x4  }
0x620: {  	v36 =	vshll.u32 v3, $0x1  }
0x621: {  	v3 =	vand.u32 $0x7, v3;
	v4 =	vand.u32 $0xFFFFFFF0, v36  }
0x622: {  	v3 =	vor.u32 v3, v4  }
0x623: {  	v4 =	vperm.xlane v3, v0;
	_ =	sdelay $0x1  }
0x624: {  	v3 =	vperm.xlane v3, v2;
	v4 =	vadd.s32 v1, v4;
	_ =	sdelay $0x1  }
0x625: {  	v3 =	vadd.s32 v1, v3;
	_ =	sdelay $0x1  }
0x626: {  	s24 =	simm.s32 $0x4A00  }
0x627: {  	[tilespmem:s24], [sflag:$0x1] =	stream.indirect_vreg.gather [hbm4b:s4+s2], $0x80, v4, vm0, $0xb8;
	[tilespmem:$0x10A00] =	vst v63  }
0x628: {  	s26 =	simm.s32 $0x5200  }
0x629: {  	[tilespmem:s26], [sflag:$0x1] =	stream.indirect_vreg.gather [hbm4b:s4+s2], $0x80, v3, vm0, $0xb8;
	[tilespmem:$0x10A00] =	vst v63  }
0x62a: {  	v3 =	vld [tilespmem:$0x850];
	_ =	sdelay $0x4  }
0x62b: {  	v37 =	vshll.u32 v3, $0x1  }
0x62c: {  	v3 =	vand.u32 $0x7, v3;
	v4 =	vand.u32 $0xFFFFFFF0, v37  }
0x62d: {  	v3 =	vor.u32 v3, v4  }
0x62e: {  	v4 =	vperm.xlane v3, v0;
	_ =	sdelay $0x1  }
0x62f: {  	v3 =	vperm.xlane v3, v2;
	v4 =	vadd.s32 v1, v4;
	_ =	sdelay $0x1  }
0x630: {  	v3 =	vadd.s32 v1, v3;
	_ =	sdelay $0x1  }
0x631: {  	s22 =	simm.s32 $0x5A00  }
0x632: {  	[tilespmem:s22], [sflag:$0x1] =	stream.indirect_vreg.gather [hbm4b:s4+s2], $0x80, v4, vm0, $0xb8;
	[tilespmem:$0x10A00] =	vst v63  }
0x633: {  	s28 =	simm.s32 $0x6200  }
0x634: {  	[tilespmem:s28], [sflag:$0x1] =	stream.indirect_vreg.gather [hbm4b:s4+s2], $0x80, v3, vm0, $0xb8;
	[tilespmem:$0x10A00] =	vst v63  }
0x635: {  	v3 =	vld [tilespmem:$0x860];
	_ =	sdelay $0x4  }
0x636: {  	v38 =	vshll.u32 v3, $0x1  }
0x637: {  	v3 =	vand.u32 $0x7, v3;
	v4 =	vand.u32 $0xFFFFFFF0, v38  }
0x638: {  	v3 =	vor.u32 v3, v4  }
0x639: {  	v4 =	vperm.xlane v3, v0;
	_ =	sdelay $0x1  }
0x63a: {  	v3 =	vperm.xlane v3, v2;
	v4 =	vadd.s32 v1, v4;
	_ =	sdelay $0x1  }
0x63b: {  	v3 =	vadd.s32 v1, v3;
	_ =	sdelay $0x1  }
0x63c: {  	s29 =	simm.s32 $0x6A00  }
0x63d: {  	[tilespmem:s29], [sflag:$0x1] =	stream.indirect_vreg.gather [hbm4b:s4+s2], $0x80, v4, vm0, $0xb8;
	[tilespmem:$0x10A00] =	vst v63  }
0x63e: {  	s30 =	simm.s32 $0x7200  }
0x63f: {  	[tilespmem:s30], [sflag:$0x1] =	stream.indirect_vreg.gather [hbm4b:s4+s2], $0x80, v3, vm0, $0xb8;
	[tilespmem:$0x10A00] =	vst v63  }
0x640: {  	v3 =	vld [tilespmem:$0x870];
	_ =	sdelay $0x4  }
0x641: {  	v39 =	vshll.u32 v3, $0x1  }
0x642: {  	v3 =	vand.u32 $0x7, v3;
	v4 =	vand.u32 $0xFFFFFFF0, v39  }
0x643: {  	v3 =	vor.u32 v3, v4  }
0x644: {  	v4 =	vperm.xlane v3, v0;
	_ =	sdelay $0x1  }
0x645: {  	v3 =	vperm.xlane v3, v2;
	v4 =	vadd.s32 v1, v4;
	_ =	sdelay $0x1  }
0x646: {  	v3 =	vadd.s32 v1, v3;
	_ =	sdelay $0x1  }
0x647: {  	s31 =	simm.s32 $0x7A00  }
0x648: {  	[tilespmem:s31], [sflag:$0x1] =	stream.indirect_vreg.gather [hbm4b:s4+s2], $0x80, v4, vm0, $0xb8;
	[tilespmem:$0x10A00] =	vst v63  }
0x649: {  	s25 =	simm.s32 $0x8200  }
0x64a: {  	[tilespmem:s25], [sflag:$0x1] =	stream.indirect_vreg.gather [hbm4b:s4+s2], $0x80, v3, vm0, $0xb8;
	[tilespmem:$0x10A00] =	vst v63  }
0x64b: {  	_ =	swait.ge [sflag:s14], $0x8000  }
0x64c: {  	[sflag:s14] =	ssyncset.done $0x0  }
0x64d: {  	s25 =	rddreg [dreg:$0x12];
	[sflag:s14] =	ssyncadd.s32 $0xFFFF8000  }
0x64e: {  	[hbm4b:s25+s2] =	stream.linear.scatter [tilespmem:s23], [sflag:$0x3], $0x8000, $0x38;
	[tilespmem:$0x10A00] =	vst v63  }
0x64f: {  	_ =	swait.ge [sflag:s6], $0x8000  }
0x650: {  	[sflag:s6] =	ssyncset.done $0x0  }
0x651: {  	[sflag:s6] =	ssyncadd.s32 $0xFFFF8000  }
0x652: {  	v3 =	vld [tilespmem:$0x880];
	_ =	sdelay $0x4  }
0x653: {  	v40 =	vshll.u32 v3, $0x1  }
0x654: {  	v3 =	vand.u32 $0x7, v3;
	v4 =	vand.u32 $0xFFFFFFF0, v40  }
0x655: {  	v3 =	vor.u32 v3, v4  }
0x656: {  	v4 =	vperm.xlane v3, v0;
	_ =	sdelay $0x1  }
0x657: {  	v3 =	vperm.xlane v3, v2;
	v4 =	vadd.s32 v1, v4;
	_ =	sdelay $0x1  }
0x658: {  	v3 =	vadd.s32 v1, v3;
	_ =	sdelay $0x2  }
0x659: {  	[tilespmem:s23], [sflag:$0x2] =	stream.indirect_vreg.gather [hbm4b:s4+s2], $0x80, v4, vm0, $0xb8;
	[tilespmem:$0x10A00] =	vst v63  }
0x65a: {  	s31 =	simm.s32 $0x9200  }
0x65b: {  	[tilespmem:s31], [sflag:$0x2] =	stream.indirect_vreg.gather [hbm4b:s4+s2], $0x80, v3, vm0, $0xb8;
	[tilespmem:$0x10A00] =	vst v63  }
0x65c: {  	v3 =	vld [tilespmem:$0x890];
	_ =	sdelay $0x4  }
0x65d: {  	v41 =	vshll.u32 v3, $0x1  }
0x65e: {  	v3 =	vand.u32 $0x7, v3;
	v4 =	vand.u32 $0xFFFFFFF0, v41  }
0x65f: {  	v3 =	vor.u32 v3, v4  }
0x660: {  	v4 =	vperm.xlane v3, v0;
	_ =	sdelay $0x1  }
0x661: {  	v3 =	vperm.xlane v3, v2;
	v4 =	vadd.s32 v1, v4;
	_ =	sdelay $0x1  }
0x662: {  	v3 =	vadd.s32 v1, v3;
	_ =	sdelay $0x1  }
0x663: {  	s9 =	simm.s32 $0x9A00  }
0x664: {  	[tilespmem:s9], [sflag:$0x2] =	stream.indirect_vreg.gather [hbm4b:s4+s2], $0x80, v4, vm0, $0xb8;
	[tilespmem:$0x10A00] =	vst v63  }
0x665: {  	s15 =	simm.s32 $0xA200  }
0x666: {  	[tilespmem:s15], [sflag:$0x2] =	stream.indirect_vreg.gather [hbm4b:s4+s2], $0x80, v3, vm0, $0xb8;
	[tilespmem:$0x10A00] =	vst v63  }
0x667: {  	v3 =	vld [tilespmem:$0x8A0];
	_ =	sdelay $0x4  }
0x668: {  	v42 =	vshll.u32 v3, $0x1  }
0x669: {  	v3 =	vand.u32 $0x7, v3;
	v4 =	vand.u32 $0xFFFFFFF0, v42  }
0x66a: {  	v3 =	vor.u32 v3, v4  }
0x66b: {  	v4 =	vperm.xlane v3, v0;
	_ =	sdelay $0x1  }
0x66c: {  	v3 =	vperm.xlane v3, v2;
	v4 =	vadd.s32 v1, v4;
	_ =	sdelay $0x1  }
0x66d: {  	v3 =	vadd.s32 v1, v3;
	_ =	sdelay $0x1  }
0x66e: {  	s10 =	simm.s32 $0xAA00  }
0x66f: {  	[tilespmem:s10], [sflag:$0x2] =	stream.indirect_vreg.gather [hbm4b:s4+s2], $0x80, v4, vm0, $0xb8;
	[tilespmem:$0x10A00] =	vst v63  }
0x670: {  	s18 =	simm.s32 $0xB200  }
0x671: {  	[tilespmem:s18], [sflag:$0x2] =	stream.indirect_vreg.gather [hbm4b:s4+s2], $0x80, v3, vm0, $0xb8;
	[tilespmem:$0x10A00] =	vst v63  }
0x672: {  	v3 =	vld [tilespmem:$0x8B0];
	_ =	sdelay $0x4  }
0x673: {  	v43 =	vshll.u32 v3, $0x1  }
0x674: {  	v3 =	vand.u32 $0x7, v3;
	v4 =	vand.u32 $0xFFFFFFF0, v43  }
0x675: {  	v3 =	vor.u32 v3, v4  }
0x676: {  	v4 =	vperm.xlane v3, v0;
	_ =	sdelay $0x1  }
0x677: {  	v3 =	vperm.xlane v3, v2;
	v4 =	vadd.s32 v1, v4;
	_ =	sdelay $0x1  }
0x678: {  	v3 =	vadd.s32 v1, v3;
	_ =	sdelay $0x1  }
0x679: {  	s8 =	simm.s32 $0xBA00  }
0x67a: {  	[tilespmem:s8], [sflag:$0x2] =	stream.indirect_vreg.gather [hbm4b:s4+s2], $0x80, v4, vm0, $0xb8;
	[tilespmem:$0x10A00] =	vst v63  }
0x67b: {  	s18 =	simm.s32 $0xC200  }
0x67c: {  	[tilespmem:s18], [sflag:$0x2] =	stream.indirect_vreg.gather [hbm4b:s4+s2], $0x80, v3, vm0, $0xb8;
	[tilespmem:$0x10A00] =	vst v63  }
0x67d: {  	v3 =	vld [tilespmem:$0x8C0];
	_ =	sdelay $0x4  }
0x67e: {  	v44 =	vshll.u32 v3, $0x1  }
0x67f: {  	v3 =	vand.u32 $0x7, v3;
	v4 =	vand.u32 $0xFFFFFFF0, v44  }
0x680: {  	v3 =	vor.u32 v3, v4  }
0x681: {  	v4 =	vperm.xlane v3, v0;
	_ =	sdelay $0x1  }
0x682: {  	v3 =	vperm.xlane v3, v2;
	v4 =	vadd.s32 v1, v4;
	_ =	sdelay $0x1  }
0x683: {  	v3 =	vadd.s32 v1, v3;
	_ =	sdelay $0x1  }
0x684: {  	s0 =	simm.s32 $0xCA00  }
0x685: {  	[tilespmem:s0], [sflag:$0x2] =	stream.indirect_vreg.gather [hbm4b:s4+s2], $0x80, v4, vm0, $0xb8;
	[tilespmem:$0x10A00] =	vst v63  }
0x686: {  	s11 =	simm.s32 $0xD200  }
0x687: {  	[tilespmem:s11], [sflag:$0x2] =	stream.indirect_vreg.gather [hbm4b:s4+s2], $0x80, v3, vm0, $0xb8;
	[tilespmem:$0x10A00] =	vst v63  }
0x688: {  	v3 =	vld [tilespmem:$0x8D0];
	_ =	sdelay $0x4  }
0x689: {  	v45 =	vshll.u32 v3, $0x1  }
0x68a: {  	v3 =	vand.u32 $0x7, v3;
	v4 =	vand.u32 $0xFFFFFFF0, v45  }
0x68b: {  	v3 =	vor.u32 v3, v4  }
0x68c: {  	v4 =	vperm.xlane v3, v0;
	_ =	sdelay $0x1  }
0x68d: {  	v3 =	vperm.xlane v3, v2;
	v4 =	vadd.s32 v1, v4;
	_ =	sdelay $0x1  }
0x68e: {  	v3 =	vadd.s32 v1, v3;
	_ =	sdelay $0x1  }
0x68f: {  	s1 =	simm.s32 $0xDA00  }
0x690: {  	[tilespmem:s1], [sflag:$0x2] =	stream.indirect_vreg.gather [hbm4b:s4+s2], $0x80, v4, vm0, $0xb8;
	[tilespmem:$0x10A00] =	vst v63  }
0x691: {  	s12 =	simm.s32 $0xE200  }
0x692: {  	[tilespmem:s12], [sflag:$0x2] =	stream.indirect_vreg.gather [hbm4b:s4+s2], $0x80, v3, vm0, $0xb8;
	[tilespmem:$0x10A00] =	vst v63  }
0x693: {  	v3 =	vld [tilespmem:$0x8E0];
	_ =	sdelay $0x4  }
0x694: {  	v46 =	vshll.u32 v3, $0x1  }
0x695: {  	v3 =	vand.u32 $0x7, v3;
	v4 =	vand.u32 $0xFFFFFFF0, v46  }
0x696: {  	v3 =	vor.u32 v3, v4  }
0x697: {  	v4 =	vperm.xlane v3, v0;
	_ =	sdelay $0x1  }
0x698: {  	v3 =	vperm.xlane v3, v2;
	v4 =	vadd.s32 v1, v4;
	_ =	sdelay $0x1  }
0x699: {  	v3 =	vadd.s32 v1, v3;
	_ =	sdelay $0x1  }
0x69a: {  	s3 =	simm.s32 $0xEA00  }
0x69b: {  	[tilespmem:s3], [sflag:$0x2] =	stream.indirect_vreg.gather [hbm4b:s4+s2], $0x80, v4, vm0, $0xb8;
	[tilespmem:$0x10A00] =	vst v63  }
0x69c: {  	s12 =	simm.s32 $0xF200  }
0x69d: {  	[tilespmem:s12], [sflag:$0x2] =	stream.indirect_vreg.gather [hbm4b:s4+s2], $0x80, v3, vm0, $0xb8;
	[tilespmem:$0x10A00] =	vst v63  }
0x69e: {  	v3 =	vld [tilespmem:$0x8F0];
	_ =	sdelay $0x4  }
0x69f: {  	v47 =	vshll.u32 v3, $0x1  }
0x6a0: {  	v3 =	vand.u32 $0x7, v3;
	v4 =	vand.u32 $0xFFFFFFF0, v47  }
0x6a1: {  	v3 =	vor.u32 v3, v4  }
0x6a2: {  	v4 =	vperm.xlane v3, v0;
	_ =	sdelay $0x1  }
0x6a3: {  	v3 =	vperm.xlane v3, v2;
	v4 =	vadd.s32 v1, v4;
	_ =	sdelay $0x1  }
0x6a4: {  	v3 =	vadd.s32 v1, v3;
	_ =	sdelay $0x1  }
0x6a5: {  	s5 =	simm.s32 $0xFA00  }
0x6a6: {  	[tilespmem:s5], [sflag:$0x2] =	stream.indirect_vreg.gather [hbm4b:s4+s2], $0x80, v4, vm0, $0xb8;
	[tilespmem:$0x10A00] =	vst v63  }
0x6a7: {  	s15 =	simm.s32 $0x10200  }
0x6a8: {  	[tilespmem:s15], [sflag:$0x2] =	stream.indirect_vreg.gather [hbm4b:s4+s2], $0x80, v3, vm0, $0xb8;
	[tilespmem:$0x10A00] =	vst v63  }
0x6a9: {  	_ =	swait.ge [sflag:s13], $0x8000  }
0x6aa: {  	[sflag:s13] =	ssyncset.done $0x0  }
0x6ab: {  	s15 =	rddreg [dreg:$0x13];
	[sflag:s13] =	ssyncadd.s32 $0xFFFF8000  }
0x6ac: {  	[hbm4b:s15+s2] =	stream.linear.scatter [tilespmem:s7], [sflag:$0x3], $0x8000, $0x38;
	[tilespmem:$0x10A00] =	vst v63  }
0x6ad: {  	_ =	swait.ge [sflag:s6], $0x8000  }
0x6ae: {  	[sflag:s6] =	ssyncset.done $0x0  }
0x6af: {  	[sflag:s6] =	ssyncadd.s32 $0xFFFF8000  }
0x6b0: {  	v3 =	vld [tilespmem:$0x900];
	_ =	sdelay $0x4  }
0x6b1: {  	v48 =	vshll.u32 v3, $0x1  }
0x6b2: {  	v3 =	vand.u32 $0x7, v3;
	v4 =	vand.u32 $0xFFFFFFF0, v48  }
0x6b3: {  	v3 =	vor.u32 v3, v4  }
0x6b4: {  	v4 =	vperm.xlane v3, v0;
	_ =	sdelay $0x1  }
0x6b5: {  	v3 =	vperm.xlane v3, v2;
	v4 =	vadd.s32 v1, v4;
	_ =	sdelay $0x1  }
0x6b6: {  	v3 =	vadd.s32 v1, v3;
	_ =	sdelay $0x2  }
0x6b7: {  	[tilespmem:s7], [sflag:$0x1] =	stream.indirect_vreg.gather [hbm4b:s4+s2], $0x80, v4, vm0, $0xb8;
	[tilespmem:$0x10A00] =	vst v63  }
0x6b8: {  	s15 =	simm.s32 $0x1200  }
0x6b9: {  	[tilespmem:s15], [sflag:$0x1] =	stream.indirect_vreg.gather [hbm4b:s4+s2], $0x80, v3, vm0, $0xb8;
	[tilespmem:$0x10A00] =	vst v63  }
0x6ba: {  	v3 =	vld [tilespmem:$0x910];
	_ =	sdelay $0x4  }
0x6bb: {  	v49 =	vshll.u32 v3, $0x1  }
0x6bc: {  	v3 =	vand.u32 $0x7, v3;
	v4 =	vand.u32 $0xFFFFFFF0, v49  }
0x6bd: {  	v3 =	vor.u32 v3, v4  }
0x6be: {  	v4 =	vperm.xlane v3, v0;
	_ =	sdelay $0x1  }
0x6bf: {  	v3 =	vperm.xlane v3, v2;
	v4 =	vadd.s32 v1, v4;
	_ =	sdelay $0x1  }
0x6c0: {  	v3 =	vadd.s32 v1, v3;
	_ =	sdelay $0x1  }
0x6c1: {  	s15 =	simm.s32 $0x1A00  }
0x6c2: {  	[tilespmem:s15], [sflag:$0x1] =	stream.indirect_vreg.gather [hbm4b:s4+s2], $0x80, v4, vm0, $0xb8;
	[tilespmem:$0x10A00] =	vst v63  }
0x6c3: {  	s15 =	simm.s32 $0x2200  }
0x6c4: {  	[tilespmem:s15], [sflag:$0x1] =	stream.indirect_vreg.gather [hbm4b:s4+s2], $0x80, v3, vm0, $0xb8;
	[tilespmem:$0x10A00] =	vst v63  }
0x6c5: {  	v3 =	vld [tilespmem:$0x920];
	_ =	sdelay $0x4  }
0x6c6: {  	v50 =	vshll.u32 v3, $0x1  }
0x6c7: {  	v3 =	vand.u32 $0x7, v3;
	v4 =	vand.u32 $0xFFFFFFF0, v50  }
0x6c8: {  	v3 =	vor.u32 v3, v4  }
0x6c9: {  	v4 =	vperm.xlane v3, v0;
	_ =	sdelay $0x1  }
0x6ca: {  	v3 =	vperm.xlane v3, v2;
	v4 =	vadd.s32 v1, v4;
	_ =	sdelay $0x1  }
0x6cb: {  	v3 =	vadd.s32 v1, v3;
	_ =	sdelay $0x1  }
0x6cc: {  	s16 =	simm.s32 $0x2A00  }
0x6cd: {  	[tilespmem:s16], [sflag:$0x1] =	stream.indirect_vreg.gather [hbm4b:s4+s2], $0x80, v4, vm0, $0xb8;
	[tilespmem:$0x10A00] =	vst v63  }
0x6ce: {  	s19 =	simm.s32 $0x3200  }
0x6cf: {  	[tilespmem:s19], [sflag:$0x1] =	stream.indirect_vreg.gather [hbm4b:s4+s2], $0x80, v3, vm0, $0xb8;
	[tilespmem:$0x10A00] =	vst v63  }
0x6d0: {  	v3 =	vld [tilespmem:$0x930];
	_ =	sdelay $0x4  }
0x6d1: {  	v51 =	vshll.u32 v3, $0x1  }
0x6d2: {  	v3 =	vand.u32 $0x7, v3;
	v4 =	vand.u32 $0xFFFFFFF0, v51  }
0x6d3: {  	v3 =	vor.u32 v3, v4  }
0x6d4: {  	v4 =	vperm.xlane v3, v0;
	_ =	sdelay $0x1  }
0x6d5: {  	v3 =	vperm.xlane v3, v2;
	v4 =	vadd.s32 v1, v4;
	_ =	sdelay $0x1  }
0x6d6: {  	v3 =	vadd.s32 v1, v3;
	_ =	sdelay $0x1  }
0x6d7: {  	s17 =	simm.s32 $0x3A00  }
0x6d8: {  	[tilespmem:s17], [sflag:$0x1] =	stream.indirect_vreg.gather [hbm4b:s4+s2], $0x80, v4, vm0, $0xb8;
	[tilespmem:$0x10A00] =	vst v63  }
0x6d9: {  	s19 =	simm.s32 $0x4200  }
0x6da: {  	[tilespmem:s19], [sflag:$0x1] =	stream.indirect_vreg.gather [hbm4b:s4+s2], $0x80, v3, vm0, $0xb8;
	[tilespmem:$0x10A00] =	vst v63  }
0x6db: {  	v3 =	vld [tilespmem:$0x940];
	_ =	sdelay $0x4  }
0x6dc: {  	v52 =	vshll.u32 v3, $0x1  }
0x6dd: {  	v3 =	vand.u32 $0x7, v3;
	v4 =	vand.u32 $0xFFFFFFF0, v52  }
0x6de: {  	v3 =	vor.u32 v3, v4  }
0x6df: {  	v4 =	vperm.xlane v3, v0;
	_ =	sdelay $0x1  }
0x6e0: {  	v3 =	vperm.xlane v3, v2;
	v4 =	vadd.s32 v1, v4;
	_ =	sdelay $0x1  }
0x6e1: {  	v3 =	vadd.s32 v1, v3;
	_ =	sdelay $0x1  }
0x6e2: {  	s20 =	simm.s32 $0x4A00  }
0x6e3: {  	[tilespmem:s20], [sflag:$0x1] =	stream.indirect_vreg.gather [hbm4b:s4+s2], $0x80, v4, vm0, $0xb8;
	[tilespmem:$0x10A00] =	vst v63  }
0x6e4: {  	s24 =	simm.s32 $0x5200  }
0x6e5: {  	[tilespmem:s24], [sflag:$0x1] =	stream.indirect_vreg.gather [hbm4b:s4+s2], $0x80, v3, vm0, $0xb8;
	[tilespmem:$0x10A00] =	vst v63  }
0x6e6: {  	v3 =	vld [tilespmem:$0x950];
	_ =	sdelay $0x4  }
0x6e7: {  	v53 =	vshll.u32 v3, $0x1  }
0x6e8: {  	v3 =	vand.u32 $0x7, v3;
	v4 =	vand.u32 $0xFFFFFFF0, v53  }
0x6e9: {  	v3 =	vor.u32 v3, v4  }
0x6ea: {  	v4 =	vperm.xlane v3, v0;
	_ =	sdelay $0x1  }
0x6eb: {  	v3 =	vperm.xlane v3, v2;
	v4 =	vadd.s32 v1, v4;
	_ =	sdelay $0x1  }
0x6ec: {  	v3 =	vadd.s32 v1, v3;
	_ =	sdelay $0x1  }
0x6ed: {  	s20 =	simm.s32 $0x5A00  }
0x6ee: {  	[tilespmem:s20], [sflag:$0x1] =	stream.indirect_vreg.gather [hbm4b:s4+s2], $0x80, v4, vm0, $0xb8;
	[tilespmem:$0x10A00] =	vst v63  }
0x6ef: {  	s26 =	simm.s32 $0x6200  }
0x6f0: {  	[tilespmem:s26], [sflag:$0x1] =	stream.indirect_vreg.gather [hbm4b:s4+s2], $0x80, v3, vm0, $0xb8;
	[tilespmem:$0x10A00] =	vst v63  }
0x6f1: {  	v3 =	vld [tilespmem:$0x960];
	_ =	sdelay $0x4  }
0x6f2: {  	v54 =	vshll.u32 v3, $0x1  }
0x6f3: {  	v3 =	vand.u32 $0x7, v3;
	v4 =	vand.u32 $0xFFFFFFF0, v54  }
0x6f4: {  	v3 =	vor.u32 v3, v4  }
0x6f5: {  	v4 =	vperm.xlane v3, v0;
	_ =	sdelay $0x1  }
0x6f6: {  	v3 =	vperm.xlane v3, v2;
	v4 =	vadd.s32 v1, v4;
	_ =	sdelay $0x1  }
0x6f7: {  	v3 =	vadd.s32 v1, v3;
	_ =	sdelay $0x1  }
0x6f8: {  	s28 =	simm.s32 $0x6A00  }
0x6f9: {  	[tilespmem:s28], [sflag:$0x1] =	stream.indirect_vreg.gather [hbm4b:s4+s2], $0x80, v4, vm0, $0xb8;
	[tilespmem:$0x10A00] =	vst v63  }
0x6fa: {  	s29 =	simm.s32 $0x7200  }
0x6fb: {  	[tilespmem:s29], [sflag:$0x1] =	stream.indirect_vreg.gather [hbm4b:s4+s2], $0x80, v3, vm0, $0xb8;
	[tilespmem:$0x10A00] =	vst v63  }
0x6fc: {  	v3 =	vld [tilespmem:$0x970];
	_ =	sdelay $0x4  }
0x6fd: {  	v55 =	vshll.u32 v3, $0x1  }
0x6fe: {  	v3 =	vand.u32 $0x7, v3;
	v4 =	vand.u32 $0xFFFFFFF0, v55  }
0x6ff: {  	v3 =	vor.u32 v3, v4  }
0x700: {  	v4 =	vperm.xlane v3, v0;
	_ =	sdelay $0x1  }
0x701: {  	v3 =	vperm.xlane v3, v2;
	v4 =	vadd.s32 v1, v4;
	_ =	sdelay $0x1  }
0x702: {  	v3 =	vadd.s32 v1, v3;
	_ =	sdelay $0x1  }
0x703: {  	s30 =	simm.s32 $0x7A00  }
0x704: {  	[tilespmem:s30], [sflag:$0x1] =	stream.indirect_vreg.gather [hbm4b:s4+s2], $0x80, v4, vm0, $0xb8;
	[tilespmem:$0x10A00] =	vst v63  }
0x705: {  	s21 =	simm.s32 $0x8200  }
0x706: {  	[tilespmem:s21], [sflag:$0x1] =	stream.indirect_vreg.gather [hbm4b:s4+s2], $0x80, v3, vm0, $0xb8;
	[tilespmem:$0x10A00] =	vst v63  }
0x707: {  	_ =	swait.ge [sflag:s14], $0x8000  }
0x708: {  	[sflag:s14] =	ssyncset.done $0x0  }
0x709: {  	s24 =	rddreg [dreg:$0x14];
	[sflag:s14] =	ssyncadd.s32 $0xFFFF8000  }
0x70a: {  	[hbm4b:s24+s2] =	stream.linear.scatter [tilespmem:s23], [sflag:$0x3], $0x8000, $0x38;
	[tilespmem:$0x10A00] =	vst v63  }
0x70b: {  	_ =	swait.ge [sflag:s6], $0x8000  }
0x70c: {  	[sflag:s6] =	ssyncset.done $0x0  }
0x70d: {  	[sflag:s6] =	ssyncadd.s32 $0xFFFF8000  }
0x70e: {  	v3 =	vld [tilespmem:$0x980];
	_ =	sdelay $0x4  }
0x70f: {  	v56 =	vshll.u32 v3, $0x1  }
0x710: {  	v3 =	vand.u32 $0x7, v3;
	v4 =	vand.u32 $0xFFFFFFF0, v56  }
0x711: {  	v3 =	vor.u32 v3, v4  }
0x712: {  	v4 =	vperm.xlane v3, v0;
	_ =	sdelay $0x1  }
0x713: {  	v3 =	vperm.xlane v3, v2;
	v4 =	vadd.s32 v1, v4;
	_ =	sdelay $0x1  }
0x714: {  	v3 =	vadd.s32 v1, v3;
	_ =	sdelay $0x2  }
0x715: {  	[tilespmem:s23], [sflag:$0x2] =	stream.indirect_vreg.gather [hbm4b:s4+s2], $0x80, v4, vm0, $0xb8;
	[tilespmem:$0x10A00] =	vst v63  }
0x716: {  	s31 =	simm.s32 $0x9200  }
0x717: {  	[tilespmem:s31], [sflag:$0x2] =	stream.indirect_vreg.gather [hbm4b:s4+s2], $0x80, v3, vm0, $0xb8;
	[tilespmem:$0x10A00] =	vst v63  }
0x718: {  	v3 =	vld [tilespmem:$0x990];
	_ =	sdelay $0x4  }
0x719: {  	v57 =	vshll.u32 v3, $0x1  }
0x71a: {  	v3 =	vand.u32 $0x7, v3;
	v4 =	vand.u32 $0xFFFFFFF0, v57  }
0x71b: {  	v3 =	vor.u32 v3, v4  }
0x71c: {  	v4 =	vperm.xlane v3, v0;
	_ =	sdelay $0x1  }
0x71d: {  	v3 =	vperm.xlane v3, v2;
	v4 =	vadd.s32 v1, v4;
	_ =	sdelay $0x1  }
0x71e: {  	v3 =	vadd.s32 v1, v3;
	_ =	sdelay $0x1  }
0x71f: {  	s22 =	simm.s32 $0x9A00  }
0x720: {  	[tilespmem:s22], [sflag:$0x2] =	stream.indirect_vreg.gather [hbm4b:s4+s2], $0x80, v4, vm0, $0xb8;
	[tilespmem:$0x10A00] =	vst v63  }
0x721: {  	s26 =	simm.s32 $0xA200  }
0x722: {  	[tilespmem:s26], [sflag:$0x2] =	stream.indirect_vreg.gather [hbm4b:s4+s2], $0x80, v3, vm0, $0xb8;
	[tilespmem:$0x10A00] =	vst v63  }
0x723: {  	v3 =	vld [tilespmem:$0x9A0];
	_ =	sdelay $0x4  }
0x724: {  	v58 =	vshll.u32 v3, $0x1  }
0x725: {  	v3 =	vand.u32 $0x7, v3;
	v4 =	vand.u32 $0xFFFFFFF0, v58  }
0x726: {  	v3 =	vor.u32 v3, v4  }
0x727: {  	v4 =	vperm.xlane v3, v0;
	_ =	sdelay $0x1  }
0x728: {  	v3 =	vperm.xlane v3, v2;
	v4 =	vadd.s32 v1, v4;
	_ =	sdelay $0x1  }
0x729: {  	v3 =	vadd.s32 v1, v3;
	_ =	sdelay $0x1  }
0x72a: {  	s9 =	simm.s32 $0xAA00  }
0x72b: {  	[tilespmem:s9], [sflag:$0x2] =	stream.indirect_vreg.gather [hbm4b:s4+s2], $0x80, v4, vm0, $0xb8;
	[tilespmem:$0x10A00] =	vst v63  }
0x72c: {  	s10 =	simm.s32 $0xB200  }
0x72d: {  	[tilespmem:s10], [sflag:$0x2] =	stream.indirect_vreg.gather [hbm4b:s4+s2], $0x80, v3, vm0, $0xb8;
	[tilespmem:$0x10A00] =	vst v63  }
0x72e: {  	v3 =	vld [tilespmem:$0x9B0];
	_ =	sdelay $0x4  }
0x72f: {  	v59 =	vshll.u32 v3, $0x1  }
0x730: {  	v3 =	vand.u32 $0x7, v3;
	v4 =	vand.u32 $0xFFFFFFF0, v59  }
0x731: {  	v3 =	vor.u32 v3, v4  }
0x732: {  	v4 =	vperm.xlane v3, v0;
	_ =	sdelay $0x1  }
0x733: {  	v3 =	vperm.xlane v3, v2;
	v4 =	vadd.s32 v1, v4;
	_ =	sdelay $0x1  }
0x734: {  	v3 =	vadd.s32 v1, v3;
	_ =	sdelay $0x1  }
0x735: {  	s25 =	simm.s32 $0xBA00  }
0x736: {  	[tilespmem:s25], [sflag:$0x2] =	stream.indirect_vreg.gather [hbm4b:s4+s2], $0x80, v4, vm0, $0xb8;
	[tilespmem:$0x10A00] =	vst v63  }
0x737: {  	s28 =	simm.s32 $0xC200  }
0x738: {  	[tilespmem:s28], [sflag:$0x2] =	stream.indirect_vreg.gather [hbm4b:s4+s2], $0x80, v3, vm0, $0xb8;
	[tilespmem:$0x10A00] =	vst v63  }
0x739: {  	v3 =	vld [tilespmem:$0x9C0];
	_ =	sdelay $0x4  }
0x73a: {  	v60 =	vshll.u32 v3, $0x1  }
0x73b: {  	v3 =	vand.u32 $0x7, v3;
	v4 =	vand.u32 $0xFFFFFFF0, v60  }
0x73c: {  	v3 =	vor.u32 v3, v4  }
0x73d: {  	v4 =	vperm.xlane v3, v0;
	_ =	sdelay $0x1  }
0x73e: {  	v3 =	vperm.xlane v3, v2;
	v4 =	vadd.s32 v1, v4;
	_ =	sdelay $0x1  }
0x73f: {  	v3 =	vadd.s32 v1, v3;
	_ =	sdelay $0x1  }
0x740: {  	s18 =	simm.s32 $0xCA00  }
0x741: {  	[tilespmem:s18], [sflag:$0x2] =	stream.indirect_vreg.gather [hbm4b:s4+s2], $0x80, v4, vm0, $0xb8;
	[tilespmem:$0x10A00] =	vst v63  }
0x742: {  	s8 =	simm.s32 $0xD200  }
0x743: {  	[tilespmem:s8], [sflag:$0x2] =	stream.indirect_vreg.gather [hbm4b:s4+s2], $0x80, v3, vm0, $0xb8;
	[tilespmem:$0x10A00] =	vst v63  }
0x744: {  	v3 =	vld [tilespmem:$0x9D0];
	_ =	sdelay $0x4  }
0x745: {  	v61 =	vshll.u32 v3, $0x1  }
0x746: {  	v3 =	vand.u32 $0x7, v3;
	v4 =	vand.u32 $0xFFFFFFF0, v61  }
0x747: {  	v3 =	vor.u32 v3, v4  }
0x748: {  	v4 =	vperm.xlane v3, v0;
	_ =	sdelay $0x1  }
0x749: {  	v3 =	vperm.xlane v3, v2;
	v4 =	vadd.s32 v1, v4;
	_ =	sdelay $0x1  }
0x74a: {  	v3 =	vadd.s32 v1, v3;
	_ =	sdelay $0x1  }
0x74b: {  	s0 =	simm.s32 $0xDA00  }
0x74c: {  	[tilespmem:s0], [sflag:$0x2] =	stream.indirect_vreg.gather [hbm4b:s4+s2], $0x80, v4, vm0, $0xb8;
	[tilespmem:$0x10A00] =	vst v63  }
0x74d: {  	s11 =	simm.s32 $0xE200  }
0x74e: {  	[tilespmem:s11], [sflag:$0x2] =	stream.indirect_vreg.gather [hbm4b:s4+s2], $0x80, v3, vm0, $0xb8;
	[tilespmem:$0x10A00] =	vst v63  }
0x74f: {  	v3 =	vld [tilespmem:$0x9E0];
	_ =	sdelay $0x4  }
0x750: {  	v62 =	vshll.u32 v3, $0x1  }
0x751: {  	v3 =	vand.u32 $0x7, v3;
	v4 =	vand.u32 $0xFFFFFFF0, v62  }
0x752: {  	v3 =	vor.u32 v3, v4  }
0x753: {  	v4 =	vperm.xlane v3, v0;
	_ =	sdelay $0x1  }
0x754: {  	v3 =	vperm.xlane v3, v2;
	v4 =	vadd.s32 v1, v4;
	_ =	sdelay $0x1  }
0x755: {  	v3 =	vadd.s32 v1, v3;
	_ =	sdelay $0x1  }
0x756: {  	s1 =	simm.s32 $0xEA00  }
0x757: {  	[tilespmem:s1], [sflag:$0x2] =	stream.indirect_vreg.gather [hbm4b:s4+s2], $0x80, v4, vm0, $0xb8;
	[tilespmem:$0x10A00] =	vst v63  }
0x758: {  	s12 =	simm.s32 $0xF200  }
0x759: {  	[tilespmem:s12], [sflag:$0x2] =	stream.indirect_vreg.gather [hbm4b:s4+s2], $0x80, v3, vm0, $0xb8;
	[tilespmem:$0x10A00] =	vst v63  }
0x75a: {  	v3 =	vld [tilespmem:$0x9F0];
	_ =	sdelay $0x4  }
0x75b: {  	v63 =	vshll.u32 v3, $0x1  }
0x75c: {  	v3 =	vand.u32 $0x7, v3;
	v4 =	vand.u32 $0xFFFFFFF0, v63  }
0x75d: {  	v3 =	vor.u32 v3, v4  }
0x75e: {  	v4 =	vperm.xlane v3, v0;
	_ =	sdelay $0x1  }
0x75f: {  	v3 =	vperm.xlane v3, v2;
	v4 =	vadd.s32 v1, v4;
	_ =	sdelay $0x1  }
0x760: {  	v3 =	vadd.s32 v1, v3;
	_ =	sdelay $0x1  }
0x761: {  	s3 =	simm.s32 $0xFA00  }
0x762: {  	[tilespmem:s3], [sflag:$0x2] =	stream.indirect_vreg.gather [hbm4b:s4+s2], $0x80, v4, vm0, $0xb8;
	[tilespmem:$0x10A00] =	vst v63  }
0x763: {  	s5 =	simm.s32 $0x10200  }
0x764: {  	[tilespmem:s5], [sflag:$0x2] =	stream.indirect_vreg.gather [hbm4b:s4+s2], $0x80, v3, vm0, $0xb8;
	[tilespmem:$0x10A00] =	vst v63  }
0x765: {  	s29 =	rddreg [dreg:$0x18];
	_ =	swait.ge [sflag:s13], $0x8000  }
0x766: {  	[sflag:s13] =	ssyncset.done $0x0  }
0x767: {  	s30 =	rddreg [dreg:$0x15];
	[sflag:s13] =	ssyncadd.s32 $0xFFFF8000  }
0x768: {  	[hbm4b:s30+s2] =	stream.linear.scatter [tilespmem:s7], [sflag:$0x3], $0x8000, $0x38;
	[tilespmem:$0x10A00] =	vst v63  }
0x769: {  	_ =	swait.ge [sflag:s6], $0x8000  }
0x76a: {  	[sflag:s6] =	ssyncset.done $0x0  }
0x76b: {  	[sflag:s6] =	ssyncadd.s32 $0xFFFF8000  }
0x76c: {  	_ =	swait.ge [sflag:s14], $0x8000  }
0x76d: {  	p0 =	sne.s32 s29, $0x1;
	[sflag:s14] =	ssyncset.done $0x0  }
.Ltmp0:
0x76e: {  	s31 =	rddreg [dreg:$0x16];
	[sflag:s14] =	ssyncadd.s32 $0xFFFF8000;
	(pc) =	sbr.rel @p0 .LBB2_1-.Ltmp0, $4  }
0x76f: {  	[hbm4b:s31+s2] =	stream.linear.scatter [tilespmem:s23], [sflag:$0x3], $0x8000, $0x38;
	[tilespmem:$0x10A00] =	vst v63  }
0x770: {  	_ =	swait.ge [sflag:s6], $0x8000  }
0x771: {  	[sflag:s6] =	ssyncset.done $0x0  }
0x772: {  	s0 =	sadd.s32 $0xFFFFFFFF, s29;
	[sflag:s6] =	ssyncadd.s32 $0xFFFF8000  }
0x773: {  	_ =	sfence.sel $0x180000  }
0x774: {  	[bflag:$0x0] =	sbarrier.arrive $0xFFFF  }
0x775: {  	_ =	strace $0x90000047  }
0x776: {  	s0 =	stileid.u32;
	[bflag:$0x2] =	sbarrier.arrive $0xFFFF  }
0x777: {  	p0 =	sne.s32 s0, $0x0;
	s0 =	rddreg [dreg:$0x2]  }
0x778: {  	s0 =	sadd.s32 @!p0 $0x100000, s0  }
0x779: {  	[sflag:s0] =	ssyncadd.tile.s32 @!p0 $0x1;
	_ =	shalt  }
.Lfunc_end2:
_tile_overlayer_lowered:
.L_overlay_start_2:
0x77a: {  	(tag) =	ssettag $0x2  }
0x77b: {  	s0 =	rddreg [dreg:$0x0];
	s2 =	stileid.u32  }
0x77c: {  	s1 =	rddreg [dreg:$0x1];
	p0 =	sne.s32 s2, $0x0  }
0x77d: {  	s3 =	rddreg [dreg:$0x2];
	[bflag:$0x3] =	sbarrier.arrive $0xFFFF;
	s2 =	simm.s32 @!p0 $0x1C03  }
0x77e: {  	[timem:s3], [sflag:s2] =	dma.local @!p0 [hbm:s0], s1  }
0x77f: {  	s0 =	simm.s32 @!p0 $0x3  }
0x780: {  	_ =	swait.ge @!p0 [sflag:s0], s1  }
0x781: {  	s1 =	ssub.s32 @!p0 $0x0, s1;
	[sflag:s0] =	ssyncset.done @!p0 $0x0  }
0x782: {  	[sflag:s0] =	ssyncadd.s32 @!p0 s1  }
0x783: {  	[bflag:$0x3] =	sbarrier.arrive $0xFFFF  }
0x784: {  	_ =	shalt  }

// kernel: sparse-core-data-format-call.cloned.1.call-start
scs
called_computation_lowered:
.L_overlay_start_0:
0x0: {  	s2 =	sld [smem:$0x3FD9]  }
0x1: {  	s3 =	sld [smem:$0x3FFE];
	_ =	sdelay $0x1  }
0x2: {  	s1 =	srdreg.scid  }
0x3: {  	s0 =	sand.u32 $0x1, s1  }
0x4: {  	s18 =	sshll.u32 s0, $0xA;
	s2 =	sadd.s32 s3, s2  }
0x5: {  	s2 =	sadd.s32 s2, s18  }
0x6: {  	[smem:$0x3FC6] =	sst s2  }
0x7: {  	_ = 	snop  }
0x8: {  	s2 =	sld [smem:$0x3FD0];
	(tm) =	ssettm $0x1  }
0x9: {  	s19 =	sld [smem:$0x3FFB];
	_ =	sdelay $0x3  }
0xa: {  	_ =	strace s19  }
0xb: {  	s3 =	sld [smem:$0x3FFC];
	_ =	sdelay $0x3  }
0xc: {  	_ =	strace s3  }
0xd: {  	s3 =	sld [smem:$0x3FFD];
	_ =	sdelay $0x3  }
0xe: {  	_ =	strace s3  }
0xf: {  	_ =	strace $0x8FFFFFFF  }
0x10: {  	s20 =	sld [smem:$0x3FDB];
	_ =	sdelay $0x1  }
0x11: {  	s4 =	simm.s32 $_scs_section_size  }
0x12: {  	s5 =	simm.s32 $_size__tile_overlayer_lowered;
	s6 =	simm.s32 $_tile_overlayer_lowered  }
0x13: {  	s23 =	simm.s32 $0x1BFF;
	s22 =	sshll.u32 s6, $0x1;
	s3 =	sadd.s32 s4, s20  }
0x14: {  	s7 =	simm.s32 $0x0;
	s21 =	sshll.u32 s5, $0x1;
	s5 =	sadd.s32 s22, s3  }
0x15: {  	[timem:s7], [sflag:s23] =	dma.local [hbm:s5], s21  }
0x16: {  	_ =	swait.ge [sflag:s23], s21  }
0x17: {  	s4 =	ssub.s32 $0x0, s21;
	[sflag:s23] =	ssyncset.done $0x0  }
0x18: {  	[sflag:s23] =	ssyncadd.s32 s4;
	_ =	sdelay $0x1  }
0x19: {  	s24 =	simm.s32 $0x1B8B  }
0x1a: {  	_ =	swait.ge [sflag:s24], $0x1  }
0x1b: {  	[sflag:s24] =	ssyncset.done $0x0  }
0x1c: {  	s26 =	simm.s32 $0x1B8E;
	s25 =	sld [smem:$0x3FFE];
	[sflag:s24] =	ssyncadd.s32 $0xFFFFFFFF  }
0x1d: {  	s27 =	simm.s32 $execute0_lowered;
	[smem:$0x3FD2] =	sst s26  }
0x1e: {  	s5 =	sshll.u32 s27, $0x1;
	_ =	strace $0x80000049;
	[dreg:$0x1] =	wrdreg $0xFFFFFFFF  }
0x1f: {  	s28 =	simm.s32 $_size_execute0_lowered;
	s3 =	sadd.s32 s3, s5;
	[dreg:$0x0] =	wrdreg $0x0  }
0x20: {  	s5 =	sshll.u32 s28, $0x1;
	[dreg:$0x2] =	wrdreg s3  }
0x21: {  	[dreg:$0x3] =	wrdreg s5  }
0x22: {  	[dreg:$0x4] =	wrdreg $0xC0  }
0x23: {  	_ =	task [dreg:s7], $0x5FFFF  }
0x24: {  	[dreg:$0x1] =	wrdreg $0xFFFFFFFF  }
0x25: {  	[dreg:$0x0] =	wrdreg $0x60  }
0x26: {  	[dreg:$0x2] =	wrdreg s25  }
0x27: {  	[dreg:$0x3] =	wrdreg s2  }
0x28: {  	[dreg:$0x4] =	wrdreg $0x9  }
0x29: {  	_ =	task.clear_ibuf [dreg:s7], $0x5FFFF;
	_ =	strace $0x90000049  }
0x2a: {  	s29 =	simm.s32 $0x9;
	_ =	strace $0x8000004B  }
0x2b: {  	_ =	swait.ge [sflag:s29], $0x1  }
0x2c: {  	[sflag:s29] =	ssyncadd.s32 $0xFFFFFFFF  }
0x2d: {  	_ =	strace $0x9000004B  }
0x2e: {  	_ =	sfence  }
0x2f: {  	s30 =	sld [smem:$0x0];
	_ =	sdelay $0x2  }
0x30: {  	s31 =	sshll.u32 s1, $0xD;
	s1 =	sshrl.u32 s1, $0x2  }
0x31: {  	s3 =	sand.u32 $0x4000, s31;
	s1 =	sadd.s32 s1, s30  }
0x32: {  	s0 =	sor.u32 s3, s0;
	s1 =	sshll.u32 s1, $0x11  }
0x33: {  	s0 =	sor.u32 s1, s0  }
0x34: {  	s0 =	sadd.s32 $0x8F2B, s0  }
0x35: {  	[sflag:s0] =	ssyncadd.remote.s32 $0x1  }
0x36: {  	_ =	sfence.sel $0xFFFF  }
0x37: {  	[dreg:$0x0] =	wrdreg $0xFFFFFFFF;
	(pc) =	sbr.abs _section_cstart, $3  }
0x38: {  	[dreg:$0x1] =	wrdreg $0xFFFFFFFF  }
0x39: {  	_ =	task.clear_ibuf [dreg:s7], $0x2FFFF;
	_ =	strace $0x9FFFFFFF  }
0x3a: {  	(tm) =	ssettm $0x7FFFFFFF  }
0x3b: {  	_ =	shalt  }
tec
execute0_lowered:
.L_overlay_start_1:
0x0: {  	(tag) =	ssettag $0x1  }
0x1: {  	s0 =	srdreg.scid;
	s6 =	rddreg [dreg:$0x0]  }
0x2: {  	s3 =	rddreg [dreg:$0x1];
	s1 =	sshll.u32 s0, $0x4  }
0x3: {  	s5 =	simm.s32 $0x1;
	s0 =	stileid.u32;
	s1 =	sand.u32 $0x10, s1  }
0x4: {  	s31 =	simm.s32 $0x2;
	s16 =	simm.s32 $0x0;
	s1 =	sor.u32 s0, s1  }
0x5: {  	s8 =	simm.s32 $0x8000;
	s18 =	simm.s32 $0x0;
	s2 =	sshll.u32 s1, $0x7  }
0x6: {  	s17 =	simm.s32 $0x0;
	s9 =	simm.s32 $0x0;
	s4 =	ssub.s32 $0x1000, s2  }
0x7: {  	s10 =	simm.s32 $0x0;
	s11 =	simm.s32 $0x0;
	s30 =	sand.u32 $0xF80, s4  }
0x8: {  	s12 =	simm.s32 $0x0;
	s13 =	simm.s32 $0x0;
	p0 =	sne.s32 s30, $0x0  }
.Ltmp0:
0x9: {  	s7 =	sshrl.u32 s4, $0xC;
	s5 =	simm.s32 @!p0 $0x0;
	(pc) =	sbr.rel .LBB1_1-.Ltmp0, $4  }
0xa: {  	s15 =	simm.s32 $0x0;
	s1 =	rddreg [dreg:$0x2];
	s5 =	sadd.s32 s5, s7  }
0xb: {  	_ =	strace $0x8000004A;
	s4 =	simm.s32 $0x1;
	s5 =	smul.u32 $0x28, s5  }
0xc: {  	s6 =	sadd.s32 $0x800, s6;
	s14 =	smov.u32 s2;
	[sflag:s4] =	ssyncpa.u1 $0x0  }
0xd: {  	[sflag:s31] =	ssyncpa.u1 $0x0;
	p0 =	por $0x0, $0x0;
	s7 =	sor.u32 $0x1, s5  }
.LBB1_4:
0xe: {  	s23 =	sshra.s32 s23, $0x2;
	s30 =	sshll.u32 s9, $0xC  }
0xf: {  	p1 =	sgt.s32 s10, $0x13;
	s24 =	smov.u32 s10;
	s25 =	sshra.s32 s10, $0x1F  }
0x10: {  	s26 =	sshll.u32 s11, $0x3;
	s28 =	smov.u32 s11;
	s29 =	sshra.s32 s11, $0x1F  }
0x11: {  	s22 =	sadd.s32 s23, s22;
	s24 =	simm.s32 @!p1 $0x13;
	s25 =	sand.u32 s25, s10  }
0x12: {  	s23 =	sand.u32 $0xFFFF8000, s30;
	s27 =	sand.u32 $0xFFFFFC00, s26;
	p1 =	sgt.s32 s9, $0x48  }
0x13: {  	s31 =	sand.u32 s29, s11;
	s29 =	sshll.u32 s9, $0x7;
	s30 =	sshra.s32 s9, $0x1F  }
0x14: {  	[tilespmem:s21+$0x2040 ss:$0x81] =	vst.msk $0xffff, v4;
	s24 =	ssub.s32 s24, s25;
	s23 =	sadd.s32 s27, s23;
	s27 =	smov.u32 s9  }
0x15: {  	[tilespmem:s21+$0x2850 ss:$0x81] =	vst.msk $0xffff, v3;
	s29 =	sand.u32 $0x380, s29;
	s25 =	sadd.s32 $0xFFFFFFED, s24;
	s27 =	simm.s32 @!p1 $0x48  }
0x16: {  	v5 =	vld [tilespmem:s20+$0xFFFFFFD0];
	[tilespmem:s21+$0x3060 ss:$0x81] =	vst.msk $0xffff, v2;
	p1 =	sgt.s32 s11, $0xF80;
	s23 =	sshrl.u32 s23, $0xC;
	s24 =	ssub.s32 $0x14, s24  }
0x17: {  	v58 =	vld [tilespmem:s20+$0xFFFFFFE0];
	[tilespmem:s21+$0x0 ss:$0x81] =	vst.msk $0xffff, v1;
	s28 =	simm.s32 @!p1 $0xF80;
	p1 =	sgt.s32 s25, $0x0;
	s21 =	smulhi.u32 $0x147AE15, s23  }
0x18: {  	v59 =	vld [tilespmem:s20+$0xFFFFFFF0];
	s25 =	ssub.s32 s28, s31;
	s28 =	sand.u32 s30, s9;
	s24 =	simm.s32 @p1 $0x0  }
0x19: {  	v60 =	vld [tilespmem:s20+$0x0];
	s27 =	ssub.s32 s27, s28;
	s31 =	sadd.s32 $0xFFFFF080, s25;
	s25 =	ssub.s32 $0x1000, s25  }
0x1a: {  	v61 =	vld [tilespmem:s20+$0x10];
	[tilespmem:s22+$0x3870 ss:$0x81] =	vst.msk $0xffff, v0;
	s21 =	smul.u32 $0xC8, s21;
	s28 =	sand.u32 $0x7, s11;
	p1 =	sgt.s32 s31, $0x7F  }
0x1b: {  	v62 =	vld [tilespmem:s20+$0x20];
	[tilespmem:s22+$0x810 ss:$0x81] =	vst.msk $0xffff, v5;
	s30 =	sadd.s32 $0xFFFFFFB8, s27;
	s31 =	sand.u32 $0x78, s11;
	s25 =	simm.s32 @p1 $0x0  }
0x1c: {  	v63 =	vld [tilespmem:s20+$0xFFFFFFC0];
	[tilespmem:s22+$0x1020 ss:$0x81] =	vst.msk $0xffff, v58;
	p1 =	sgt.s32 s30, $0x7F;
	s30 =	sand.u32 $0xC00, s26;
	s24 =	smul.u32 s25, s24  }
0x1d: {  	[tilespmem:s22+$0x1830 ss:$0x81] =	vst.msk $0xffff, v59;
	s26 =	ssub.s32 $0xC8, s27;
	s20 =	sor.u32 s31, s30;
	s31 =	smul.u32 $0x19000, s10  }
0x1e: {  	[tilespmem:s22+$0x2040 ss:$0x81] =	vst.msk $0xffff, v60;
	s21 =	ssub.s32 s23, s21;
	s26 =	simm.s32 @p1 $0x0;
	s20 =	sor.u32 s29, s20  }
0x1f: {  	[tilespmem:s22+$0x2850 ss:$0x81] =	vst.msk $0xffff, v61;
	s26 =	smul.u32 s26, s24;
	s20 =	sshrl.u32 s20, $0x3;
	s27 =	sadd.s32 s3, s31  }
0x20: {  	[tilespmem:s22+$0x3060 ss:$0x81] =	vst.msk $0xffff, v62;
	s21 =	sshll.u32 s21, $0x9;
	s29 =	sshll.u32 s28, $0x12;
	s20 =	sadd.s32 s20, s27  }
0x21: {  	[tilespmem:s22+$0x0 ss:$0x81] =	vst.msk $0xffff, v63;
	s31 =	sor.u32 $0x400, s29;
	s30 =	sand.u32 $0x3FFFFFFF, s26;
	s20 =	sadd.s32 s21, s20  }
0x22: {  	[hbm4b:s20+s31] =	stream.strided.scatter [tilespmem:s19], [sflag:$0x2], s30, s8, s31, $0x20;
	[tilespmem:$0x10100] =	vst v63  }
.LBB1_5:
0x23: {  	p1 =	slt.u32 s15, $0x2  }
0x24: {  	p2 =	sgt.s32 @!p1 s18, $0x13  }
0x25: {  	s19 =	smov.u32 s18;
	s20 =	sshra.s32 @!p1 s18, $0x1F;
	p2 =	por !p2, p1  }
0x26: {  	s18 =	sand.u32 @!p1 s20, s18;
	s19 =	simm.s32 @p2 $0x13  }
0x27: {  	p3 =	sgt.s32 @!p1 s16, $0x48;
	s18 =	ssub.s32 @!p1 s19, s18  }
0x28: {  	p4 =	sgt.s32 @!p1 s17, $0xF80;
	s21 =	sshra.s32 @!p1 s17, $0x1F;
	s19 =	sadd.s32 @!p1 $0xFFFFFFED, s18  }
0x29: {  	s20 =	smov.u32 s16;
	p2 =	sgt.s32 @!p1 s19, $0x0;
	s19 =	sshra.s32 @!p1 s16, $0x1F  }
0x2a: {  	p4 =	por !p4, p1;
	s16 =	sand.u32 @!p1 s19, s16;
	s19 =	smov.u32 s17  }
0x2b: {  	p3 =	por !p3, p1;
	s17 =	sand.u32 @!p1 s21, s17;
	s19 =	simm.s32 @p4 $0xF80  }
0x2c: {  	s20 =	simm.s32 @p3 $0x48;
	s18 =	ssub.s32 @!p1 $0x14, s18;
	s17 =	ssub.s32 @!p1 s19, s17  }
0x2d: {  	p2 =	por !p2, p1;
	s16 =	ssub.s32 @!p1 s20, s16;
	s20 =	sadd.s32 @!p1 $0xFFFFF080, s17  }
0x2e: {  	s18 =	simm.s32 @!p2 $0x0;
	p3 =	sgt.s32 @!p1 s20, $0x7F  }
0x2f: {  	s19 =	sadd.s32 @!p1 $0xFFFFFFB8, s16;
	s17 =	ssub.s32 @!p1 $0x1000, s17;
	p3 =	por !p3, p1  }
0x30: {  	p2 =	sgt.s32 @!p1 s19, $0x7F;
	s19 =	sadd.s32 $0x80, s12;
	s17 =	simm.s32 @!p3 $0x0  }
0x31: {  	p3 =	sgt.s32 s19, $0xC7;
	s17 =	smul.u32 @!p1 s17, s18;
	s18 =	simm.s32 $0x1  }
0x32: {  	s16 =	ssub.s32 @!p1 $0xC8, s16;
	p2 =	por !p2, p1;
	s18 =	simm.s32 @!p3 $0x0  }
0x33: {  	s21 =	smov.u32 s14;
	s16 =	simm.s32 @!p2 $0x0;
	s20 =	sadd.s32 s18, s13  }
0x34: {  	s16 =	smul.u32 @!p1 s16, s17;
	s17 =	sadd.s32 $0x1000, s14;
	p2 =	sgt.s32 s20, $0x13  }
0x35: {  	p0 =	por !p0, !p0;
	s22 =	simm.s32 @!p1 $0x2;
	s21 =	smov.u32 @p2 s17  }
0x36: {  	s19 =	simm.s32 @p3 $0x0;
	s20 =	simm.s32 @p2 $0x0;
	p2 =	sgt.s32 s21, $0xFFF  }
0x37: {  	s18 =	smov.u32 s10;
	s21 =	smov.u32 @p2 s2;
	p2 =	sne.s32 s15, s7  }
.Ltmp1:
0x38: {  	s10 =	smov.u32 s13;
	s16 =	sand.u32 @!p1 $0x3FFFFFFF, s16;
	(pc) =	sbr.rel @!p2 .LBB1_6-.Ltmp1, $4  }
0x39: {  	s17 =	smov.u32 s11;
	s11 =	smov.u32 s14;
	_ =	swait.ge @!p1 [sflag:s22], s16  }
0x3a: {  	s23 =	ssub.s32 @!p1 $0x0, s16;
	s16 =	smov.u32 s9;
	s9 =	smov.u32 s12  }
0x3b: {  	s12 =	smov.u32 s19;
	s13 =	smov.u32 s20;
	[sflag:s22] =	ssyncset.done @!p1 $0x0  }
0x3c: {  	s15 =	sadd.s32 $0x1, s15;
	[sflag:s22] =	ssyncadd.s32 @!p1 s23;
	s14 =	smov.u32 s21  }
.LBB1_1:
0x3d: {  	p1 =	sge.u32 s15, s5  }
0x3e: {  	s19 =	sshll.u32 @!p1 s13, $0x8;
	s20 =	sshll.u32 @!p1 s12, $0x3  }
0x3f: {  	s21 =	sshll.u32 @!p1 s13, $0x7;
	s19 =	sand.u32 @!p1 $0xFFFFF800, s19;
	s20 =	sand.u32 @!p1 $0xFFFFFC00, s20  }
0x40: {  	s19 =	sadd.s32 @!p1 s19, s20;
	s20 =	sand.u32 @!p1 $0x300, s21  }
0x41: {  	s19 =	sor.u32 @!p1 s20, s19  }
0x42: {  	s19 =	sshrl.u32 @!p1 s19, $0x8  }
0x43: {  	s31 =	sadd.s32 $0xFFFFFFFF, s15;
	s20 =	smulhi.u32 @!p1 $0xAAAAAAB, s19  }
0x44: {  	s22 =	sxor.u32 @!p1 $0xFFFFFFFF, s15;
	s23 =	sand.u32 @!p1 $0x78, s12;
	s24 =	smul.u32 @!p1 $0x300, s14  }
0x45: {  	s22 =	sshll.u32 @!p1 s22, $0xE;
	s21 =	sand.u32 @!p1 $0x80, s21;
	s20 =	smul.u32 @!p1 $0x18, s20  }
0x46: {  	s22 =	sand.u32 @!p1 $0x4000, s22;
	s21 =	sor.u32 @!p1 s23, s21;
	s23 =	sand.u32 @!p1 $0x7, s12  }
0x47: {  	s19 =	ssub.s32 @!p1 s19, s20;
	s20 =	sshrl.u32 @!p1 s21, $0x3;
	s21 =	sadd.s32 @!p1 s6, s24  }
0x48: {  	s19 =	sshll.u32 @!p1 s19, $0x5;
	s20 =	sadd.s32 @!p1 s20, s21;
	s21 =	sshll.u32 @!p1 s23, $0x12  }
0x49: {  	s19 =	sadd.s32 @!p1 s19, s20;
	s20 =	sor.u32 @!p1 $0x80, s21;
	s21 =	simm.s32 @!p1 $0x1800  }
0x4a: {  	[tilespmem:s22], [sflag:$0x1] =	stream.strided.gather @!p1 [hbm4b:s19+s20], $0x4000, s21, s20, $0x38;
	[tilespmem:$0x10100] =	vst v63  }
0x4b: {  	p1 =	sge.u32 s31, s5  }
.Ltmp2:
0x4c: {  	_ = 	snop;
	(pc) =	sbr.rel @p1 .LBB1_5-.Ltmp2, $1  }
0x4d: {  	_ =	sdelay $0x3  }
0x4e: {  	s19 =	simm.s32 $0x1  }
0x4f: {  	_ =	swait.ge [sflag:s4], $0x4000;
	s19 =	simm.s32 @!p0 $0x0  }
0x50: {  	[sflag:s4] =	ssyncset.done $0x0;
	s20 =	sshll.u32 s19, $0xE  }
0x51: {  	[sflag:s4] =	ssyncadd.s32 $0xFFFFC000;
	s20 =	sor.u32 $0x40, s20  }
0x52: {  	s19 =	smul.u32 $0x10200, s19;
	v0 =	vld [tilespmem:s20+$0x30]  }
0x53: {  	v1 =	vld [tilespmem:s20+$0xFFFFFFD0]  }
0x54: {  	s19 =	sshrl.u32 s19, $0x2;
	v5 =	vld [tilespmem:s20+$0xFFFFFFE0]  }
0x55: {  	v6 =	vld [tilespmem:s20+$0xFFFFFFF0];
	s22 =	sor.u32 $0x8000, s19  }
0x56: {  	s31 =	sand.u32 $0x1, s15;
	v4 =	vld [tilespmem:s20+$0x0];
	s21 =	sadd.s32 $0x0, s22  }
0x57: {  	v3 =	vld [tilespmem:s20+$0x10];
	s19 =	smul.u32 $0x10200, s31;
	[tilespmem:s21+$0x3870 ss:$0x81] =	vst.msk $0xffff, v0  }
0x58: {  	v2 =	vld [tilespmem:s20+$0x20];
	[tilespmem:s21+$0x810 ss:$0x81] =	vst.msk $0xffff, v1  }
0x59: {  	s19 =	sshrl.u32 s19, $0x2;
	v1 =	vld [tilespmem:s20+$0xFFFFFFC0];
	[tilespmem:s21+$0x1020 ss:$0x81] =	vst.msk $0xffff, v5;
	s20 =	sadd.s32 $0x80, s20  }
0x5a: {  	s23 =	simm.s32 $0x4;
	s24 =	simm.s32 $0x8;
	s19 =	sor.u32 $0x8000, s19;
	[tilespmem:s21+$0x1830 ss:$0x81] =	vst.msk $0xffff, v6;
	v0 =	vld [tilespmem:s20+$0x30]  }
.LBB1_3:
0x5b: {  	p1 =	sne.s32 s24, $0x1FC;
	v5 =	vld [tilespmem:s20+$0xFFFFFFD0];
	[tilespmem:s21+$0x2040 ss:$0x81] =	vst.msk $0xffff, v4  }
0x5c: {  	v6 =	vld [tilespmem:s20+$0xFFFFFFE0];
	[tilespmem:s21+$0x2850 ss:$0x81] =	vst.msk $0xffff, v3  }
0x5d: {  	s25 =	sshra.s32 s23, $0x2;
	s23 =	smov.u32 s24;
	v7 =	vld [tilespmem:s20+$0xFFFFFFF0];
	[tilespmem:s21+$0x3060 ss:$0x81] =	vst.msk $0xffff, v2  }
.Ltmp3:
0x5e: {  	v4 =	vld [tilespmem:s20+$0x0];
	[tilespmem:s21+$0x0 ss:$0x81] =	vst.msk $0xffff, v1;
	s21 =	sadd.s32 s25, s22;
	(pc) =	sbr.rel @p1 .LBB1_3-.Ltmp3, $4  }
0x5f: {  	v3 =	vld [tilespmem:s20+$0x10];
	[tilespmem:s21+$0x3870 ss:$0x81] =	vst.msk $0xffff, v0  }
0x60: {  	[tilespmem:s21+$0x810 ss:$0x81] =	vst.msk $0xffff, v5;
	v2 =	vld [tilespmem:s20+$0x20]  }
0x61: {  	v1 =	vld [tilespmem:s20+$0xFFFFFFC0];
	[tilespmem:s21+$0x1020 ss:$0x81] =	vst.msk $0xffff, v6;
	s20 =	sadd.s32 $0x80, s20  }
0x62: {  	s24 =	sadd.s32 $0x4, s24;
	v0 =	vld [tilespmem:s20+$0x30];
	[tilespmem:s21+$0x1830 ss:$0x81] =	vst.msk $0xffff, v7  }
.Ltmp4:
0x63: {  	_ = 	snop;
	(pc) =	sbr.rel .LBB1_4-.Ltmp4, $1  }
0x64: {  	_ =	sdelay $0x3  }
.LBB1_6:
0x65: {  	_ =	sfence.sel $0x180000  }
0x66: {  	s2 =	simm.s32 $0x1;
	[bflag:$0x0] =	sbarrier.arrive $0xFFFF  }
0x67: {  	s31 =	simm.s32 $0x2;
	[sflag:s2] =	ssyncpa.u1 $0x1  }
0x68: {  	[sflag:s31] =	ssyncpa.u1 $0x1  }
0x69: {  	p0 =	sne.s32 s0, $0x0;
	_ =	strace $0x9000004A  }
0x6a: {  	s0 =	sadd.s32 @!p0 $0x100000, s1;
	[bflag:$0x2] =	sbarrier.arrive $0xFFFF  }
0x6b: {  	[sflag:s0] =	ssyncadd.tile.s32 @!p0 $0x1;
	_ =	shalt  }
.Lfunc_end1:
_tile_overlayer_lowered:
.L_overlay_start_2:
0x6c: {  	(tag) =	ssettag $0x2  }
0x6d: {  	s0 =	rddreg [dreg:$0x0];
	s2 =	stileid.u32  }
0x6e: {  	s1 =	rddreg [dreg:$0x1];
	p0 =	sne.s32 s2, $0x0  }
0x6f: {  	s3 =	rddreg [dreg:$0x2];
	[bflag:$0x3] =	sbarrier.arrive $0xFFFF;
	s2 =	simm.s32 @!p0 $0x1C01  }
0x70: {  	[timem:s3], [sflag:s2] =	dma.local @!p0 [hbm:s0], s1  }
0x71: {  	s0 =	simm.s32 @!p0 $0x1  }
0x72: {  	_ =	swait.ge @!p0 [sflag:s0], s1  }
0x73: {  	s1 =	ssub.s32 @!p0 $0x0, s1;
	[sflag:s0] =	ssyncset.done @!p0 $0x0  }
0x74: {  	[sflag:s0] =	ssyncadd.s32 @!p0 s1  }
0x75: {  	[bflag:$0x3] =	sbarrier.arrive $0xFFFF  }
0x76: {  	_ =	shalt  }

</sc_bundles>
